<compile_context>
chip_gen: v7x
topology: tpu7x:2x2x1
jax: 0.10.2.dev20260603
libtpu: 0.0.44.dev20260713+nightly
codegen_flags: <defaults>
</compile_context>

<pallas_src>
import functools

import jax
import jax.numpy as jnp
from jax import lax
from jax.experimental import pallas as pl
from jax.experimental.pallas import tpu as pltpu
from jax.experimental.pallas import tpu_sc as plsc

_NC = 2
_NS = 16
_NW = _NC * _NS
_R = 32


def _sc_body(x_ref, cls_ref, pos_ref, out_ref,
             xbufs, posbufs, pidx, oidx, cbuf, pcls, cidx,
             in_sems, out_sems, pos_sems, csem,
             *, batch, seq_len, d, r):
    c = lax.axis_index("c")
    s = lax.axis_index("s")
    wid = s * _NC + c
    rows_pw = seq_len // _NW
    chunks_pb = rows_pw // r
    total = chunks_pb * batch

    iota16 = lax.iota(jnp.int32, 16)

    def fill_idx(idx, slot, base):
        for q in range(r // 16):
            idx[slot, pl.ds(q * 16, 16)] = iota16 + (base + q * 16)

    def start_pos(j):
        pslot = lax.rem(j, 2)
        base = 1 + wid * rows_pw + j * r
        fill_idx(pidx, pslot, base)
        pltpu.async_copy(
            pos_ref.at[pidx.at[pslot]], posbufs.at[pslot], pos_sems.at[pslot]
        )

    def wait_pos(j):
        pslot = lax.rem(j, 2)
        pltpu.make_async_copy(
            pos_ref.at[pl.ds(0, r), :], posbufs.at[pslot], pos_sems.at[pslot]
        ).wait()

    def start_in(i):
        j, b = i // batch, i % batch
        slot = lax.rem(i, 2)
        x_row0 = b * seq_len + wid * rows_pw + j * r
        pltpu.async_copy(
            x_ref.at[pl.ds(x_row0, r), :], xbufs.at[slot], in_sems.at[slot]
        )

    def wait_in(i):
        slot = lax.rem(i, 2)
        pltpu.make_async_copy(
            x_ref.at[pl.ds(0, r), :], xbufs.at[slot], in_sems.at[slot]
        ).wait()

    def start_out(i):
        j, b = i // batch, i % batch
        slot = lax.rem(i, 2)
        base = b * (seq_len + 1) + 1 + wid * rows_pw + j * r
        fill_idx(oidx, slot, base)
        pltpu.async_copy(
            xbufs.at[slot], out_ref.at[oidx.at[slot]], out_sems.at[slot]
        )

    def wait_out(i):
        slot = lax.rem(i, 2)
        pltpu.make_async_copy(
            x_ref.at[pl.ds(0, r), :], xbufs.at[slot], out_sems.at[slot]
        ).wait()

    def tec_add(i):
        slot = lax.rem(i, 2)
        pslot = lax.rem(i // batch, 2)

        def row_body(row, _):
            for q in range(d // 16):
                sl = pl.ds(q * 16, 16)
                xbufs[slot, row, sl] = xbufs[slot, row, sl] + posbufs[pslot, row, sl]
            return ()

        lax.fori_loop(0, r, row_body, ())

    @pl.when(wid == 0)
    def _():
        cidx[...] = iota16 * 0
        pltpu.async_copy(cls_ref.at[cidx], cbuf, csem).wait()
        pltpu.async_copy(pos_ref.at[cidx], pcls, csem).wait()

        def crow_body(row, _):
            for q in range(d // 16):
                sl = pl.ds(q * 16, 16)
                cbuf[row, sl] = cbuf[row, sl] + pcls[row, sl]
            return ()

        lax.fori_loop(0, 16, crow_body, ())
        cidx[...] = (iota16 & 3) * (seq_len + 1)
        pltpu.async_copy(cbuf, out_ref.at[cidx], csem)

    start_pos(0)
    start_in(0)

    def step(i, _):
        j, b = i // batch, i % batch

        @pl.when(b == 0)
        def _():
            wait_pos(j)

            @pl.when(j + 1 < chunks_pb)
            def _():
                start_pos(j + 1)

        @pl.when(i + 1 < total)
        def _():
            @pl.when(i >= 1)
            def _():
                wait_out(i - 1)

            start_in(i + 1)

        wait_in(i)
        tec_add(i)
        start_out(i)
        return ()

    lax.fori_loop(0, total, step, ())
    wait_out(total - 1)
    wait_out(total - 2)

    @pl.when(wid == 0)
    def _():
        pltpu.make_async_copy(cbuf, out_ref.at[cidx], csem).wait()


def kernel(x, cls_token, pos_table):
    batch, seq_len, d = x.shape
    r = _R

    mesh = plsc.VectorSubcoreMesh(
        core_axis_name="c", subcore_axis_name="s",
        num_cores=_NC, num_subcores=_NS,
    )
    sc_fn = pl.kernel(
        functools.partial(_sc_body, batch=batch, seq_len=seq_len, d=d, r=r),
        out_type=jax.ShapeDtypeStruct((batch * (seq_len + 1), d), x.dtype),
        mesh=mesh,
        scratch_types=[
            pltpu.VMEM((2, r, d), x.dtype),
            pltpu.VMEM((2, r, d), x.dtype),
            pltpu.VMEM((2, r), jnp.int32),
            pltpu.VMEM((2, r), jnp.int32),
            pltpu.VMEM((16, d), x.dtype),
            pltpu.VMEM((16, d), x.dtype),
            pltpu.VMEM((16,), jnp.int32),
            pltpu.SemaphoreType.DMA((2,)),
            pltpu.SemaphoreType.DMA((2,)),
            pltpu.SemaphoreType.DMA((2,)),
            pltpu.SemaphoreType.DMA,
        ],
    )
    out = sc_fn(
        x.reshape(batch * seq_len, d),
        cls_token.reshape(1, d),
        pos_table,
    )
    return out.reshape(batch, seq_len + 1, d)

# --- scband reference (transcript-rebuilt; emitter-appended) ---
"""Pipeline reference for scband-positional-embedding-80753975099774 (READ-ONLY COPY).

The authoritative reference and input builder live on the scoring server;
editing this copy changes nothing except your own understanding.
"""

import jax, jax.numpy as jnp
import numpy as np

D_MODEL = 768
SEQ_LEN = 8192
BATCH = 4

def setup_inputs(seed: int = 0) -> dict:
    key = jax.random.key(seed)
    k1, k2, k3 = jax.random.split(key, 3)
    x = jax.random.normal(k1, (BATCH, SEQ_LEN, D_MODEL), dtype=jnp.float32)
    initrange = 0.1
    cls_token = jax.random.uniform(k2, (1, 1, D_MODEL), minval=-initrange, maxval=initrange, dtype=jnp.float32)
    pos_table = jax.random.uniform(k3, (SEQ_LEN + 1, D_MODEL), minval=-initrange, maxval=initrange, dtype=jnp.float32)
    return {"x": x, "cls_token": cls_token, "pos_table": pos_table}

def reference(x, cls_token, pos_table):
    positions = jnp.arange(SEQ_LEN + 1, dtype=jnp.int32)
    cls_tokens = jnp.broadcast_to(cls_token, (x.shape[0], 1, x.shape[2]))
    inputs = jnp.concatenate((cls_tokens, x), axis=1)
    positional_embeddings = jnp.take(pos_table, positions, axis=0)
    inputs = inputs + positional_embeddings[None, :, :]
    return inputs

if __name__ == "__main__":
    import jax
    _d = setup_inputs()
    print(jax.jit(kernel)(*tuple(_d.values())))

</pallas_src>

<mosaic_0001>
#map = affine_map<(d0, d1) -> (0, 0)>
module attributes {stable_mosaic.version = 14 : i64} {
  func.func @_sc_body(%arg0: i32, %arg1: i32, %arg2: memref<32768x768xf32, #tpu.memory_space<hbm>>, %arg3: memref<1x768xf32, #tpu.memory_space<hbm>>, %arg4: memref<8193x768xf32, #tpu.memory_space<hbm>>, %arg5: memref<32772x768xf32, #tpu.memory_space<hbm>>, %arg6: memref<2x32x768xf32, #tpu.memory_space<vmem>>, %arg7: memref<2x32x768xf32, #tpu.memory_space<vmem>>, %arg8: memref<2x32xi32, #tpu.memory_space<vmem>>, %arg9: memref<2x32xi32, #tpu.memory_space<vmem>>, %arg10: memref<16x768xf32, #tpu.memory_space<vmem>>, %arg11: memref<16x768xf32, #tpu.memory_space<vmem>>, %arg12: memref<16xi32, #tpu.memory_space<vmem>>, %arg13: memref<2x!tpu.dma_semaphore, #tpu.memory_space<semaphore_mem>>, %arg14: memref<2x!tpu.dma_semaphore, #tpu.memory_space<semaphore_mem>>, %arg15: memref<2x!tpu.dma_semaphore, #tpu.memory_space<semaphore_mem>>, %arg16: memref<!tpu.dma_semaphore, #tpu.memory_space<semaphore_mem>>) attributes {dimension_semantics = [#tpu.dimension_semantics<core_parallel>, #tpu.dimension_semantics<subcore_parallel>], iteration_bounds = array<i64: 2, 16>, scalar_prefetch = 0 : i64, scratch_operands = 11 : i64, tpu.core_type = #tpu.core_type<sc_vector_subcore>, window_params = [{transform_indices = #map}, {transform_indices = #map}, {transform_indices = #map}, {transform_indices = #map}]} {
    %mul3A = arith.constant 2 : i32
    %mul3A_0 = arith.muli %arg1, %mul3A : i32
    %add3A = arith.addi %mul3A_0, %arg0 : i32
    %iota3A = tpu.iota {dimensions = array<i32: 0>} : vector<16xi32>
    %eq3A = arith.constant 0 : i32
    %eq3A_1 = arith.cmpi eq, %add3A, %eq3A : i32
    %convert_element_type3A = arith.extui %eq3A_1 : i1 to i32
    %cond3A = arith.constant 0 : i32
    %cond3A_2 = arith.cmpi ne, %convert_element_type3A, %cond3A : i32
    scf.if %cond3A_2 {
      %mul3A_108 = arith.constant 0 : i32
      %mul3A_109 = vector.broadcast %mul3A_108 : i32 to vector<16xi32>
      %mul3A_110 = arith.muli %iota3A, %mul3A_109 : vector<16xi32>
      %swap3A_111 = arith.constant 0 : index
      %swap3A_112 = tpu.vector_load %arg12[%swap3A_111] {strides = array<i32>} : memref<16xi32, #tpu.memory_space<vmem>>, vector<16xi32>,
      %swap3A_113 = vector.shape_cast %swap3A_112 : vector<16xi32> to vector<16xi32>
      %swap3A_114 = vector.shape_cast %mul3A_110 : vector<16xi32> to vector<16xi32>
      tpu.vector_store %arg12[%swap3A_111], %swap3A_114 {strides = array<i32>} : memref<16xi32, #tpu.memory_space<vmem>>, vector<16xi32>,
      %dma_start3A_115 = arith.constant 0 : i32
      %dma_start3A_116 = arith.constant 0 : i32
      %dma_start3A_117 = tpu.memref_slice %arg3[%dma_start3A_115, %dma_start3A_116] : memref<1x768xf32, #tpu.memory_space<hbm>> -> memref<1x768xf32, #tpu.memory_space<hbm>>
      tpu.enqueue_indirect_dma source(%dma_start3A_117 : memref<1x768xf32, #tpu.memory_space<hbm>>) target(%arg10 : memref<16x768xf32, #tpu.memory_space<vmem>>) offsets(%arg12 : memref<16xi32, #tpu.memory_space<vmem>>) semaphore(%arg16 : memref<!tpu.dma_semaphore, #tpu.memory_space<semaphore_mem>>)
      %dma_wait3A_118 = arith.constant 0 : i32
      %dma_wait3A_119 = arith.constant 0 : i32
      %dma_wait3A_120 = tpu.memref_slice %arg3[%dma_wait3A_118, %dma_wait3A_119] : memref<1x768xf32, #tpu.memory_space<hbm>> -> memref<1x768xf32, #tpu.memory_space<hbm>>
      tpu.wait_indirect_dma semaphore(%arg16 : memref<!tpu.dma_semaphore, #tpu.memory_space<semaphore_mem>>) src(%dma_wait3A_120 : memref<1x768xf32, #tpu.memory_space<hbm>>) dst(%arg10 : memref<16x768xf32, #tpu.memory_space<vmem>>)
      %dma_start3A_121 = arith.constant 0 : i32
      %dma_start3A_122 = arith.constant 0 : i32
      %dma_start3A_123 = tpu.memref_slice %arg4[%dma_start3A_121, %dma_start3A_122] : memref<8193x768xf32, #tpu.memory_space<hbm>> -> memref<8193x768xf32, #tpu.memory_space<hbm>>
      tpu.enqueue_indirect_dma source(%dma_start3A_123 : memref<8193x768xf32, #tpu.memory_space<hbm>>) target(%arg11 : memref<16x768xf32, #tpu.memory_space<vmem>>) offsets(%arg12 : memref<16xi32, #tpu.memory_space<vmem>>) semaphore(%arg16 : memref<!tpu.dma_semaphore, #tpu.memory_space<semaphore_mem>>)
      %dma_wait3A_124 = arith.constant 0 : i32
      %dma_wait3A_125 = arith.constant 0 : i32
      %dma_wait3A_126 = tpu.memref_slice %arg4[%dma_wait3A_124, %dma_wait3A_125] : memref<8193x768xf32, #tpu.memory_space<hbm>> -> memref<8193x768xf32, #tpu.memory_space<hbm>>
      tpu.wait_indirect_dma semaphore(%arg16 : memref<!tpu.dma_semaphore, #tpu.memory_space<semaphore_mem>>) src(%dma_wait3A_126 : memref<8193x768xf32, #tpu.memory_space<hbm>>) dst(%arg11 : memref<16x768xf32, #tpu.memory_space<vmem>>)
      %scan3A_127 = arith.constant 0 : i32
      %scan3A_128 = arith.constant 16 : i32
      %scan3A_129 = arith.addi %scan3A_127, %scan3A_128 : i32
      %scan3A_130 = arith.constant 1 : i32
      scf.for %scan3A_144 = %scan3A_127 to %scan3A_129 step %scan3A_130  : i32 {
        %get3A = arith.index_cast %scan3A_144 : i32 to index
        %get3A_145 = arith.constant 0 : index
        %get3A_146 = tpu.vector_load %arg10[%get3A, %get3A_145] {strides = array<i32>} : memref<16x768xf32, #tpu.memory_space<vmem>>, vector<1x16xf32>,
        %get3A_147 = vector.shape_cast %get3A_146 : vector<1x16xf32> to vector<16xf32>
        %get3A_148 = arith.index_cast %scan3A_144 : i32 to index
        %get3A_149 = arith.constant 0 : index
        %get3A_150 = tpu.vector_load %arg11[%get3A_148, %get3A_149] {strides = array<i32>} : memref<16x768xf32, #tpu.memory_space<vmem>>, vector<1x16xf32>,
        %get3A_151 = vector.shape_cast %get3A_150 : vector<1x16xf32> to vector<16xf32>
        %add3A_152 = arith.addf %get3A_147, %get3A_151 : vector<16xf32>
        %swap3A_153 = arith.index_cast %scan3A_144 : i32 to index
        %swap3A_154 = arith.constant 0 : index
        %swap3A_155 = tpu.vector_load %arg10[%swap3A_153, %swap3A_154] {strides = array<i32>} : memref<16x768xf32, #tpu.memory_space<vmem>>, vector<1x16xf32>,
        %swap3A_156 = vector.shape_cast %swap3A_155 : vector<1x16xf32> to vector<16xf32>
        %swap3A_157 = vector.shape_cast %add3A_152 : vector<16xf32> to vector<1x16xf32>
        tpu.vector_store %arg10[%swap3A_153, %swap3A_154], %swap3A_157 {strides = array<i32>} : memref<16x768xf32, #tpu.memory_space<vmem>>, vector<1x16xf32>,
        %get3A_158 = arith.index_cast %scan3A_144 : i32 to index
        %get3A_159 = arith.constant 16 : index
        %get3A_160 = tpu.vector_load %arg10[%get3A_158, %get3A_159] {strides = array<i32>} : memref<16x768xf32, #tpu.memory_space<vmem>>, vector<1x16xf32>,
        %get3A_161 = vector.shape_cast %get3A_160 : vector<1x16xf32> to vector<16xf32>
        %get3A_162 = arith.index_cast %scan3A_144 : i32 to index
        %get3A_163 = arith.constant 16 : index
        %get3A_164 = tpu.vector_load %arg11[%get3A_162, %get3A_163] {strides = array<i32>} : memref<16x768xf32, #tpu.memory_space<vmem>>, vector<1x16xf32>,
        %get3A_165 = vector.shape_cast %get3A_164 : vector<1x16xf32> to vector<16xf32>
        %add3A_166 = arith.addf %get3A_161, %get3A_165 : vector<16xf32>
        %swap3A_167 = arith.index_cast %scan3A_144 : i32 to index
        %swap3A_168 = arith.constant 16 : index
        %swap3A_169 = tpu.vector_load %arg10[%swap3A_167, %swap3A_168] {strides = array<i32>} : memref<16x768xf32, #tpu.memory_space<vmem>>, vector<1x16xf32>,
        %swap3A_170 = vector.shape_cast %swap3A_169 : vector<1x16xf32> to vector<16xf32>
        %swap3A_171 = vector.shape_cast %add3A_166 : vector<16xf32> to vector<1x16xf32>
        tpu.vector_store %arg10[%swap3A_167, %swap3A_168], %swap3A_171 {strides = array<i32>} : memref<16x768xf32, #tpu.memory_space<vmem>>, vector<1x16xf32>,
        %get3A_172 = arith.index_cast %scan3A_144 : i32 to index
        %get3A_173 = arith.constant 32 : index
        %get3A_174 = tpu.vector_load %arg10[%get3A_172, %get3A_173] {strides = array<i32>} : memref<16x768xf32, #tpu.memory_space<vmem>>, vector<1x16xf32>,
        %get3A_175 = vector.shape_cast %get3A_174 : vector<1x16xf32> to vector<16xf32>
        %get3A_176 = arith.index_cast %scan3A_144 : i32 to index
        %get3A_177 = arith.constant 32 : index
        %get3A_178 = tpu.vector_load %arg11[%get3A_176, %get3A_177] {strides = array<i32>} : memref<16x768xf32, #tpu.memory_space<vmem>>, vector<1x16xf32>,
        %get3A_179 = vector.shape_cast %get3A_178 : vector<1x16xf32> to vector<16xf32>
        %add3A_180 = arith.addf %get3A_175, %get3A_179 : vector<16xf32>
        %swap3A_181 = arith.index_cast %scan3A_144 : i32 to index
        %swap3A_182 = arith.constant 32 : index
        %swap3A_183 = tpu.vector_load %arg10[%swap3A_181, %swap3A_182] {strides = array<i32>} : memref<16x768xf32, #tpu.memory_space<vmem>>, vector<1x16xf32>,
        %swap3A_184 = vector.shape_cast %swap3A_183 : vector<1x16xf32> to vector<16xf32>
        %swap3A_185 = vector.shape_cast %add3A_180 : vector<16xf32> to vector<1x16xf32>
        tpu.vector_store %arg10[%swap3A_181, %swap3A_182], %swap3A_185 {strides = array<i32>} : memref<16x768xf32, #tpu.memory_space<vmem>>, vector<1x16xf32>,
        %get3A_186 = arith.index_cast %scan3A_144 : i32 to index
        %get3A_187 = arith.constant 48 : index
        %get3A_188 = tpu.vector_load %arg10[%get3A_186, %get3A_187] {strides = array<i32>} : memref<16x768xf32, #tpu.memory_space<vmem>>, vector<1x16xf32>,
        %get3A_189 = vector.shape_cast %get3A_188 : vector<1x16xf32> to vector<16xf32>
        %get3A_190 = arith.index_cast %scan3A_144 : i32 to index
        %get3A_191 = arith.constant 48 : index
        %get3A_192 = tpu.vector_load %arg11[%get3A_190, %get3A_191] {strides = array<i32>} : memref<16x768xf32, #tpu.memory_space<vmem>>, vector<1x16xf32>,
        %get3A_193 = vector.shape_cast %get3A_192 : vector<1x16xf32> to vector<16xf32>
        %add3A_194 = arith.addf %get3A_189, %get3A_193 : vector<16xf32>
        %swap3A_195 = arith.index_cast %scan3A_144 : i32 to index
        %swap3A_196 = arith.constant 48 : index
        %swap3A_197 = tpu.vector_load %arg10[%swap3A_195, %swap3A_196] {strides = array<i32>} : memref<16x768xf32, #tpu.memory_space<vmem>>, vector<1x16xf32>,
        %swap3A_198 = vector.shape_cast %swap3A_197 : vector<1x16xf32> to vector<16xf32>
        %swap3A_199 = vector.shape_cast %add3A_194 : vector<16xf32> to vector<1x16xf32>
        tpu.vector_store %arg10[%swap3A_195, %swap3A_196], %swap3A_199 {strides = array<i32>} : memref<16x768xf32, #tpu.memory_space<vmem>>, vector<1x16xf32>,
        %get3A_200 = arith.index_cast %scan3A_144 : i32 to index
        %get3A_201 = arith.constant 64 : index
        %get3A_202 = tpu.vector_load %arg10[%get3A_200, %get3A_201] {strides = array<i32>} : memref<16x768xf32, #tpu.memory_space<vmem>>, vector<1x16xf32>,
        %get3A_203 = vector.shape_cast %get3A_202 : vector<1x16xf32> to vector<16xf32>
        %get3A_204 = arith.index_cast %scan3A_144 : i32 to index
        %get3A_205 = arith.constant 64 : index
        %get3A_206 = tpu.vector_load %arg11[%get3A_204, %get3A_205] {strides = array<i32>} : memref<16x768xf32, #tpu.memory_space<vmem>>, vector<1x16xf32>,
        %get3A_207 = vector.shape_cast %get3A_206 : vector<1x16xf32> to vector<16xf32>
        %add3A_208 = arith.addf %get3A_203, %get3A_207 : vector<16xf32>
        %swap3A_209 = arith.index_cast %scan3A_144 : i32 to index
        %swap3A_210 = arith.constant 64 : index
        %swap3A_211 = tpu.vector_load %arg10[%swap3A_209, %swap3A_210] {strides = array<i32>} : memref<16x768xf32, #tpu.memory_space<vmem>>, vector<1x16xf32>,
        %swap3A_212 = vector.shape_cast %swap3A_211 : vector<1x16xf32> to vector<16xf32>
        %swap3A_213 = vector.shape_cast %add3A_208 : vector<16xf32> to vector<1x16xf32>
        tpu.vector_store %arg10[%swap3A_209, %swap3A_210], %swap3A_213 {strides = array<i32>} : memref<16x768xf32, #tpu.memory_space<vmem>>, vector<1x16xf32>,
        %get3A_214 = arith.index_cast %scan3A_144 : i32 to index
        %get3A_215 = arith.constant 80 : index
        %get3A_216 = tpu.vector_load %arg10[%get3A_214, %get3A_215] {strides = array<i32>} : memref<16x768xf32, #tpu.memory_space<vmem>>, vector<1x16xf32>,
        %get3A_217 = vector.shape_cast %get3A_216 : vector<1x16xf32> to vector<16xf32>
        %get3A_218 = arith.index_cast %scan3A_144 : i32 to index
        %get3A_219 = arith.constant 80 : index
        %get3A_220 = tpu.vector_load %arg11[%get3A_218, %get3A_219] {strides = array<i32>} : memref<16x768xf32, #tpu.memory_space<vmem>>, vector<1x16xf32>,
        %get3A_221 = vector.shape_cast %get3A_220 : vector<1x16xf32> to vector<16xf32>
        %add3A_222 = arith.addf %get3A_217, %get3A_221 : vector<16xf32>
        %swap3A_223 = arith.index_cast %scan3A_144 : i32 to index
        %swap3A_224 = arith.constant 80 : index
        %swap3A_225 = tpu.vector_load %arg10[%swap3A_223, %swap3A_224] {strides = array<i32>} : memref<16x768xf32, #tpu.memory_space<vmem>>, vector<1x16xf32>,
        %swap3A_226 = vector.shape_cast %swap3A_225 : vector<1x16xf32> to vector<16xf32>
        %swap3A_227 = vector.shape_cast %add3A_222 : vector<16xf32> to vector<1x16xf32>
        tpu.vector_store %arg10[%swap3A_223, %swap3A_224], %swap3A_227 {strides = array<i32>} : memref<16x768xf32, #tpu.memory_space<vmem>>, vector<1x16xf32>,
        %get3A_228 = arith.index_cast %scan3A_144 : i32 to index
        %get3A_229 = arith.constant 96 : index
        %get3A_230 = tpu.vector_load %arg10[%get3A_228, %get3A_229] {strides = array<i32>} : memref<16x768xf32, #tpu.memory_space<vmem>>, vector<1x16xf32>,
        %get3A_231 = vector.shape_cast %get3A_230 : vector<1x16xf32> to vector<16xf32>
        %get3A_232 = arith.index_cast %scan3A_144 : i32 to index
        %get3A_233 = arith.constant 96 : index
        %get3A_234 = tpu.vector_load %arg11[%get3A_232, %get3A_233] {strides = array<i32>} : memref<16x768xf32, #tpu.memory_space<vmem>>, vector<1x16xf32>,
        %get3A_235 = vector.shape_cast %get3A_234 : vector<1x16xf32> to vector<16xf32>
        %add3A_236 = arith.addf %get3A_231, %get3A_235 : vector<16xf32>
        %swap3A_237 = arith.index_cast %scan3A_144 : i32 to index
        %swap3A_238 = arith.constant 96 : index
        %swap3A_239 = tpu.vector_load %arg10[%swap3A_237, %swap3A_238] {strides = array<i32>} : memref<16x768xf32, #tpu.memory_space<vmem>>, vector<1x16xf32>,
        %swap3A_240 = vector.shape_cast %swap3A_239 : vector<1x16xf32> to vector<16xf32>
        %swap3A_241 = vector.shape_cast %add3A_236 : vector<16xf32> to vector<1x16xf32>
        tpu.vector_store %arg10[%swap3A_237, %swap3A_238], %swap3A_241 {strides = array<i32>} : memref<16x768xf32, #tpu.memory_space<vmem>>, vector<1x16xf32>,
        %get3A_242 = arith.index_cast %scan3A_144 : i32 to index
        %get3A_243 = arith.constant 112 : index
        %get3A_244 = tpu.vector_load %arg10[%get3A_242, %get3A_243] {strides = array<i32>} : memref<16x768xf32, #tpu.memory_space<vmem>>, vector<1x16xf32>,
        %get3A_245 = vector.shape_cast %get3A_244 : vector<1x16xf32> to vector<16xf32>
        %get3A_246 = arith.index_cast %scan3A_144 : i32 to index
        %get3A_247 = arith.constant 112 : index
        %get3A_248 = tpu.vector_load %arg11[%get3A_246, %get3A_247] {strides = array<i32>} : memref<16x768xf32, #tpu.memory_space<vmem>>, vector<1x16xf32>,
        %get3A_249 = vector.shape_cast %get3A_248 : vector<1x16xf32> to vector<16xf32>
        %add3A_250 = arith.addf %get3A_245, %get3A_249 : vector<16xf32>
        %swap3A_251 = arith.index_cast %scan3A_144 : i32 to index
        %swap3A_252 = arith.constant 112 : index
        %swap3A_253 = tpu.vector_load %arg10[%swap3A_251, %swap3A_252] {strides = array<i32>} : memref<16x768xf32, #tpu.memory_space<vmem>>, vector<1x16xf32>,
        %swap3A_254 = vector.shape_cast %swap3A_253 : vector<1x16xf32> to vector<16xf32>
        %swap3A_255 = vector.shape_cast %add3A_250 : vector<16xf32> to vector<1x16xf32>
        tpu.vector_store %arg10[%swap3A_251, %swap3A_252], %swap3A_255 {strides = array<i32>} : memref<16x768xf32, #tpu.memory_space<vmem>>, vector<1x16xf32>,
        %get3A_256 = arith.index_cast %scan3A_144 : i32 to index
        %get3A_257 = arith.constant 128 : index
        %get3A_258 = tpu.vector_load %arg10[%get3A_256, %get3A_257] {strides = array<i32>} : memref<16x768xf32, #tpu.memory_space<vmem>>, vector<1x16xf32>,
        %get3A_259 = vector.shape_cast %get3A_258 : vector<1x16xf32> to vector<16xf32>
        %get3A_260 = arith.index_cast %scan3A_144 : i32 to index
        %get3A_261 = arith.constant 128 : index
        %get3A_262 = tpu.vector_load %arg11[%get3A_260, %get3A_261] {strides = array<i32>} : memref<16x768xf32, #tpu.memory_space<vmem>>, vector<1x16xf32>,
        %get3A_263 = vector.shape_cast %get3A_262 : vector<1x16xf32> to vector<16xf32>
        %add3A_264 = arith.addf %get3A_259, %get3A_263 : vector<16xf32>
        %swap3A_265 = arith.index_cast %scan3A_144 : i32 to index
        %swap3A_266 = arith.constant 128 : index
        %swap3A_267 = tpu.vector_load %arg10[%swap3A_265, %swap3A_266] {strides = array<i32>} : memref<16x768xf32, #tpu.memory_space<vmem>>, vector<1x16xf32>,
        %swap3A_268 = vector.shape_cast %swap3A_267 : vector<1x16xf32> to vector<16xf32>
        %swap3A_269 = vector.shape_cast %add3A_264 : vector<16xf32> to vector<1x16xf32>
        tpu.vector_store %arg10[%swap3A_265, %swap3A_266], %swap3A_269 {strides = array<i32>} : memref<16x768xf32, #tpu.memory_space<vmem>>, vector<1x16xf32>,
        %get3A_270 = arith.index_cast %scan3A_144 : i32 to index
        %get3A_271 = arith.constant 144 : index
        %get3A_272 = tpu.vector_load %arg10[%get3A_270, %get3A_271] {strides = array<i32>} : memref<16x768xf32, #tpu.memory_space<vmem>>, vector<1x16xf32>,
        %get3A_273 = vector.shape_cast %get3A_272 : vector<1x16xf32> to vector<16xf32>
        %get3A_274 = arith.index_cast %scan3A_144 : i32 to index
        %get3A_275 = arith.constant 144 : index
        %get3A_276 = tpu.vector_load %arg11[%get3A_274, %get3A_275] {strides = array<i32>} : memref<16x768xf32, #tpu.memory_space<vmem>>, vector<1x16xf32>,
        %get3A_277 = vector.shape_cast %get3A_276 : vector<1x16xf32> to vector<16xf32>
        %add3A_278 = arith.addf %get3A_273, %get3A_277 : vector<16xf32>
        %swap3A_279 = arith.index_cast %scan3A_144 : i32 to index
        %swap3A_280 = arith.constant 144 : index
        %swap3A_281 = tpu.vector_load %arg10[%swap3A_279, %swap3A_280] {strides = array<i32>} : memref<16x768xf32, #tpu.memory_space<vmem>>, vector<1x16xf32>,
        %swap3A_282 = vector.shape_cast %swap3A_281 : vector<1x16xf32> to vector<16xf32>
        %swap3A_283 = vector.shape_cast %add3A_278 : vector<16xf32> to vector<1x16xf32>
        tpu.vector_store %arg10[%swap3A_279, %swap3A_280], %swap3A_283 {strides = array<i32>} : memref<16x768xf32, #tpu.memory_space<vmem>>, vector<1x16xf32>,
        %get3A_284 = arith.index_cast %scan3A_144 : i32 to index
        %get3A_285 = arith.constant 160 : index
        %get3A_286 = tpu.vector_load %arg10[%get3A_284, %get3A_285] {strides = array<i32>} : memref<16x768xf32, #tpu.memory_space<vmem>>, vector<1x16xf32>,
        %get3A_287 = vector.shape_cast %get3A_286 : vector<1x16xf32> to vector<16xf32>
        %get3A_288 = arith.index_cast %scan3A_144 : i32 to index
        %get3A_289 = arith.constant 160 : index
        %get3A_290 = tpu.vector_load %arg11[%get3A_288, %get3A_289] {strides = array<i32>} : memref<16x768xf32, #tpu.memory_space<vmem>>, vector<1x16xf32>,
        %get3A_291 = vector.shape_cast %get3A_290 : vector<1x16xf32> to vector<16xf32>
        %add3A_292 = arith.addf %get3A_287, %get3A_291 : vector<16xf32>
        %swap3A_293 = arith.index_cast %scan3A_144 : i32 to index
        %swap3A_294 = arith.constant 160 : index
        %swap3A_295 = tpu.vector_load %arg10[%swap3A_293, %swap3A_294] {strides = array<i32>} : memref<16x768xf32, #tpu.memory_space<vmem>>, vector<1x16xf32>,
        %swap3A_296 = vector.shape_cast %swap3A_295 : vector<1x16xf32> to vector<16xf32>
        %swap3A_297 = vector.shape_cast %add3A_292 : vector<16xf32> to vector<1x16xf32>
        tpu.vector_store %arg10[%swap3A_293, %swap3A_294], %swap3A_297 {strides = array<i32>} : memref<16x768xf32, #tpu.memory_space<vmem>>, vector<1x16xf32>,
        %get3A_298 = arith.index_cast %scan3A_144 : i32 to index
        %get3A_299 = arith.constant 176 : index
        %get3A_300 = tpu.vector_load %arg10[%get3A_298, %get3A_299] {strides = array<i32>} : memref<16x768xf32, #tpu.memory_space<vmem>>, vector<1x16xf32>,
        %get3A_301 = vector.shape_cast %get3A_300 : vector<1x16xf32> to vector<16xf32>
        %get3A_302 = arith.index_cast %scan3A_144 : i32 to index
        %get3A_303 = arith.constant 176 : index
        %get3A_304 = tpu.vector_load %arg11[%get3A_302, %get3A_303] {strides = array<i32>} : memref<16x768xf32, #tpu.memory_space<vmem>>, vector<1x16xf32>,
        %get3A_305 = vector.shape_cast %get3A_304 : vector<1x16xf32> to vector<16xf32>
        %add3A_306 = arith.addf %get3A_301, %get3A_305 : vector<16xf32>
        %swap3A_307 = arith.index_cast %scan3A_144 : i32 to index
        %swap3A_308 = arith.constant 176 : index
        %swap3A_309 = tpu.vector_load %arg10[%swap3A_307, %swap3A_308] {strides = array<i32>} : memref<16x768xf32, #tpu.memory_space<vmem>>, vector<1x16xf32>,
        %swap3A_310 = vector.shape_cast %swap3A_309 : vector<1x16xf32> to vector<16xf32>
        %swap3A_311 = vector.shape_cast %add3A_306 : vector<16xf32> to vector<1x16xf32>
        tpu.vector_store %arg10[%swap3A_307, %swap3A_308], %swap3A_311 {strides = array<i32>} : memref<16x768xf32, #tpu.memory_space<vmem>>, vector<1x16xf32>,
        %get3A_312 = arith.index_cast %scan3A_144 : i32 to index
        %get3A_313 = arith.constant 192 : index
        %get3A_314 = tpu.vector_load %arg10[%get3A_312, %get3A_313] {strides = array<i32>} : memref<16x768xf32, #tpu.memory_space<vmem>>, vector<1x16xf32>,
        %get3A_315 = vector.shape_cast %get3A_314 : vector<1x16xf32> to vector<16xf32>
        %get3A_316 = arith.index_cast %scan3A_144 : i32 to index
        %get3A_317 = arith.constant 192 : index
        %get3A_318 = tpu.vector_load %arg11[%get3A_316, %get3A_317] {strides = array<i32>} : memref<16x768xf32, #tpu.memory_space<vmem>>, vector<1x16xf32>,
        %get3A_319 = vector.shape_cast %get3A_318 : vector<1x16xf32> to vector<16xf32>
        %add3A_320 = arith.addf %get3A_315, %get3A_319 : vector<16xf32>
        %swap3A_321 = arith.index_cast %scan3A_144 : i32 to index
        %swap3A_322 = arith.constant 192 : index
        %swap3A_323 = tpu.vector_load %arg10[%swap3A_321, %swap3A_322] {strides = array<i32>} : memref<16x768xf32, #tpu.memory_space<vmem>>, vector<1x16xf32>,
        %swap3A_324 = vector.shape_cast %swap3A_323 : vector<1x16xf32> to vector<16xf32>
        %swap3A_325 = vector.shape_cast %add3A_320 : vector<16xf32> to vector<1x16xf32>
        tpu.vector_store %arg10[%swap3A_321, %swap3A_322], %swap3A_325 {strides = array<i32>} : memref<16x768xf32, #tpu.memory_space<vmem>>, vector<1x16xf32>,
        %get3A_326 = arith.index_cast %scan3A_144 : i32 to index
        %get3A_327 = arith.constant 208 : index
        %get3A_328 = tpu.vector_load %arg10[%get3A_326, %get3A_327] {strides = array<i32>} : memref<16x768xf32, #tpu.memory_space<vmem>>, vector<1x16xf32>,
        %get3A_329 = vector.shape_cast %get3A_328 : vector<1x16xf32> to vector<16xf32>
        %get3A_330 = arith.index_cast %scan3A_144 : i32 to index
        %get3A_331 = arith.constant 208 : index
        %get3A_332 = tpu.vector_load %arg11[%get3A_330, %get3A_331] {strides = array<i32>} : memref<16x768xf32, #tpu.memory_space<vmem>>, vector<1x16xf32>,
        %get3A_333 = vector.shape_cast %get3A_332 : vector<1x16xf32> to vector<16xf32>
        %add3A_334 = arith.addf %get3A_329, %get3A_333 : vector<16xf32>
        %swap3A_335 = arith.index_cast %scan3A_144 : i32 to index
        %swap3A_336 = arith.constant 208 : index
        %swap3A_337 = tpu.vector_load %arg10[%swap3A_335, %swap3A_336] {strides = array<i32>} : memref<16x768xf32, #tpu.memory_space<vmem>>, vector<1x16xf32>,
        %swap3A_338 = vector.shape_cast %swap3A_337 : vector<1x16xf32> to vector<16xf32>
        %swap3A_339 = vector.shape_cast %add3A_334 : vector<16xf32> to vector<1x16xf32>
        tpu.vector_store %arg10[%swap3A_335, %swap3A_336], %swap3A_339 {strides = array<i32>} : memref<16x768xf32, #tpu.memory_space<vmem>>, vector<1x16xf32>,
        %get3A_340 = arith.index_cast %scan3A_144 : i32 to index
        %get3A_341 = arith.constant 224 : index
        %get3A_342 = tpu.vector_load %arg10[%get3A_340, %get3A_341] {strides = array<i32>} : memref<16x768xf32, #tpu.memory_space<vmem>>, vector<1x16xf32>,
        %get3A_343 = vector.shape_cast %get3A_342 : vector<1x16xf32> to vector<16xf32>
        %get3A_344 = arith.index_cast %scan3A_144 : i32 to index
        %get3A_345 = arith.constant 224 : index
        %get3A_346 = tpu.vector_load %arg11[%get3A_344, %get3A_345] {strides = array<i32>} : memref<16x768xf32, #tpu.memory_space<vmem>>, vector<1x16xf32>,
        %get3A_347 = vector.shape_cast %get3A_346 : vector<1x16xf32> to vector<16xf32>
        %add3A_348 = arith.addf %get3A_343, %get3A_347 : vector<16xf32>
        %swap3A_349 = arith.index_cast %scan3A_144 : i32 to index
        %swap3A_350 = arith.constant 224 : index
        %swap3A_351 = tpu.vector_load %arg10[%swap3A_349, %swap3A_350] {strides = array<i32>} : memref<16x768xf32, #tpu.memory_space<vmem>>, vector<1x16xf32>,
        %swap3A_352 = vector.shape_cast %swap3A_351 : vector<1x16xf32> to vector<16xf32>
        %swap3A_353 = vector.shape_cast %add3A_348 : vector<16xf32> to vector<1x16xf32>
        tpu.vector_store %arg10[%swap3A_349, %swap3A_350], %swap3A_353 {strides = array<i32>} : memref<16x768xf32, #tpu.memory_space<vmem>>, vector<1x16xf32>,
        %get3A_354 = arith.index_cast %scan3A_144 : i32 to index
        %get3A_355 = arith.constant 240 : index
        %get3A_356 = tpu.vector_load %arg10[%get3A_354, %get3A_355] {strides = array<i32>} : memref<16x768xf32, #tpu.memory_space<vmem>>, vector<1x16xf32>,
        %get3A_357 = vector.shape_cast %get3A_356 : vector<1x16xf32> to vector<16xf32>
        %get3A_358 = arith.index_cast %scan3A_144 : i32 to index
        %get3A_359 = arith.constant 240 : index
        %get3A_360 = tpu.vector_load %arg11[%get3A_358, %get3A_359] {strides = array<i32>} : memref<16x768xf32, #tpu.memory_space<vmem>>, vector<1x16xf32>,
        %get3A_361 = vector.shape_cast %get3A_360 : vector<1x16xf32> to vector<16xf32>
        %add3A_362 = arith.addf %get3A_357, %get3A_361 : vector<16xf32>
        %swap3A_363 = arith.index_cast %scan3A_144 : i32 to index
        %swap3A_364 = arith.constant 240 : index
        %swap3A_365 = tpu.vector_load %arg10[%swap3A_363, %swap3A_364] {strides = array<i32>} : memref<16x768xf32, #tpu.memory_space<vmem>>, vector<1x16xf32>,
        %swap3A_366 = vector.shape_cast %swap3A_365 : vector<1x16xf32> to vector<16xf32>
        %swap3A_367 = vector.shape_cast %add3A_362 : vector<16xf32> to vector<1x16xf32>
        tpu.vector_store %arg10[%swap3A_363, %swap3A_364], %swap3A_367 {strides = array<i32>} : memref<16x768xf32, #tpu.memory_space<vmem>>, vector<1x16xf32>,
        %get3A_368 = arith.index_cast %scan3A_144 : i32 to index
        %get3A_369 = arith.constant 256 : index
        %get3A_370 = tpu.vector_load %arg10[%get3A_368, %get3A_369] {strides = array<i32>} : memref<16x768xf32, #tpu.memory_space<vmem>>, vector<1x16xf32>,
        %get3A_371 = vector.shape_cast %get3A_370 : vector<1x16xf32> to vector<16xf32>
        %get3A_372 = arith.index_cast %scan3A_144 : i32 to index
        %get3A_373 = arith.constant 256 : index
        %get3A_374 = tpu.vector_load %arg11[%get3A_372, %get3A_373] {strides = array<i32>} : memref<16x768xf32, #tpu.memory_space<vmem>>, vector<1x16xf32>,
        %get3A_375 = vector.shape_cast %get3A_374 : vector<1x16xf32> to vector<16xf32>
        %add3A_376 = arith.addf %get3A_371, %get3A_375 : vector<16xf32>
        %swap3A_377 = arith.index_cast %scan3A_144 : i32 to index
        %swap3A_378 = arith.constant 256 : index
        %swap3A_379 = tpu.vector_load %arg10[%swap3A_377, %swap3A_378] {strides = array<i32>} : memref<16x768xf32, #tpu.memory_space<vmem>>, vector<1x16xf32>,
        %swap3A_380 = vector.shape_cast %swap3A_379 : vector<1x16xf32> to vector<16xf32>
        %swap3A_381 = vector.shape_cast %add3A_376 : vector<16xf32> to vector<1x16xf32>
        tpu.vector_store %arg10[%swap3A_377, %swap3A_378], %swap3A_381 {strides = array<i32>} : memref<16x768xf32, #tpu.memory_space<vmem>>, vector<1x16xf32>,
        %get3A_382 = arith.index_cast %scan3A_144 : i32 to index
        %get3A_383 = arith.constant 272 : index
        %get3A_384 = tpu.vector_load %arg10[%get3A_382, %get3A_383] {strides = array<i32>} : memref<16x768xf32, #tpu.memory_space<vmem>>, vector<1x16xf32>,
        %get3A_385 = vector.shape_cast %get3A_384 : vector<1x16xf32> to vector<16xf32>
        %get3A_386 = arith.index_cast %scan3A_144 : i32 to index
        %get3A_387 = arith.constant 272 : index
        %get3A_388 = tpu.vector_load %arg11[%get3A_386, %get3A_387] {strides = array<i32>} : memref<16x768xf32, #tpu.memory_space<vmem>>, vector<1x16xf32>,
        %get3A_389 = vector.shape_cast %get3A_388 : vector<1x16xf32> to vector<16xf32>
        %add3A_390 = arith.addf %get3A_385, %get3A_389 : vector<16xf32>
        %swap3A_391 = arith.index_cast %scan3A_144 : i32 to index
        %swap3A_392 = arith.constant 272 : index
        %swap3A_393 = tpu.vector_load %arg10[%swap3A_391, %swap3A_392] {strides = array<i32>} : memref<16x768xf32, #tpu.memory_space<vmem>>, vector<1x16xf32>,
        %swap3A_394 = vector.shape_cast %swap3A_393 : vector<1x16xf32> to vector<16xf32>
        %swap3A_395 = vector.shape_cast %add3A_390 : vector<16xf32> to vector<1x16xf32>
        tpu.vector_store %arg10[%swap3A_391, %swap3A_392], %swap3A_395 {strides = array<i32>} : memref<16x768xf32, #tpu.memory_space<vmem>>, vector<1x16xf32>,
        %get3A_396 = arith.index_cast %scan3A_144 : i32 to index
        %get3A_397 = arith.constant 288 : index
        %get3A_398 = tpu.vector_load %arg10[%get3A_396, %get3A_397] {strides = array<i32>} : memref<16x768xf32, #tpu.memory_space<vmem>>, vector<1x16xf32>,
        %get3A_399 = vector.shape_cast %get3A_398 : vector<1x16xf32> to vector<16xf32>
        %get3A_400 = arith.index_cast %scan3A_144 : i32 to index
        %get3A_401 = arith.constant 288 : index
        %get3A_402 = tpu.vector_load %arg11[%get3A_400, %get3A_401] {strides = array<i32>} : memref<16x768xf32, #tpu.memory_space<vmem>>, vector<1x16xf32>,
        %get3A_403 = vector.shape_cast %get3A_402 : vector<1x16xf32> to vector<16xf32>
        %add3A_404 = arith.addf %get3A_399, %get3A_403 : vector<16xf32>
        %swap3A_405 = arith.index_cast %scan3A_144 : i32 to index
        %swap3A_406 = arith.constant 288 : index
        %swap3A_407 = tpu.vector_load %arg10[%swap3A_405, %swap3A_406] {strides = array<i32>} : memref<16x768xf32, #tpu.memory_space<vmem>>, vector<1x16xf32>,
        %swap3A_408 = vector.shape_cast %swap3A_407 : vector<1x16xf32> to vector<16xf32>
        %swap3A_409 = vector.shape_cast %add3A_404 : vector<16xf32> to vector<1x16xf32>
        tpu.vector_store %arg10[%swap3A_405, %swap3A_406], %swap3A_409 {strides = array<i32>} : memref<16x768xf32, #tpu.memory_space<vmem>>, vector<1x16xf32>,
        %get3A_410 = arith.index_cast %scan3A_144 : i32 to index
        %get3A_411 = arith.constant 304 : index
        %get3A_412 = tpu.vector_load %arg10[%get3A_410, %get3A_411] {strides = array<i32>} : memref<16x768xf32, #tpu.memory_space<vmem>>, vector<1x16xf32>,
        %get3A_413 = vector.shape_cast %get3A_412 : vector<1x16xf32> to vector<16xf32>
        %get3A_414 = arith.index_cast %scan3A_144 : i32 to index
        %get3A_415 = arith.constant 304 : index
        %get3A_416 = tpu.vector_load %arg11[%get3A_414, %get3A_415] {strides = array<i32>} : memref<16x768xf32, #tpu.memory_space<vmem>>, vector<1x16xf32>,
        %get3A_417 = vector.shape_cast %get3A_416 : vector<1x16xf32> to vector<16xf32>
        %add3A_418 = arith.addf %get3A_413, %get3A_417 : vector<16xf32>
        %swap3A_419 = arith.index_cast %scan3A_144 : i32 to index
        %swap3A_420 = arith.constant 304 : index
        %swap3A_421 = tpu.vector_load %arg10[%swap3A_419, %swap3A_420] {strides = array<i32>} : memref<16x768xf32, #tpu.memory_space<vmem>>, vector<1x16xf32>,
        %swap3A_422 = vector.shape_cast %swap3A_421 : vector<1x16xf32> to vector<16xf32>
        %swap3A_423 = vector.shape_cast %add3A_418 : vector<16xf32> to vector<1x16xf32>
        tpu.vector_store %arg10[%swap3A_419, %swap3A_420], %swap3A_423 {strides = array<i32>} : memref<16x768xf32, #tpu.memory_space<vmem>>, vector<1x16xf32>,
        %get3A_424 = arith.index_cast %scan3A_144 : i32 to index
        %get3A_425 = arith.constant 320 : index
        %get3A_426 = tpu.vector_load %arg10[%get3A_424, %get3A_425] {strides = array<i32>} : memref<16x768xf32, #tpu.memory_space<vmem>>, vector<1x16xf32>,
        %get3A_427 = vector.shape_cast %get3A_426 : vector<1x16xf32> to vector<16xf32>
        %get3A_428 = arith.index_cast %scan3A_144 : i32 to index
        %get3A_429 = arith.constant 320 : index
        %get3A_430 = tpu.vector_load %arg11[%get3A_428, %get3A_429] {strides = array<i32>} : memref<16x768xf32, #tpu.memory_space<vmem>>, vector<1x16xf32>,
        %get3A_431 = vector.shape_cast %get3A_430 : vector<1x16xf32> to vector<16xf32>
        %add3A_432 = arith.addf %get3A_427, %get3A_431 : vector<16xf32>
        %swap3A_433 = arith.index_cast %scan3A_144 : i32 to index
        %swap3A_434 = arith.constant 320 : index
        %swap3A_435 = tpu.vector_load %arg10[%swap3A_433, %swap3A_434] {strides = array<i32>} : memref<16x768xf32, #tpu.memory_space<vmem>>, vector<1x16xf32>,
        %swap3A_436 = vector.shape_cast %swap3A_435 : vector<1x16xf32> to vector<16xf32>
        %swap3A_437 = vector.shape_cast %add3A_432 : vector<16xf32> to vector<1x16xf32>
        tpu.vector_store %arg10[%swap3A_433, %swap3A_434], %swap3A_437 {strides = array<i32>} : memref<16x768xf32, #tpu.memory_space<vmem>>, vector<1x16xf32>,
        %get3A_438 = arith.index_cast %scan3A_144 : i32 to index
        %get3A_439 = arith.constant 336 : index
        %get3A_440 = tpu.vector_load %arg10[%get3A_438, %get3A_439] {strides = array<i32>} : memref<16x768xf32, #tpu.memory_space<vmem>>, vector<1x16xf32>,
        %get3A_441 = vector.shape_cast %get3A_440 : vector<1x16xf32> to vector<16xf32>
        %get3A_442 = arith.index_cast %scan3A_144 : i32 to index
        %get3A_443 = arith.constant 336 : index
        %get3A_444 = tpu.vector_load %arg11[%get3A_442, %get3A_443] {strides = array<i32>} : memref<16x768xf32, #tpu.memory_space<vmem>>, vector<1x16xf32>,
        %get3A_445 = vector.shape_cast %get3A_444 : vector<1x16xf32> to vector<16xf32>
        %add3A_446 = arith.addf %get3A_441, %get3A_445 : vector<16xf32>
        %swap3A_447 = arith.index_cast %scan3A_144 : i32 to index
        %swap3A_448 = arith.constant 336 : index
        %swap3A_449 = tpu.vector_load %arg10[%swap3A_447, %swap3A_448] {strides = array<i32>} : memref<16x768xf32, #tpu.memory_space<vmem>>, vector<1x16xf32>,
        %swap3A_450 = vector.shape_cast %swap3A_449 : vector<1x16xf32> to vector<16xf32>
        %swap3A_451 = vector.shape_cast %add3A_446 : vector<16xf32> to vector<1x16xf32>
        tpu.vector_store %arg10[%swap3A_447, %swap3A_448], %swap3A_451 {strides = array<i32>} : memref<16x768xf32, #tpu.memory_space<vmem>>, vector<1x16xf32>,
        %get3A_452 = arith.index_cast %scan3A_144 : i32 to index
        %get3A_453 = arith.constant 352 : index
        %get3A_454 = tpu.vector_load %arg10[%get3A_452, %get3A_453] {strides = array<i32>} : memref<16x768xf32, #tpu.memory_space<vmem>>, vector<1x16xf32>,
        %get3A_455 = vector.shape_cast %get3A_454 : vector<1x16xf32> to vector<16xf32>
        %get3A_456 = arith.index_cast %scan3A_144 : i32 to index
        %get3A_457 = arith.constant 352 : index
        %get3A_458 = tpu.vector_load %arg11[%get3A_456, %get3A_457] {strides = array<i32>} : memref<16x768xf32, #tpu.memory_space<vmem>>, vector<1x16xf32>,
        %get3A_459 = vector.shape_cast %get3A_458 : vector<1x16xf32> to vector<16xf32>
        %add3A_460 = arith.addf %get3A_455, %get3A_459 : vector<16xf32>
        %swap3A_461 = arith.index_cast %scan3A_144 : i32 to index
        %swap3A_462 = arith.constant 352 : index
        %swap3A_463 = tpu.vector_load %arg10[%swap3A_461, %swap3A_462] {strides = array<i32>} : memref<16x768xf32, #tpu.memory_space<vmem>>, vector<1x16xf32>,
        %swap3A_464 = vector.shape_cast %swap3A_463 : vector<1x16xf32> to vector<16xf32>
        %swap3A_465 = vector.shape_cast %add3A_460 : vector<16xf32> to vector<1x16xf32>
        tpu.vector_store %arg10[%swap3A_461, %swap3A_462], %swap3A_465 {strides = array<i32>} : memref<16x768xf32, #tpu.memory_space<vmem>>, vector<1x16xf32>,
        %get3A_466 = arith.index_cast %scan3A_144 : i32 to index
        %get3A_467 = arith.constant 368 : index
        %get3A_468 = tpu.vector_load %arg10[%get3A_466, %get3A_467] {strides = array<i32>} : memref<16x768xf32, #tpu.memory_space<vmem>>, vector<1x16xf32>,
        %get3A_469 = vector.shape_cast %get3A_468 : vector<1x16xf32> to vector<16xf32>
        %get3A_470 = arith.index_cast %scan3A_144 : i32 to index
        %get3A_471 = arith.constant 368 : index
        %get3A_472 = tpu.vector_load %arg11[%get3A_470, %get3A_471] {strides = array<i32>} : memref<16x768xf32, #tpu.memory_space<vmem>>, vector<1x16xf32>,
        %get3A_473 = vector.shape_cast %get3A_472 : vector<1x16xf32> to vector<16xf32>
        %add3A_474 = arith.addf %get3A_469, %get3A_473 : vector<16xf32>
        %swap3A_475 = arith.index_cast %scan3A_144 : i32 to index
        %swap3A_476 = arith.constant 368 : index
        %swap3A_477 = tpu.vector_load %arg10[%swap3A_475, %swap3A_476] {strides = array<i32>} : memref<16x768xf32, #tpu.memory_space<vmem>>, vector<1x16xf32>,
        %swap3A_478 = vector.shape_cast %swap3A_477 : vector<1x16xf32> to vector<16xf32>
        %swap3A_479 = vector.shape_cast %add3A_474 : vector<16xf32> to vector<1x16xf32>
        tpu.vector_store %arg10[%swap3A_475, %swap3A_476], %swap3A_479 {strides = array<i32>} : memref<16x768xf32, #tpu.memory_space<vmem>>, vector<1x16xf32>,
        %get3A_480 = arith.index_cast %scan3A_144 : i32 to index
        %get3A_481 = arith.constant 384 : index
        %get3A_482 = tpu.vector_load %arg10[%get3A_480, %get3A_481] {strides = array<i32>} : memref<16x768xf32, #tpu.memory_space<vmem>>, vector<1x16xf32>,
        %get3A_483 = vector.shape_cast %get3A_482 : vector<1x16xf32> to vector<16xf32>
        %get3A_484 = arith.index_cast %scan3A_144 : i32 to index
        %get3A_485 = arith.constant 384 : index
        %get3A_486 = tpu.vector_load %arg11[%get3A_484, %get3A_485] {strides = array<i32>} : memref<16x768xf32, #tpu.memory_space<vmem>>, vector<1x16xf32>,
        %get3A_487 = vector.shape_cast %get3A_486 : vector<1x16xf32> to vector<16xf32>
        %add3A_488 = arith.addf %get3A_483, %get3A_487 : vector<16xf32>
        %swap3A_489 = arith.index_cast %scan3A_144 : i32 to index
        %swap3A_490 = arith.constant 384 : index
        %swap3A_491 = tpu.vector_load %arg10[%swap3A_489, %swap3A_490] {strides = array<i32>} : memref<16x768xf32, #tpu.memory_space<vmem>>, vector<1x16xf32>,
        %swap3A_492 = vector.shape_cast %swap3A_491 : vector<1x16xf32> to vector<16xf32>
        %swap3A_493 = vector.shape_cast %add3A_488 : vector<16xf32> to vector<1x16xf32>
        tpu.vector_store %arg10[%swap3A_489, %swap3A_490], %swap3A_493 {strides = array<i32>} : memref<16x768xf32, #tpu.memory_space<vmem>>, vector<1x16xf32>,
        %get3A_494 = arith.index_cast %scan3A_144 : i32 to index
        %get3A_495 = arith.constant 400 : index
        %get3A_496 = tpu.vector_load %arg10[%get3A_494, %get3A_495] {strides = array<i32>} : memref<16x768xf32, #tpu.memory_space<vmem>>, vector<1x16xf32>,
        %get3A_497 = vector.shape_cast %get3A_496 : vector<1x16xf32> to vector<16xf32>
        %get3A_498 = arith.index_cast %scan3A_144 : i32 to index
        %get3A_499 = arith.constant 400 : index
        %get3A_500 = tpu.vector_load %arg11[%get3A_498, %get3A_499] {strides = array<i32>} : memref<16x768xf32, #tpu.memory_space<vmem>>, vector<1x16xf32>,
        %get3A_501 = vector.shape_cast %get3A_500 : vector<1x16xf32> to vector<16xf32>
        %add3A_502 = arith.addf %get3A_497, %get3A_501 : vector<16xf32>
        %swap3A_503 = arith.index_cast %scan3A_144 : i32 to index
        %swap3A_504 = arith.constant 400 : index
        %swap3A_505 = tpu.vector_load %arg10[%swap3A_503, %swap3A_504] {strides = array<i32>} : memref<16x768xf32, #tpu.memory_space<vmem>>, vector<1x16xf32>,
        %swap3A_506 = vector.shape_cast %swap3A_505 : vector<1x16xf32> to vector<16xf32>
        %swap3A_507 = vector.shape_cast %add3A_502 : vector<16xf32> to vector<1x16xf32>
        tpu.vector_store %arg10[%swap3A_503, %swap3A_504], %swap3A_507 {strides = array<i32>} : memref<16x768xf32, #tpu.memory_space<vmem>>, vector<1x16xf32>,
        %get3A_508 = arith.index_cast %scan3A_144 : i32 to index
        %get3A_509 = arith.constant 416 : index
        %get3A_510 = tpu.vector_load %arg10[%get3A_508, %get3A_509] {strides = array<i32>} : memref<16x768xf32, #tpu.memory_space<vmem>>, vector<1x16xf32>,
        %get3A_511 = vector.shape_cast %get3A_510 : vector<1x16xf32> to vector<16xf32>
        %get3A_512 = arith.index_cast %scan3A_144 : i32 to index
        %get3A_513 = arith.constant 416 : index
        %get3A_514 = tpu.vector_load %arg11[%get3A_512, %get3A_513] {strides = array<i32>} : memref<16x768xf32, #tpu.memory_space<vmem>>, vector<1x16xf32>,
        %get3A_515 = vector.shape_cast %get3A_514 : vector<1x16xf32> to vector<16xf32>
        %add3A_516 = arith.addf %get3A_511, %get3A_515 : vector<16xf32>
        %swap3A_517 = arith.index_cast %scan3A_144 : i32 to index
        %swap3A_518 = arith.constant 416 : index
        %swap3A_519 = tpu.vector_load %arg10[%swap3A_517, %swap3A_518] {strides = array<i32>} : memref<16x768xf32, #tpu.memory_space<vmem>>, vector<1x16xf32>,
        %swap3A_520 = vector.shape_cast %swap3A_519 : vector<1x16xf32> to vector<16xf32>
        %swap3A_521 = vector.shape_cast %add3A_516 : vector<16xf32> to vector<1x16xf32>
        tpu.vector_store %arg10[%swap3A_517, %swap3A_518], %swap3A_521 {strides = array<i32>} : memref<16x768xf32, #tpu.memory_space<vmem>>, vector<1x16xf32>,
        %get3A_522 = arith.index_cast %scan3A_144 : i32 to index
        %get3A_523 = arith.constant 432 : index
        %get3A_524 = tpu.vector_load %arg10[%get3A_522, %get3A_523] {strides = array<i32>} : memref<16x768xf32, #tpu.memory_space<vmem>>, vector<1x16xf32>,
        %get3A_525 = vector.shape_cast %get3A_524 : vector<1x16xf32> to vector<16xf32>
        %get3A_526 = arith.index_cast %scan3A_144 : i32 to index
        %get3A_527 = arith.constant 432 : index
        %get3A_528 = tpu.vector_load %arg11[%get3A_526, %get3A_527] {strides = array<i32>} : memref<16x768xf32, #tpu.memory_space<vmem>>, vector<1x16xf32>,
        %get3A_529 = vector.shape_cast %get3A_528 : vector<1x16xf32> to vector<16xf32>
        %add3A_530 = arith.addf %get3A_525, %get3A_529 : vector<16xf32>
        %swap3A_531 = arith.index_cast %scan3A_144 : i32 to index
        %swap3A_532 = arith.constant 432 : index
        %swap3A_533 = tpu.vector_load %arg10[%swap3A_531, %swap3A_532] {strides = array<i32>} : memref<16x768xf32, #tpu.memory_space<vmem>>, vector<1x16xf32>,
        %swap3A_534 = vector.shape_cast %swap3A_533 : vector<1x16xf32> to vector<16xf32>
        %swap3A_535 = vector.shape_cast %add3A_530 : vector<16xf32> to vector<1x16xf32>
        tpu.vector_store %arg10[%swap3A_531, %swap3A_532], %swap3A_535 {strides = array<i32>} : memref<16x768xf32, #tpu.memory_space<vmem>>, vector<1x16xf32>,
        %get3A_536 = arith.index_cast %scan3A_144 : i32 to index
        %get3A_537 = arith.constant 448 : index
        %get3A_538 = tpu.vector_load %arg10[%get3A_536, %get3A_537] {strides = array<i32>} : memref<16x768xf32, #tpu.memory_space<vmem>>, vector<1x16xf32>,
        %get3A_539 = vector.shape_cast %get3A_538 : vector<1x16xf32> to vector<16xf32>
        %get3A_540 = arith.index_cast %scan3A_144 : i32 to index
        %get3A_541 = arith.constant 448 : index
        %get3A_542 = tpu.vector_load %arg11[%get3A_540, %get3A_541] {strides = array<i32>} : memref<16x768xf32, #tpu.memory_space<vmem>>, vector<1x16xf32>,
        %get3A_543 = vector.shape_cast %get3A_542 : vector<1x16xf32> to vector<16xf32>
        %add3A_544 = arith.addf %get3A_539, %get3A_543 : vector<16xf32>
        %swap3A_545 = arith.index_cast %scan3A_144 : i32 to index
        %swap3A_546 = arith.constant 448 : index
        %swap3A_547 = tpu.vector_load %arg10[%swap3A_545, %swap3A_546] {strides = array<i32>} : memref<16x768xf32, #tpu.memory_space<vmem>>, vector<1x16xf32>,
        %swap3A_548 = vector.shape_cast %swap3A_547 : vector<1x16xf32> to vector<16xf32>
        %swap3A_549 = vector.shape_cast %add3A_544 : vector<16xf32> to vector<1x16xf32>
        tpu.vector_store %arg10[%swap3A_545, %swap3A_546], %swap3A_549 {strides = array<i32>} : memref<16x768xf32, #tpu.memory_space<vmem>>, vector<1x16xf32>,
        %get3A_550 = arith.index_cast %scan3A_144 : i32 to index
        %get3A_551 = arith.constant 464 : index
        %get3A_552 = tpu.vector_load %arg10[%get3A_550, %get3A_551] {strides = array<i32>} : memref<16x768xf32, #tpu.memory_space<vmem>>, vector<1x16xf32>,
        %get3A_553 = vector.shape_cast %get3A_552 : vector<1x16xf32> to vector<16xf32>
        %get3A_554 = arith.index_cast %scan3A_144 : i32 to index
        %get3A_555 = arith.constant 464 : index
        %get3A_556 = tpu.vector_load %arg11[%get3A_554, %get3A_555] {strides = array<i32>} : memref<16x768xf32, #tpu.memory_space<vmem>>, vector<1x16xf32>,
        %get3A_557 = vector.shape_cast %get3A_556 : vector<1x16xf32> to vector<16xf32>
        %add3A_558 = arith.addf %get3A_553, %get3A_557 : vector<16xf32>
        %swap3A_559 = arith.index_cast %scan3A_144 : i32 to index
        %swap3A_560 = arith.constant 464 : index
        %swap3A_561 = tpu.vector_load %arg10[%swap3A_559, %swap3A_560] {strides = array<i32>} : memref<16x768xf32, #tpu.memory_space<vmem>>, vector<1x16xf32>,
        %swap3A_562 = vector.shape_cast %swap3A_561 : vector<1x16xf32> to vector<16xf32>
        %swap3A_563 = vector.shape_cast %add3A_558 : vector<16xf32> to vector<1x16xf32>
        tpu.vector_store %arg10[%swap3A_559, %swap3A_560], %swap3A_563 {strides = array<i32>} : memref<16x768xf32, #tpu.memory_space<vmem>>, vector<1x16xf32>,
        %get3A_564 = arith.index_cast %scan3A_144 : i32 to index
        %get3A_565 = arith.constant 480 : index
        %get3A_566 = tpu.vector_load %arg10[%get3A_564, %get3A_565] {strides = array<i32>} : memref<16x768xf32, #tpu.memory_space<vmem>>, vector<1x16xf32>,
        %get3A_567 = vector.shape_cast %get3A_566 : vector<1x16xf32> to vector<16xf32>
        %get3A_568 = arith.index_cast %scan3A_144 : i32 to index
        %get3A_569 = arith.constant 480 : index
        %get3A_570 = tpu.vector_load %arg11[%get3A_568, %get3A_569] {strides = array<i32>} : memref<16x768xf32, #tpu.memory_space<vmem>>, vector<1x16xf32>,
        %get3A_571 = vector.shape_cast %get3A_570 : vector<1x16xf32> to vector<16xf32>
        %add3A_572 = arith.addf %get3A_567, %get3A_571 : vector<16xf32>
        %swap3A_573 = arith.index_cast %scan3A_144 : i32 to index
        %swap3A_574 = arith.constant 480 : index
        %swap3A_575 = tpu.vector_load %arg10[%swap3A_573, %swap3A_574] {strides = array<i32>} : memref<16x768xf32, #tpu.memory_space<vmem>>, vector<1x16xf32>,
        %swap3A_576 = vector.shape_cast %swap3A_575 : vector<1x16xf32> to vector<16xf32>
        %swap3A_577 = vector.shape_cast %add3A_572 : vector<16xf32> to vector<1x16xf32>
        tpu.vector_store %arg10[%swap3A_573, %swap3A_574], %swap3A_577 {strides = array<i32>} : memref<16x768xf32, #tpu.memory_space<vmem>>, vector<1x16xf32>,
        %get3A_578 = arith.index_cast %scan3A_144 : i32 to index
        %get3A_579 = arith.constant 496 : index
        %get3A_580 = tpu.vector_load %arg10[%get3A_578, %get3A_579] {strides = array<i32>} : memref<16x768xf32, #tpu.memory_space<vmem>>, vector<1x16xf32>,
        %get3A_581 = vector.shape_cast %get3A_580 : vector<1x16xf32> to vector<16xf32>
        %get3A_582 = arith.index_cast %scan3A_144 : i32 to index
        %get3A_583 = arith.constant 496 : index
        %get3A_584 = tpu.vector_load %arg11[%get3A_582, %get3A_583] {strides = array<i32>} : memref<16x768xf32, #tpu.memory_space<vmem>>, vector<1x16xf32>,
        %get3A_585 = vector.shape_cast %get3A_584 : vector<1x16xf32> to vector<16xf32>
        %add3A_586 = arith.addf %get3A_581, %get3A_585 : vector<16xf32>
        %swap3A_587 = arith.index_cast %scan3A_144 : i32 to index
        %swap3A_588 = arith.constant 496 : index
        %swap3A_589 = tpu.vector_load %arg10[%swap3A_587, %swap3A_588] {strides = array<i32>} : memref<16x768xf32, #tpu.memory_space<vmem>>, vector<1x16xf32>,
        %swap3A_590 = vector.shape_cast %swap3A_589 : vector<1x16xf32> to vector<16xf32>
        %swap3A_591 = vector.shape_cast %add3A_586 : vector<16xf32> to vector<1x16xf32>
        tpu.vector_store %arg10[%swap3A_587, %swap3A_588], %swap3A_591 {strides = array<i32>} : memref<16x768xf32, #tpu.memory_space<vmem>>, vector<1x16xf32>,
        %get3A_592 = arith.index_cast %scan3A_144 : i32 to index
        %get3A_593 = arith.constant 512 : index
        %get3A_594 = tpu.vector_load %arg10[%get3A_592, %get3A_593] {strides = array<i32>} : memref<16x768xf32, #tpu.memory_space<vmem>>, vector<1x16xf32>,
        %get3A_595 = vector.shape_cast %get3A_594 : vector<1x16xf32> to vector<16xf32>
        %get3A_596 = arith.index_cast %scan3A_144 : i32 to index
        %get3A_597 = arith.constant 512 : index
        %get3A_598 = tpu.vector_load %arg11[%get3A_596, %get3A_597] {strides = array<i32>} : memref<16x768xf32, #tpu.memory_space<vmem>>, vector<1x16xf32>,
        %get3A_599 = vector.shape_cast %get3A_598 : vector<1x16xf32> to vector<16xf32>
        %add3A_600 = arith.addf %get3A_595, %get3A_599 : vector<16xf32>
        %swap3A_601 = arith.index_cast %scan3A_144 : i32 to index
        %swap3A_602 = arith.constant 512 : index
        %swap3A_603 = tpu.vector_load %arg10[%swap3A_601, %swap3A_602] {strides = array<i32>} : memref<16x768xf32, #tpu.memory_space<vmem>>, vector<1x16xf32>,
        %swap3A_604 = vector.shape_cast %swap3A_603 : vector<1x16xf32> to vector<16xf32>
        %swap3A_605 = vector.shape_cast %add3A_600 : vector<16xf32> to vector<1x16xf32>
        tpu.vector_store %arg10[%swap3A_601, %swap3A_602], %swap3A_605 {strides = array<i32>} : memref<16x768xf32, #tpu.memory_space<vmem>>, vector<1x16xf32>,
        %get3A_606 = arith.index_cast %scan3A_144 : i32 to index
        %get3A_607 = arith.constant 528 : index
        %get3A_608 = tpu.vector_load %arg10[%get3A_606, %get3A_607] {strides = array<i32>} : memref<16x768xf32, #tpu.memory_space<vmem>>, vector<1x16xf32>,
        %get3A_609 = vector.shape_cast %get3A_608 : vector<1x16xf32> to vector<16xf32>
        %get3A_610 = arith.index_cast %scan3A_144 : i32 to index
        %get3A_611 = arith.constant 528 : index
        %get3A_612 = tpu.vector_load %arg11[%get3A_610, %get3A_611] {strides = array<i32>} : memref<16x768xf32, #tpu.memory_space<vmem>>, vector<1x16xf32>,
        %get3A_613 = vector.shape_cast %get3A_612 : vector<1x16xf32> to vector<16xf32>
        %add3A_614 = arith.addf %get3A_609, %get3A_613 : vector<16xf32>
        %swap3A_615 = arith.index_cast %scan3A_144 : i32 to index
        %swap3A_616 = arith.constant 528 : index
        %swap3A_617 = tpu.vector_load %arg10[%swap3A_615, %swap3A_616] {strides = array<i32>} : memref<16x768xf32, #tpu.memory_space<vmem>>, vector<1x16xf32>,
        %swap3A_618 = vector.shape_cast %swap3A_617 : vector<1x16xf32> to vector<16xf32>
        %swap3A_619 = vector.shape_cast %add3A_614 : vector<16xf32> to vector<1x16xf32>
        tpu.vector_store %arg10[%swap3A_615, %swap3A_616], %swap3A_619 {strides = array<i32>} : memref<16x768xf32, #tpu.memory_space<vmem>>, vector<1x16xf32>,
        %get3A_620 = arith.index_cast %scan3A_144 : i32 to index
        %get3A_621 = arith.constant 544 : index
        %get3A_622 = tpu.vector_load %arg10[%get3A_620, %get3A_621] {strides = array<i32>} : memref<16x768xf32, #tpu.memory_space<vmem>>, vector<1x16xf32>,
        %get3A_623 = vector.shape_cast %get3A_622 : vector<1x16xf32> to vector<16xf32>
        %get3A_624 = arith.index_cast %scan3A_144 : i32 to index
        %get3A_625 = arith.constant 544 : index
        %get3A_626 = tpu.vector_load %arg11[%get3A_624, %get3A_625] {strides = array<i32>} : memref<16x768xf32, #tpu.memory_space<vmem>>, vector<1x16xf32>,
        %get3A_627 = vector.shape_cast %get3A_626 : vector<1x16xf32> to vector<16xf32>
        %add3A_628 = arith.addf %get3A_623, %get3A_627 : vector<16xf32>
        %swap3A_629 = arith.index_cast %scan3A_144 : i32 to index
        %swap3A_630 = arith.constant 544 : index
        %swap3A_631 = tpu.vector_load %arg10[%swap3A_629, %swap3A_630] {strides = array<i32>} : memref<16x768xf32, #tpu.memory_space<vmem>>, vector<1x16xf32>,
        %swap3A_632 = vector.shape_cast %swap3A_631 : vector<1x16xf32> to vector<16xf32>
        %swap3A_633 = vector.shape_cast %add3A_628 : vector<16xf32> to vector<1x16xf32>
        tpu.vector_store %arg10[%swap3A_629, %swap3A_630], %swap3A_633 {strides = array<i32>} : memref<16x768xf32, #tpu.memory_space<vmem>>, vector<1x16xf32>,
        %get3A_634 = arith.index_cast %scan3A_144 : i32 to index
        %get3A_635 = arith.constant 560 : index
        %get3A_636 = tpu.vector_load %arg10[%get3A_634, %get3A_635] {strides = array<i32>} : memref<16x768xf32, #tpu.memory_space<vmem>>, vector<1x16xf32>,
        %get3A_637 = vector.shape_cast %get3A_636 : vector<1x16xf32> to vector<16xf32>
        %get3A_638 = arith.index_cast %scan3A_144 : i32 to index
        %get3A_639 = arith.constant 560 : index
        %get3A_640 = tpu.vector_load %arg11[%get3A_638, %get3A_639] {strides = array<i32>} : memref<16x768xf32, #tpu.memory_space<vmem>>, vector<1x16xf32>,
        %get3A_641 = vector.shape_cast %get3A_640 : vector<1x16xf32> to vector<16xf32>
        %add3A_642 = arith.addf %get3A_637, %get3A_641 : vector<16xf32>
        %swap3A_643 = arith.index_cast %scan3A_144 : i32 to index
        %swap3A_644 = arith.constant 560 : index
        %swap3A_645 = tpu.vector_load %arg10[%swap3A_643, %swap3A_644] {strides = array<i32>} : memref<16x768xf32, #tpu.memory_space<vmem>>, vector<1x16xf32>,
        %swap3A_646 = vector.shape_cast %swap3A_645 : vector<1x16xf32> to vector<16xf32>
        %swap3A_647 = vector.shape_cast %add3A_642 : vector<16xf32> to vector<1x16xf32>
        tpu.vector_store %arg10[%swap3A_643, %swap3A_644], %swap3A_647 {strides = array<i32>} : memref<16x768xf32, #tpu.memory_space<vmem>>, vector<1x16xf32>,
        %get3A_648 = arith.index_cast %scan3A_144 : i32 to index
        %get3A_649 = arith.constant 576 : index
        %get3A_650 = tpu.vector_load %arg10[%get3A_648, %get3A_649] {strides = array<i32>} : memref<16x768xf32, #tpu.memory_space<vmem>>, vector<1x16xf32>,
        %get3A_651 = vector.shape_cast %get3A_650 : vector<1x16xf32> to vector<16xf32>
        %get3A_652 = arith.index_cast %scan3A_144 : i32 to index
        %get3A_653 = arith.constant 576 : index
        %get3A_654 = tpu.vector_load %arg11[%get3A_652, %get3A_653] {strides = array<i32>} : memref<16x768xf32, #tpu.memory_space<vmem>>, vector<1x16xf32>,
        %get3A_655 = vector.shape_cast %get3A_654 : vector<1x16xf32> to vector<16xf32>
        %add3A_656 = arith.addf %get3A_651, %get3A_655 : vector<16xf32>
        %swap3A_657 = arith.index_cast %scan3A_144 : i32 to index
        %swap3A_658 = arith.constant 576 : index
        %swap3A_659 = tpu.vector_load %arg10[%swap3A_657, %swap3A_658] {strides = array<i32>} : memref<16x768xf32, #tpu.memory_space<vmem>>, vector<1x16xf32>,
        %swap3A_660 = vector.shape_cast %swap3A_659 : vector<1x16xf32> to vector<16xf32>
        %swap3A_661 = vector.shape_cast %add3A_656 : vector<16xf32> to vector<1x16xf32>
        tpu.vector_store %arg10[%swap3A_657, %swap3A_658], %swap3A_661 {strides = array<i32>} : memref<16x768xf32, #tpu.memory_space<vmem>>, vector<1x16xf32>,
        %get3A_662 = arith.index_cast %scan3A_144 : i32 to index
        %get3A_663 = arith.constant 592 : index
        %get3A_664 = tpu.vector_load %arg10[%get3A_662, %get3A_663] {strides = array<i32>} : memref<16x768xf32, #tpu.memory_space<vmem>>, vector<1x16xf32>,
        %get3A_665 = vector.shape_cast %get3A_664 : vector<1x16xf32> to vector<16xf32>
        %get3A_666 = arith.index_cast %scan3A_144 : i32 to index
        %get3A_667 = arith.constant 592 : index
        %get3A_668 = tpu.vector_load %arg11[%get3A_666, %get3A_667] {strides = array<i32>} : memref<16x768xf32, #tpu.memory_space<vmem>>, vector<1x16xf32>,
        %get3A_669 = vector.shape_cast %get3A_668 : vector<1x16xf32> to vector<16xf32>
        %add3A_670 = arith.addf %get3A_665, %get3A_669 : vector<16xf32>
        %swap3A_671 = arith.index_cast %scan3A_144 : i32 to index
        %swap3A_672 = arith.constant 592 : index
        %swap3A_673 = tpu.vector_load %arg10[%swap3A_671, %swap3A_672] {strides = array<i32>} : memref<16x768xf32, #tpu.memory_space<vmem>>, vector<1x16xf32>,
        %swap3A_674 = vector.shape_cast %swap3A_673 : vector<1x16xf32> to vector<16xf32>
        %swap3A_675 = vector.shape_cast %add3A_670 : vector<16xf32> to vector<1x16xf32>
        tpu.vector_store %arg10[%swap3A_671, %swap3A_672], %swap3A_675 {strides = array<i32>} : memref<16x768xf32, #tpu.memory_space<vmem>>, vector<1x16xf32>,
        %get3A_676 = arith.index_cast %scan3A_144 : i32 to index
        %get3A_677 = arith.constant 608 : index
        %get3A_678 = tpu.vector_load %arg10[%get3A_676, %get3A_677] {strides = array<i32>} : memref<16x768xf32, #tpu.memory_space<vmem>>, vector<1x16xf32>,
        %get3A_679 = vector.shape_cast %get3A_678 : vector<1x16xf32> to vector<16xf32>
        %get3A_680 = arith.index_cast %scan3A_144 : i32 to index
        %get3A_681 = arith.constant 608 : index
        %get3A_682 = tpu.vector_load %arg11[%get3A_680, %get3A_681] {strides = array<i32>} : memref<16x768xf32, #tpu.memory_space<vmem>>, vector<1x16xf32>,
        %get3A_683 = vector.shape_cast %get3A_682 : vector<1x16xf32> to vector<16xf32>
        %add3A_684 = arith.addf %get3A_679, %get3A_683 : vector<16xf32>
        %swap3A_685 = arith.index_cast %scan3A_144 : i32 to index
        %swap3A_686 = arith.constant 608 : index
        %swap3A_687 = tpu.vector_load %arg10[%swap3A_685, %swap3A_686] {strides = array<i32>} : memref<16x768xf32, #tpu.memory_space<vmem>>, vector<1x16xf32>,
        %swap3A_688 = vector.shape_cast %swap3A_687 : vector<1x16xf32> to vector<16xf32>
        %swap3A_689 = vector.shape_cast %add3A_684 : vector<16xf32> to vector<1x16xf32>
        tpu.vector_store %arg10[%swap3A_685, %swap3A_686], %swap3A_689 {strides = array<i32>} : memref<16x768xf32, #tpu.memory_space<vmem>>, vector<1x16xf32>,
        %get3A_690 = arith.index_cast %scan3A_144 : i32 to index
        %get3A_691 = arith.constant 624 : index
        %get3A_692 = tpu.vector_load %arg10[%get3A_690, %get3A_691] {strides = array<i32>} : memref<16x768xf32, #tpu.memory_space<vmem>>, vector<1x16xf32>,
        %get3A_693 = vector.shape_cast %get3A_692 : vector<1x16xf32> to vector<16xf32>
        %get3A_694 = arith.index_cast %scan3A_144 : i32 to index
        %get3A_695 = arith.constant 624 : index
        %get3A_696 = tpu.vector_load %arg11[%get3A_694, %get3A_695] {strides = array<i32>} : memref<16x768xf32, #tpu.memory_space<vmem>>, vector<1x16xf32>,
        %get3A_697 = vector.shape_cast %get3A_696 : vector<1x16xf32> to vector<16xf32>
        %add3A_698 = arith.addf %get3A_693, %get3A_697 : vector<16xf32>
        %swap3A_699 = arith.index_cast %scan3A_144 : i32 to index
        %swap3A_700 = arith.constant 624 : index
        %swap3A_701 = tpu.vector_load %arg10[%swap3A_699, %swap3A_700] {strides = array<i32>} : memref<16x768xf32, #tpu.memory_space<vmem>>, vector<1x16xf32>,
        %swap3A_702 = vector.shape_cast %swap3A_701 : vector<1x16xf32> to vector<16xf32>
        %swap3A_703 = vector.shape_cast %add3A_698 : vector<16xf32> to vector<1x16xf32>
        tpu.vector_store %arg10[%swap3A_699, %swap3A_700], %swap3A_703 {strides = array<i32>} : memref<16x768xf32, #tpu.memory_space<vmem>>, vector<1x16xf32>,
        %get3A_704 = arith.index_cast %scan3A_144 : i32 to index
        %get3A_705 = arith.constant 640 : index
        %get3A_706 = tpu.vector_load %arg10[%get3A_704, %get3A_705] {strides = array<i32>} : memref<16x768xf32, #tpu.memory_space<vmem>>, vector<1x16xf32>,
        %get3A_707 = vector.shape_cast %get3A_706 : vector<1x16xf32> to vector<16xf32>
        %get3A_708 = arith.index_cast %scan3A_144 : i32 to index
        %get3A_709 = arith.constant 640 : index
        %get3A_710 = tpu.vector_load %arg11[%get3A_708, %get3A_709] {strides = array<i32>} : memref<16x768xf32, #tpu.memory_space<vmem>>, vector<1x16xf32>,
        %get3A_711 = vector.shape_cast %get3A_710 : vector<1x16xf32> to vector<16xf32>
        %add3A_712 = arith.addf %get3A_707, %get3A_711 : vector<16xf32>
        %swap3A_713 = arith.index_cast %scan3A_144 : i32 to index
        %swap3A_714 = arith.constant 640 : index
        %swap3A_715 = tpu.vector_load %arg10[%swap3A_713, %swap3A_714] {strides = array<i32>} : memref<16x768xf32, #tpu.memory_space<vmem>>, vector<1x16xf32>,
        %swap3A_716 = vector.shape_cast %swap3A_715 : vector<1x16xf32> to vector<16xf32>
        %swap3A_717 = vector.shape_cast %add3A_712 : vector<16xf32> to vector<1x16xf32>
        tpu.vector_store %arg10[%swap3A_713, %swap3A_714], %swap3A_717 {strides = array<i32>} : memref<16x768xf32, #tpu.memory_space<vmem>>, vector<1x16xf32>,
        %get3A_718 = arith.index_cast %scan3A_144 : i32 to index
        %get3A_719 = arith.constant 656 : index
        %get3A_720 = tpu.vector_load %arg10[%get3A_718, %get3A_719] {strides = array<i32>} : memref<16x768xf32, #tpu.memory_space<vmem>>, vector<1x16xf32>,
        %get3A_721 = vector.shape_cast %get3A_720 : vector<1x16xf32> to vector<16xf32>
        %get3A_722 = arith.index_cast %scan3A_144 : i32 to index
        %get3A_723 = arith.constant 656 : index
        %get3A_724 = tpu.vector_load %arg11[%get3A_722, %get3A_723] {strides = array<i32>} : memref<16x768xf32, #tpu.memory_space<vmem>>, vector<1x16xf32>,
        %get3A_725 = vector.shape_cast %get3A_724 : vector<1x16xf32> to vector<16xf32>
        %add3A_726 = arith.addf %get3A_721, %get3A_725 : vector<16xf32>
        %swap3A_727 = arith.index_cast %scan3A_144 : i32 to index
        %swap3A_728 = arith.constant 656 : index
        %swap3A_729 = tpu.vector_load %arg10[%swap3A_727, %swap3A_728] {strides = array<i32>} : memref<16x768xf32, #tpu.memory_space<vmem>>, vector<1x16xf32>,
        %swap3A_730 = vector.shape_cast %swap3A_729 : vector<1x16xf32> to vector<16xf32>
        %swap3A_731 = vector.shape_cast %add3A_726 : vector<16xf32> to vector<1x16xf32>
        tpu.vector_store %arg10[%swap3A_727, %swap3A_728], %swap3A_731 {strides = array<i32>} : memref<16x768xf32, #tpu.memory_space<vmem>>, vector<1x16xf32>,
        %get3A_732 = arith.index_cast %scan3A_144 : i32 to index
        %get3A_733 = arith.constant 672 : index
        %get3A_734 = tpu.vector_load %arg10[%get3A_732, %get3A_733] {strides = array<i32>} : memref<16x768xf32, #tpu.memory_space<vmem>>, vector<1x16xf32>,
        %get3A_735 = vector.shape_cast %get3A_734 : vector<1x16xf32> to vector<16xf32>
        %get3A_736 = arith.index_cast %scan3A_144 : i32 to index
        %get3A_737 = arith.constant 672 : index
        %get3A_738 = tpu.vector_load %arg11[%get3A_736, %get3A_737] {strides = array<i32>} : memref<16x768xf32, #tpu.memory_space<vmem>>, vector<1x16xf32>,
        %get3A_739 = vector.shape_cast %get3A_738 : vector<1x16xf32> to vector<16xf32>
        %add3A_740 = arith.addf %get3A_735, %get3A_739 : vector<16xf32>
        %swap3A_741 = arith.index_cast %scan3A_144 : i32 to index
        %swap3A_742 = arith.constant 672 : index
        %swap3A_743 = tpu.vector_load %arg10[%swap3A_741, %swap3A_742] {strides = array<i32>} : memref<16x768xf32, #tpu.memory_space<vmem>>, vector<1x16xf32>,
        %swap3A_744 = vector.shape_cast %swap3A_743 : vector<1x16xf32> to vector<16xf32>
        %swap3A_745 = vector.shape_cast %add3A_740 : vector<16xf32> to vector<1x16xf32>
        tpu.vector_store %arg10[%swap3A_741, %swap3A_742], %swap3A_745 {strides = array<i32>} : memref<16x768xf32, #tpu.memory_space<vmem>>, vector<1x16xf32>,
        %get3A_746 = arith.index_cast %scan3A_144 : i32 to index
        %get3A_747 = arith.constant 688 : index
        %get3A_748 = tpu.vector_load %arg10[%get3A_746, %get3A_747] {strides = array<i32>} : memref<16x768xf32, #tpu.memory_space<vmem>>, vector<1x16xf32>,
        %get3A_749 = vector.shape_cast %get3A_748 : vector<1x16xf32> to vector<16xf32>
        %get3A_750 = arith.index_cast %scan3A_144 : i32 to index
        %get3A_751 = arith.constant 688 : index
        %get3A_752 = tpu.vector_load %arg11[%get3A_750, %get3A_751] {strides = array<i32>} : memref<16x768xf32, #tpu.memory_space<vmem>>, vector<1x16xf32>,
        %get3A_753 = vector.shape_cast %get3A_752 : vector<1x16xf32> to vector<16xf32>
        %add3A_754 = arith.addf %get3A_749, %get3A_753 : vector<16xf32>
        %swap3A_755 = arith.index_cast %scan3A_144 : i32 to index
        %swap3A_756 = arith.constant 688 : index
        %swap3A_757 = tpu.vector_load %arg10[%swap3A_755, %swap3A_756] {strides = array<i32>} : memref<16x768xf32, #tpu.memory_space<vmem>>, vector<1x16xf32>,
        %swap3A_758 = vector.shape_cast %swap3A_757 : vector<1x16xf32> to vector<16xf32>
        %swap3A_759 = vector.shape_cast %add3A_754 : vector<16xf32> to vector<1x16xf32>
        tpu.vector_store %arg10[%swap3A_755, %swap3A_756], %swap3A_759 {strides = array<i32>} : memref<16x768xf32, #tpu.memory_space<vmem>>, vector<1x16xf32>,
        %get3A_760 = arith.index_cast %scan3A_144 : i32 to index
        %get3A_761 = arith.constant 704 : index
        %get3A_762 = tpu.vector_load %arg10[%get3A_760, %get3A_761] {strides = array<i32>} : memref<16x768xf32, #tpu.memory_space<vmem>>, vector<1x16xf32>,
        %get3A_763 = vector.shape_cast %get3A_762 : vector<1x16xf32> to vector<16xf32>
        %get3A_764 = arith.index_cast %scan3A_144 : i32 to index
        %get3A_765 = arith.constant 704 : index
        %get3A_766 = tpu.vector_load %arg11[%get3A_764, %get3A_765] {strides = array<i32>} : memref<16x768xf32, #tpu.memory_space<vmem>>, vector<1x16xf32>,
        %get3A_767 = vector.shape_cast %get3A_766 : vector<1x16xf32> to vector<16xf32>
        %add3A_768 = arith.addf %get3A_763, %get3A_767 : vector<16xf32>
        %swap3A_769 = arith.index_cast %scan3A_144 : i32 to index
        %swap3A_770 = arith.constant 704 : index
        %swap3A_771 = tpu.vector_load %arg10[%swap3A_769, %swap3A_770] {strides = array<i32>} : memref<16x768xf32, #tpu.memory_space<vmem>>, vector<1x16xf32>,
        %swap3A_772 = vector.shape_cast %swap3A_771 : vector<1x16xf32> to vector<16xf32>
        %swap3A_773 = vector.shape_cast %add3A_768 : vector<16xf32> to vector<1x16xf32>
        tpu.vector_store %arg10[%swap3A_769, %swap3A_770], %swap3A_773 {strides = array<i32>} : memref<16x768xf32, #tpu.memory_space<vmem>>, vector<1x16xf32>,
        %get3A_774 = arith.index_cast %scan3A_144 : i32 to index
        %get3A_775 = arith.constant 720 : index
        %get3A_776 = tpu.vector_load %arg10[%get3A_774, %get3A_775] {strides = array<i32>} : memref<16x768xf32, #tpu.memory_space<vmem>>, vector<1x16xf32>,
        %get3A_777 = vector.shape_cast %get3A_776 : vector<1x16xf32> to vector<16xf32>
        %get3A_778 = arith.index_cast %scan3A_144 : i32 to index
        %get3A_779 = arith.constant 720 : index
        %get3A_780 = tpu.vector_load %arg11[%get3A_778, %get3A_779] {strides = array<i32>} : memref<16x768xf32, #tpu.memory_space<vmem>>, vector<1x16xf32>,
        %get3A_781 = vector.shape_cast %get3A_780 : vector<1x16xf32> to vector<16xf32>
        %add3A_782 = arith.addf %get3A_777, %get3A_781 : vector<16xf32>
        %swap3A_783 = arith.index_cast %scan3A_144 : i32 to index
        %swap3A_784 = arith.constant 720 : index
        %swap3A_785 = tpu.vector_load %arg10[%swap3A_783, %swap3A_784] {strides = array<i32>} : memref<16x768xf32, #tpu.memory_space<vmem>>, vector<1x16xf32>,
        %swap3A_786 = vector.shape_cast %swap3A_785 : vector<1x16xf32> to vector<16xf32>
        %swap3A_787 = vector.shape_cast %add3A_782 : vector<16xf32> to vector<1x16xf32>
        tpu.vector_store %arg10[%swap3A_783, %swap3A_784], %swap3A_787 {strides = array<i32>} : memref<16x768xf32, #tpu.memory_space<vmem>>, vector<1x16xf32>,
        %get3A_788 = arith.index_cast %scan3A_144 : i32 to index
        %get3A_789 = arith.constant 736 : index
        %get3A_790 = tpu.vector_load %arg10[%get3A_788, %get3A_789] {strides = array<i32>} : memref<16x768xf32, #tpu.memory_space<vmem>>, vector<1x16xf32>,
        %get3A_791 = vector.shape_cast %get3A_790 : vector<1x16xf32> to vector<16xf32>
        %get3A_792 = arith.index_cast %scan3A_144 : i32 to index
        %get3A_793 = arith.constant 736 : index
        %get3A_794 = tpu.vector_load %arg11[%get3A_792, %get3A_793] {strides = array<i32>} : memref<16x768xf32, #tpu.memory_space<vmem>>, vector<1x16xf32>,
        %get3A_795 = vector.shape_cast %get3A_794 : vector<1x16xf32> to vector<16xf32>
        %add3A_796 = arith.addf %get3A_791, %get3A_795 : vector<16xf32>
        %swap3A_797 = arith.index_cast %scan3A_144 : i32 to index
        %swap3A_798 = arith.constant 736 : index
        %swap3A_799 = tpu.vector_load %arg10[%swap3A_797, %swap3A_798] {strides = array<i32>} : memref<16x768xf32, #tpu.memory_space<vmem>>, vector<1x16xf32>,
        %swap3A_800 = vector.shape_cast %swap3A_799 : vector<1x16xf32> to vector<16xf32>
        %swap3A_801 = vector.shape_cast %add3A_796 : vector<16xf32> to vector<1x16xf32>
        tpu.vector_store %arg10[%swap3A_797, %swap3A_798], %swap3A_801 {strides = array<i32>} : memref<16x768xf32, #tpu.memory_space<vmem>>, vector<1x16xf32>,
        %get3A_802 = arith.index_cast %scan3A_144 : i32 to index
        %get3A_803 = arith.constant 752 : index
        %get3A_804 = tpu.vector_load %arg10[%get3A_802, %get3A_803] {strides = array<i32>} : memref<16x768xf32, #tpu.memory_space<vmem>>, vector<1x16xf32>,
        %get3A_805 = vector.shape_cast %get3A_804 : vector<1x16xf32> to vector<16xf32>
        %get3A_806 = arith.index_cast %scan3A_144 : i32 to index
        %get3A_807 = arith.constant 752 : index
        %get3A_808 = tpu.vector_load %arg11[%get3A_806, %get3A_807] {strides = array<i32>} : memref<16x768xf32, #tpu.memory_space<vmem>>, vector<1x16xf32>,
        %get3A_809 = vector.shape_cast %get3A_808 : vector<1x16xf32> to vector<16xf32>
        %add3A_810 = arith.addf %get3A_805, %get3A_809 : vector<16xf32>
        %swap3A_811 = arith.index_cast %scan3A_144 : i32 to index
        %swap3A_812 = arith.constant 752 : index
        %swap3A_813 = tpu.vector_load %arg10[%swap3A_811, %swap3A_812] {strides = array<i32>} : memref<16x768xf32, #tpu.memory_space<vmem>>, vector<1x16xf32>,
        %swap3A_814 = vector.shape_cast %swap3A_813 : vector<1x16xf32> to vector<16xf32>
        %swap3A_815 = vector.shape_cast %add3A_810 : vector<16xf32> to vector<1x16xf32>
        tpu.vector_store %arg10[%swap3A_811, %swap3A_812], %swap3A_815 {strides = array<i32>} : memref<16x768xf32, #tpu.memory_space<vmem>>, vector<1x16xf32>,
      }
      %scan3A_131 = arith.constant 16 : i32
      %and3A = arith.constant 3 : i32
      %and3A_132 = vector.broadcast %and3A : i32 to vector<16xi32>
      %and3A_133 = arith.andi %iota3A, %and3A_132 : vector<16xi32>
      %mul3A_134 = arith.constant 8193 : i32
      %mul3A_135 = vector.broadcast %mul3A_134 : i32 to vector<16xi32>
      %mul3A_136 = arith.muli %and3A_133, %mul3A_135 : vector<16xi32>
      %swap3A_137 = arith.constant 0 : index
      %swap3A_138 = tpu.vector_load %arg12[%swap3A_137] {strides = array<i32>} : memref<16xi32, #tpu.memory_space<vmem>>, vector<16xi32>,
      %swap3A_139 = vector.shape_cast %swap3A_138 : vector<16xi32> to vector<16xi32>
      %swap3A_140 = vector.shape_cast %mul3A_136 : vector<16xi32> to vector<16xi32>
      tpu.vector_store %arg12[%swap3A_137], %swap3A_140 {strides = array<i32>} : memref<16xi32, #tpu.memory_space<vmem>>, vector<16xi32>,
      %dma_start3A_141 = arith.constant 0 : i32
      %dma_start3A_142 = arith.constant 0 : i32
      %dma_start3A_143 = tpu.memref_slice %arg5[%dma_start3A_141, %dma_start3A_142] : memref<32772x768xf32, #tpu.memory_space<hbm>> -> memref<32772x768xf32, #tpu.memory_space<hbm>>
      tpu.enqueue_indirect_dma source(%arg10 : memref<16x768xf32, #tpu.memory_space<vmem>>) target(%dma_start3A_143 : memref<32772x768xf32, #tpu.memory_space<hbm>>) offsets(%arg12 : memref<16xi32, #tpu.memory_space<vmem>>) semaphore(%arg16 : memref<!tpu.dma_semaphore, #tpu.memory_space<semaphore_mem>>)
    } else {
    }
    %rem3A = arith.constant 0 : i32
    %rem3A_3 = arith.constant 2 : i32
    %rem3A_4 = arith.remsi %rem3A, %rem3A_3 : i32
    %mul3A_5 = arith.constant 256 : i32
    %mul3A_6 = arith.muli %add3A, %mul3A_5 : i32
    %add3A_7 = arith.constant 1 : i32
    %add3A_8 = arith.addi %add3A_7, %mul3A_6 : i32
    %add3A_9 = arith.constant 0 : i32
    %add3A_10 = arith.addi %add3A_8, %add3A_9 : i32
    %add3A_11 = arith.constant 0 : i32
    %add3A_12 = arith.addi %add3A_10, %add3A_11 : i32
    %add3A_13 = vector.broadcast %add3A_12 : i32 to vector<16xi32>
    %add3A_14 = arith.addi %iota3A, %add3A_13 : vector<16xi32>
    %swap3A = arith.index_cast %rem3A_4 : i32 to index
    %swap3A_15 = arith.constant 0 : index
    %swap3A_16 = tpu.vector_load %arg8[%swap3A, %swap3A_15] {strides = array<i32>} : memref<2x32xi32, #tpu.memory_space<vmem>>, vector<1x16xi32>,
    %swap3A_17 = vector.shape_cast %swap3A_16 : vector<1x16xi32> to vector<16xi32>
    %swap3A_18 = vector.shape_cast %add3A_14 : vector<16xi32> to vector<1x16xi32>
    tpu.vector_store %arg8[%swap3A, %swap3A_15], %swap3A_18 {strides = array<i32>} : memref<2x32xi32, #tpu.memory_space<vmem>>, vector<1x16xi32>,
    %add3A_19 = arith.constant 16 : i32
    %add3A_20 = arith.addi %add3A_10, %add3A_19 : i32
    %add3A_21 = vector.broadcast %add3A_20 : i32 to vector<16xi32>
    %add3A_22 = arith.addi %iota3A, %add3A_21 : vector<16xi32>
    %swap3A_23 = arith.index_cast %rem3A_4 : i32 to index
    %swap3A_24 = arith.constant 16 : index
    %swap3A_25 = tpu.vector_load %arg8[%swap3A_23, %swap3A_24] {strides = array<i32>} : memref<2x32xi32, #tpu.memory_space<vmem>>, vector<1x16xi32>,
    %swap3A_26 = vector.shape_cast %swap3A_25 : vector<1x16xi32> to vector<16xi32>
    %swap3A_27 = vector.shape_cast %add3A_22 : vector<16xi32> to vector<1x16xi32>
    tpu.vector_store %arg8[%swap3A_23, %swap3A_24], %swap3A_27 {strides = array<i32>} : memref<2x32xi32, #tpu.memory_space<vmem>>, vector<1x16xi32>,
    %dma_start3A = arith.constant 0 : i32
    %dma_start3A_28 = arith.constant 0 : i32
    %dma_start3A_29 = tpu.memref_slice %arg7[%rem3A_4, %dma_start3A, %dma_start3A_28] : memref<2x32x768xf32, #tpu.memory_space<vmem>> -> memref<1x32x768xf32, #tpu.memory_space<vmem>>
    %dma_start3A_30 = tpu.memref_squeeze %dma_start3A_29 : memref<1x32x768xf32, #tpu.memory_space<vmem>> -> memref<32x768xf32, #tpu.memory_space<vmem>>
    %dma_start3A_31 = arith.constant 0 : i32
    %dma_start3A_32 = tpu.memref_slice %arg8[%rem3A_4, %dma_start3A_31] : memref<2x32xi32, #tpu.memory_space<vmem>> -> memref<1x32xi32, #tpu.memory_space<vmem>>
    %dma_start3A_33 = tpu.memref_squeeze %dma_start3A_32 : memref<1x32xi32, #tpu.memory_space<vmem>> -> memref<32xi32, #tpu.memory_space<vmem>>
    %dma_start3A_34 = arith.constant 0 : i32
    %dma_start3A_35 = arith.constant 0 : i32
    %dma_start3A_36 = tpu.memref_slice %arg4[%dma_start3A_34, %dma_start3A_35] : memref<8193x768xf32, #tpu.memory_space<hbm>> -> memref<8193x768xf32, #tpu.memory_space<hbm>>
    %dma_start3A_37 = tpu.memref_slice %arg15[%rem3A_4] : memref<2x!tpu.dma_semaphore, #tpu.memory_space<semaphore_mem>> -> memref<1x!tpu.dma_semaphore, #tpu.memory_space<semaphore_mem>>
    %dma_start3A_38 = tpu.memref_squeeze %dma_start3A_37 : memref<1x!tpu.dma_semaphore, #tpu.memory_space<semaphore_mem>> -> memref<!tpu.dma_semaphore, #tpu.memory_space<semaphore_mem>>
    tpu.enqueue_indirect_dma source(%dma_start3A_36 : memref<8193x768xf32, #tpu.memory_space<hbm>>) target(%dma_start3A_30 : memref<32x768xf32, #tpu.memory_space<vmem>>) offsets(%dma_start3A_33 : memref<32xi32, #tpu.memory_space<vmem>>) semaphore(%dma_start3A_38 : memref<!tpu.dma_semaphore, #tpu.memory_space<semaphore_mem>>)
    %rem3A_39 = arith.constant 0 : i32
    %rem3A_40 = arith.constant 2 : i32
    %rem3A_41 = arith.remsi %rem3A_39, %rem3A_40 : i32
    %mul3A_42 = arith.constant 256 : i32
    %mul3A_43 = arith.muli %add3A, %mul3A_42 : i32
    %add3A_44 = arith.constant 0 : i32
    %add3A_45 = arith.addi %add3A_44, %mul3A_43 : i32
    %add3A_46 = arith.constant 0 : i32
    %add3A_47 = arith.addi %add3A_45, %add3A_46 : i32
    %dma_start3A_48 = arith.constant 0 : i32
    %dma_start3A_49 = arith.constant 0 : i32
    %dma_start3A_50 = tpu.memref_slice %arg6[%rem3A_41, %dma_start3A_48, %dma_start3A_49] : memref<2x32x768xf32, #tpu.memory_space<vmem>> -> memref<1x32x768xf32, #tpu.memory_space<vmem>>
    %dma_start3A_51 = tpu.memref_squeeze %dma_start3A_50 : memref<1x32x768xf32, #tpu.memory_space<vmem>> -> memref<32x768xf32, #tpu.memory_space<vmem>>
    %dma_start3A_52 = arith.constant 0 : i32
    %dma_start3A_53 = tpu.memref_slice %arg2[%add3A_47, %dma_start3A_52] : memref<32768x768xf32, #tpu.memory_space<hbm>> -> memref<32x768xf32, #tpu.memory_space<hbm>>
    %dma_start3A_54 = tpu.memref_slice %arg13[%rem3A_41] : memref<2x!tpu.dma_semaphore, #tpu.memory_space<semaphore_mem>> -> memref<1x!tpu.dma_semaphore, #tpu.memory_space<semaphore_mem>>
    %dma_start3A_55 = tpu.memref_squeeze %dma_start3A_54 : memref<1x!tpu.dma_semaphore, #tpu.memory_space<semaphore_mem>> -> memref<!tpu.dma_semaphore, #tpu.memory_space<semaphore_mem>>
    %dma_start3A_56 = arith.constant 0 : i32
    %dma_start3A_57 = arith.constant 0 : i32
    %dma_start3A_58 = tpu.memref_slice %arg6[%rem3A_41, %dma_start3A_56, %dma_start3A_57] : memref<2x32x768xf32, #tpu.memory_space<vmem>> -> memref<1x32x768xf32, #tpu.memory_space<vmem>>
    %dma_start3A_59 = tpu.memref_squeeze %dma_start3A_58 : memref<1x32x768xf32, #tpu.memory_space<vmem>> -> memref<32x768xf32, #tpu.memory_space<vmem>>
    %dma_start3A_60 = arith.constant 0 : i32
    %dma_start3A_61 = tpu.memref_slice %arg2[%add3A_47, %dma_start3A_60] : memref<32768x768xf32, #tpu.memory_space<hbm>> -> memref<32x768xf32, #tpu.memory_space<hbm>>
    tpu.enqueue_dma source(%dma_start3A_61 : memref<32x768xf32, #tpu.memory_space<hbm>>) target(%dma_start3A_59 : memref<32x768xf32, #tpu.memory_space<vmem>>) target_semaphore(%dma_start3A_55 : memref<!tpu.dma_semaphore, #tpu.memory_space<semaphore_mem>>)
    %scan3A = arith.constant 0 : i32
    %scan3A_62 = arith.constant 32 : i32
    %scan3A_63 = arith.addi %scan3A, %scan3A_62 : i32
    %scan3A_64 = arith.constant 1 : i32
    scf.for %scan3A_108 = %scan3A to %scan3A_63 step %scan3A_64  : i32 {
      %jit3A = arith.constant 4 : i32
      %div3A = arith.divsi %scan3A_108, %jit3A : i32
      %sign3A = arith.constant 0 : i32
      %sign3A_109 = arith.cmpi sgt, %scan3A_108, %sign3A : i32
      %sign3A_110 = arith.extui %sign3A_109 : i1 to i32
      %sign3A_111 = arith.constant 0 : i32
      %sign3A_112 = arith.cmpi slt, %scan3A_108, %sign3A_111 : i32
      %sign3A_113 = arith.extui %sign3A_112 : i1 to i32
      %sign3A_114 = arith.subi %sign3A_110, %sign3A_113 : i32
      %sign3A_115 = arith.constant 0 : i32
      %sign3A_116 = arith.cmpi sgt, %jit3A, %sign3A_115 : i32
      %sign3A_117 = arith.extui %sign3A_116 : i1 to i32
      %sign3A_118 = arith.constant 0 : i32
      %sign3A_119 = arith.cmpi slt, %jit3A, %sign3A_118 : i32
      %sign3A_120 = arith.extui %sign3A_119 : i1 to i32
      %sign3A_121 = arith.subi %sign3A_117, %sign3A_120 : i32
      %ne3A = arith.cmpi ne, %sign3A_114, %sign3A_121 : i32
      %rem3A_122 = arith.remsi %scan3A_108, %jit3A : i32
      %ne3A_123 = arith.constant 0 : i32
      %ne3A_124 = arith.cmpi ne, %rem3A_122, %ne3A_123 : i32
      %and3A = arith.andi %ne3A, %ne3A_124 : i1
      %sub3A = arith.constant 1 : i32
      %sub3A_125 = arith.subi %div3A, %sub3A : i32
      %select_n3A = arith.select %and3A, %sub3A_125, %div3A : i32
      %jit3A_126 = arith.constant 4 : i32
      %eq3A_127 = arith.constant 0 : i32
      %eq3A_128 = arith.cmpi eq, %jit3A_126, %eq3A_127 : i32
      %jit3A_129 = arith.constant 1 : i32
      %select_n3A_130 = arith.select %eq3A_128, %jit3A_129, %jit3A_126 : i32
      %rem3A_131 = arith.remsi %scan3A_108, %select_n3A_130 : i32
      %ne3A_132 = arith.constant 0 : i32
      %ne3A_133 = arith.cmpi ne, %rem3A_131, %ne3A_132 : i32
      %lt3A = arith.constant 0 : i32
      %lt3A_134 = arith.cmpi slt, %rem3A_131, %lt3A : i32
      %lt3A_135 = arith.constant 0 : i32
      %lt3A_136 = arith.cmpi slt, %select_n3A_130, %lt3A_135 : i32
      %ne3A_137 = arith.xori %lt3A_134, %lt3A_136 : i1
      %and3A_138 = arith.andi %ne3A_137, %ne3A_133 : i1
      %add3A_139 = arith.addi %rem3A_131, %select_n3A_130 : i32
      %select_n3A_140 = arith.select %and3A_138, %add3A_139, %rem3A_131 : i32
      %eq3A_141 = arith.constant 0 : i32
      %eq3A_142 = arith.cmpi eq, %select_n3A_140, %eq3A_141 : i32
      %convert_element_type3A_143 = arith.extui %eq3A_142 : i1 to i32
      %cond3A_144 = arith.constant 0 : i32
      %cond3A_145 = arith.cmpi ne, %convert_element_type3A_143, %cond3A_144 : i32
      scf.if %cond3A_145 {
        %rem3A_286 = arith.constant 2 : i32
        %rem3A_287 = arith.remsi %select_n3A, %rem3A_286 : i32
        %dma_wait3A_288 = arith.constant 0 : i32
        %dma_wait3A_289 = arith.constant 0 : i32
        %dma_wait3A_290 = tpu.memref_slice %arg7[%rem3A_287, %dma_wait3A_288, %dma_wait3A_289] : memref<2x32x768xf32, #tpu.memory_space<vmem>> -> memref<1x32x768xf32, #tpu.memory_space<vmem>>
        %dma_wait3A_291 = tpu.memref_squeeze %dma_wait3A_290 : memref<1x32x768xf32, #tpu.memory_space<vmem>> -> memref<32x768xf32, #tpu.memory_space<vmem>>
        %dma_wait3A_292 = arith.constant 0 : i32
        %dma_wait3A_293 = arith.constant 0 : i32
        %dma_wait3A_294 = tpu.memref_slice %arg4[%dma_wait3A_292, %dma_wait3A_293] : memref<8193x768xf32, #tpu.memory_space<hbm>> -> memref<32x768xf32, #tpu.memory_space<hbm>>
        %dma_wait3A_295 = tpu.memref_slice %arg15[%rem3A_287] : memref<2x!tpu.dma_semaphore, #tpu.memory_space<semaphore_mem>> -> memref<1x!tpu.dma_semaphore, #tpu.memory_space<semaphore_mem>>
        %dma_wait3A_296 = tpu.memref_squeeze %dma_wait3A_295 : memref<1x!tpu.dma_semaphore, #tpu.memory_space<semaphore_mem>> -> memref<!tpu.dma_semaphore, #tpu.memory_space<semaphore_mem>>
        %dma_wait3A_297 = arith.constant 0 : i32
        %dma_wait3A_298 = arith.constant 0 : i32
        %dma_wait3A_299 = tpu.memref_slice %arg7[%rem3A_287, %dma_wait3A_297, %dma_wait3A_298] : memref<2x32x768xf32, #tpu.memory_space<vmem>> -> memref<1x32x768xf32, #tpu.memory_space<vmem>>
        %dma_wait3A_300 = tpu.memref_squeeze %dma_wait3A_299 : memref<1x32x768xf32, #tpu.memory_space<vmem>> -> memref<32x768xf32, #tpu.memory_space<vmem>>
        %dma_wait3A_301 = arith.constant 0 : i32
        %dma_wait3A_302 = arith.constant 0 : i32
        %dma_wait3A_303 = tpu.memref_slice %arg4[%dma_wait3A_301, %dma_wait3A_302] : memref<8193x768xf32, #tpu.memory_space<hbm>> -> memref<32x768xf32, #tpu.memory_space<hbm>>
        tpu.wait_dma2 semaphore(%dma_wait3A_296 : memref<!tpu.dma_semaphore, #tpu.memory_space<semaphore_mem>>) src(%dma_wait3A_303 : memref<32x768xf32, #tpu.memory_space<hbm>>) dst(%dma_wait3A_300 : memref<32x768xf32, #tpu.memory_space<vmem>>)
        %add3A_304 = arith.constant 1 : i32
        %add3A_305 = arith.addi %select_n3A, %add3A_304 : i32
        %lt3A_306 = arith.constant 8 : i32
        %lt3A_307 = arith.cmpi slt, %add3A_305, %lt3A_306 : i32
        %convert_element_type3A_308 = arith.extui %lt3A_307 : i1 to i32
        %cond3A_309 = arith.constant 0 : i32
        %cond3A_310 = arith.cmpi ne, %convert_element_type3A_308, %cond3A_309 : i32
        scf.if %cond3A_310 {
          %add3A_311 = arith.constant 1 : i32
          %add3A_312 = arith.addi %select_n3A, %add3A_311 : i32
          %rem3A_313 = arith.constant 2 : i32
          %rem3A_314 = arith.remsi %add3A_312, %rem3A_313 : i32
          %mul3A_315 = arith.constant 256 : i32
          %mul3A_316 = arith.muli %add3A, %mul3A_315 : i32
          %add3A_317 = arith.constant 1 : i32
          %add3A_318 = arith.addi %add3A_317, %mul3A_316 : i32
          %mul3A_319 = arith.constant 32 : i32
          %mul3A_320 = arith.muli %add3A_312, %mul3A_319 : i32
          %add3A_321 = arith.addi %add3A_318, %mul3A_320 : i32
          %add3A_322 = arith.constant 0 : i32
          %add3A_323 = arith.addi %add3A_321, %add3A_322 : i32
          %add3A_324 = vector.broadcast %add3A_323 : i32 to vector<16xi32>
          %add3A_325 = arith.addi %iota3A, %add3A_324 : vector<16xi32>
          %swap3A_326 = arith.index_cast %rem3A_314 : i32 to index
          %swap3A_327 = arith.constant 0 : index
          %swap3A_328 = tpu.vector_load %arg8[%swap3A_326, %swap3A_327] {strides = array<i32>} : memref<2x32xi32, #tpu.memory_space<vmem>>, vector<1x16xi32>,
          %swap3A_329 = vector.shape_cast %swap3A_328 : vector<1x16xi32> to vector<16xi32>
          %swap3A_330 = vector.shape_cast %add3A_325 : vector<16xi32> to vector<1x16xi32>
          tpu.vector_store %arg8[%swap3A_326, %swap3A_327], %swap3A_330 {strides = array<i32>} : memref<2x32xi32, #tpu.memory_space<vmem>>, vector<1x16xi32>,
          %add3A_331 = arith.constant 16 : i32
          %add3A_332 = arith.addi %add3A_321, %add3A_331 : i32
          %add3A_333 = vector.broadcast %add3A_332 : i32 to vector<16xi32>
          %add3A_334 = arith.addi %iota3A, %add3A_333 : vector<16xi32>
          %swap3A_335 = arith.index_cast %rem3A_314 : i32 to index
          %swap3A_336 = arith.constant 16 : index
          %swap3A_337 = tpu.vector_load %arg8[%swap3A_335, %swap3A_336] {strides = array<i32>} : memref<2x32xi32, #tpu.memory_space<vmem>>, vector<1x16xi32>,
          %swap3A_338 = vector.shape_cast %swap3A_337 : vector<1x16xi32> to vector<16xi32>
          %swap3A_339 = vector.shape_cast %add3A_334 : vector<16xi32> to vector<1x16xi32>
          tpu.vector_store %arg8[%swap3A_335, %swap3A_336], %swap3A_339 {strides = array<i32>} : memref<2x32xi32, #tpu.memory_space<vmem>>, vector<1x16xi32>,
          %dma_start3A_340 = arith.constant 0 : i32
          %dma_start3A_341 = arith.constant 0 : i32
          %dma_start3A_342 = tpu.memref_slice %arg7[%rem3A_314, %dma_start3A_340, %dma_start3A_341] : memref<2x32x768xf32, #tpu.memory_space<vmem>> -> memref<1x32x768xf32, #tpu.memory_space<vmem>>
          %dma_start3A_343 = tpu.memref_squeeze %dma_start3A_342 : memref<1x32x768xf32, #tpu.memory_space<vmem>> -> memref<32x768xf32, #tpu.memory_space<vmem>>
          %dma_start3A_344 = arith.constant 0 : i32
          %dma_start3A_345 = tpu.memref_slice %arg8[%rem3A_314, %dma_start3A_344] : memref<2x32xi32, #tpu.memory_space<vmem>> -> memref<1x32xi32, #tpu.memory_space<vmem>>
          %dma_start3A_346 = tpu.memref_squeeze %dma_start3A_345 : memref<1x32xi32, #tpu.memory_space<vmem>> -> memref<32xi32, #tpu.memory_space<vmem>>
          %dma_start3A_347 = arith.constant 0 : i32
          %dma_start3A_348 = arith.constant 0 : i32
          %dma_start3A_349 = tpu.memref_slice %arg4[%dma_start3A_347, %dma_start3A_348] : memref<8193x768xf32, #tpu.memory_space<hbm>> -> memref<8193x768xf32, #tpu.memory_space<hbm>>
          %dma_start3A_350 = tpu.memref_slice %arg15[%rem3A_314] : memref<2x!tpu.dma_semaphore, #tpu.memory_space<semaphore_mem>> -> memref<1x!tpu.dma_semaphore, #tpu.memory_space<semaphore_mem>>
          %dma_start3A_351 = tpu.memref_squeeze %dma_start3A_350 : memref<1x!tpu.dma_semaphore, #tpu.memory_space<semaphore_mem>> -> memref<!tpu.dma_semaphore, #tpu.memory_space<semaphore_mem>>
          tpu.enqueue_indirect_dma source(%dma_start3A_349 : memref<8193x768xf32, #tpu.memory_space<hbm>>) target(%dma_start3A_343 : memref<32x768xf32, #tpu.memory_space<vmem>>) offsets(%dma_start3A_346 : memref<32xi32, #tpu.memory_space<vmem>>) semaphore(%dma_start3A_351 : memref<!tpu.dma_semaphore, #tpu.memory_space<semaphore_mem>>)
        } else {
        }
      } else {
      }
      %add3A_146 = arith.constant 1 : i32
      %add3A_147 = arith.addi %scan3A_108, %add3A_146 : i32
      %lt3A_148 = arith.constant 32 : i32
      %lt3A_149 = arith.cmpi slt, %add3A_147, %lt3A_148 : i32
      %convert_element_type3A_150 = arith.extui %lt3A_149 : i1 to i32
      %cond3A_151 = arith.constant 0 : i32
      %cond3A_152 = arith.cmpi ne, %convert_element_type3A_150, %cond3A_151 : i32
      scf.if %cond3A_152 {
        %ge3A = arith.constant 1 : i32
        %ge3A_286 = arith.cmpi sge, %scan3A_108, %ge3A : i32
        %convert_element_type3A_287 = arith.extui %ge3A_286 : i1 to i32
        %cond3A_288 = arith.constant 0 : i32
        %cond3A_289 = arith.cmpi ne, %convert_element_type3A_287, %cond3A_288 : i32
        scf.if %cond3A_289 {
          %sub3A_356 = arith.constant 1 : i32
          %sub3A_357 = arith.subi %scan3A_108, %sub3A_356 : i32
          %rem3A_358 = arith.constant 2 : i32
          %rem3A_359 = arith.remsi %sub3A_357, %rem3A_358 : i32
          %dma_wait3A_360 = arith.constant 0 : i32
          %dma_wait3A_361 = arith.constant 0 : i32
          %dma_wait3A_362 = tpu.memref_slice %arg6[%rem3A_359, %dma_wait3A_360, %dma_wait3A_361] : memref<2x32x768xf32, #tpu.memory_space<vmem>> -> memref<1x32x768xf32, #tpu.memory_space<vmem>>
          %dma_wait3A_363 = tpu.memref_squeeze %dma_wait3A_362 : memref<1x32x768xf32, #tpu.memory_space<vmem>> -> memref<32x768xf32, #tpu.memory_space<vmem>>
          %dma_wait3A_364 = arith.constant 0 : i32
          %dma_wait3A_365 = arith.constant 0 : i32
          %dma_wait3A_366 = tpu.memref_slice %arg2[%dma_wait3A_364, %dma_wait3A_365] : memref<32768x768xf32, #tpu.memory_space<hbm>> -> memref<32x768xf32, #tpu.memory_space<hbm>>
          %dma_wait3A_367 = tpu.memref_slice %arg14[%rem3A_359] : memref<2x!tpu.dma_semaphore, #tpu.memory_space<semaphore_mem>> -> memref<1x!tpu.dma_semaphore, #tpu.memory_space<semaphore_mem>>
          %dma_wait3A_368 = tpu.memref_squeeze %dma_wait3A_367 : memref<1x!tpu.dma_semaphore, #tpu.memory_space<semaphore_mem>> -> memref<!tpu.dma_semaphore, #tpu.memory_space<semaphore_mem>>
          %dma_wait3A_369 = arith.constant 0 : i32
          %dma_wait3A_370 = arith.constant 0 : i32
          %dma_wait3A_371 = tpu.memref_slice %arg6[%rem3A_359, %dma_wait3A_369, %dma_wait3A_370] : memref<2x32x768xf32, #tpu.memory_space<vmem>> -> memref<1x32x768xf32, #tpu.memory_space<vmem>>
          %dma_wait3A_372 = tpu.memref_squeeze %dma_wait3A_371 : memref<1x32x768xf32, #tpu.memory_space<vmem>> -> memref<32x768xf32, #tpu.memory_space<vmem>>
          %dma_wait3A_373 = arith.constant 0 : i32
          %dma_wait3A_374 = arith.constant 0 : i32
          %dma_wait3A_375 = tpu.memref_slice %arg2[%dma_wait3A_373, %dma_wait3A_374] : memref<32768x768xf32, #tpu.memory_space<hbm>> -> memref<32x768xf32, #tpu.memory_space<hbm>>
          tpu.wait_dma2 semaphore(%dma_wait3A_368 : memref<!tpu.dma_semaphore, #tpu.memory_space<semaphore_mem>>) src(%dma_wait3A_375 : memref<32x768xf32, #tpu.memory_space<hbm>>) dst(%dma_wait3A_372 : memref<32x768xf32, #tpu.memory_space<vmem>>)
        } else {
        }
        %add3A_290 = arith.constant 1 : i32
        %add3A_291 = arith.addi %scan3A_108, %add3A_290 : i32
        %jit3A_292 = arith.constant 4 : i32
        %div3A_293 = arith.divsi %add3A_291, %jit3A_292 : i32
        %sign3A_294 = arith.constant 0 : i32
        %sign3A_295 = arith.cmpi sgt, %add3A_291, %sign3A_294 : i32
        %sign3A_296 = arith.extui %sign3A_295 : i1 to i32
        %sign3A_297 = arith.constant 0 : i32
        %sign3A_298 = arith.cmpi slt, %add3A_291, %sign3A_297 : i32
        %sign3A_299 = arith.extui %sign3A_298 : i1 to i32
        %sign3A_300 = arith.subi %sign3A_296, %sign3A_299 : i32
        %sign3A_301 = arith.constant 0 : i32
        %sign3A_302 = arith.cmpi sgt, %jit3A_292, %sign3A_301 : i32
        %sign3A_303 = arith.extui %sign3A_302 : i1 to i32
        %sign3A_304 = arith.constant 0 : i32
        %sign3A_305 = arith.cmpi slt, %jit3A_292, %sign3A_304 : i32
        %sign3A_306 = arith.extui %sign3A_305 : i1 to i32
        %sign3A_307 = arith.subi %sign3A_303, %sign3A_306 : i32
        %ne3A_308 = arith.cmpi ne, %sign3A_300, %sign3A_307 : i32
        %rem3A_309 = arith.remsi %add3A_291, %jit3A_292 : i32
        %ne3A_310 = arith.constant 0 : i32
        %ne3A_311 = arith.cmpi ne, %rem3A_309, %ne3A_310 : i32
        %and3A_312 = arith.andi %ne3A_308, %ne3A_311 : i1
        %sub3A_313 = arith.constant 1 : i32
        %sub3A_314 = arith.subi %div3A_293, %sub3A_313 : i32
        %select_n3A_315 = arith.select %and3A_312, %sub3A_314, %div3A_293 : i32
        %jit3A_316 = arith.constant 4 : i32
        %eq3A_317 = arith.constant 0 : i32
        %eq3A_318 = arith.cmpi eq, %jit3A_316, %eq3A_317 : i32
        %jit3A_319 = arith.constant 1 : i32
        %select_n3A_320 = arith.select %eq3A_318, %jit3A_319, %jit3A_316 : i32
        %rem3A_321 = arith.remsi %add3A_291, %select_n3A_320 : i32
        %ne3A_322 = arith.constant 0 : i32
        %ne3A_323 = arith.cmpi ne, %rem3A_321, %ne3A_322 : i32
        %lt3A_324 = arith.constant 0 : i32
        %lt3A_325 = arith.cmpi slt, %rem3A_321, %lt3A_324 : i32
        %lt3A_326 = arith.constant 0 : i32
        %lt3A_327 = arith.cmpi slt, %select_n3A_320, %lt3A_326 : i32
        %ne3A_328 = arith.xori %lt3A_325, %lt3A_327 : i1
        %and3A_329 = arith.andi %ne3A_328, %ne3A_323 : i1
        %add3A_330 = arith.addi %rem3A_321, %select_n3A_320 : i32
        %select_n3A_331 = arith.select %and3A_329, %add3A_330, %rem3A_321 : i32
        %rem3A_332 = arith.constant 2 : i32
        %rem3A_333 = arith.remsi %add3A_291, %rem3A_332 : i32
        %mul3A_334 = arith.constant 8192 : i32
        %mul3A_335 = arith.muli %select_n3A_331, %mul3A_334 : i32
        %mul3A_336 = arith.constant 256 : i32
        %mul3A_337 = arith.muli %add3A, %mul3A_336 : i32
        %add3A_338 = arith.addi %mul3A_335, %mul3A_337 : i32
        %mul3A_339 = arith.constant 32 : i32
        %mul3A_340 = arith.muli %select_n3A_315, %mul3A_339 : i32
        %add3A_341 = arith.addi %add3A_338, %mul3A_340 : i32
        %dma_start3A_342 = arith.constant 0 : i32
        %dma_start3A_343 = arith.constant 0 : i32
        %dma_start3A_344 = tpu.memref_slice %arg6[%rem3A_333, %dma_start3A_342, %dma_start3A_343] : memref<2x32x768xf32, #tpu.memory_space<vmem>> -> memref<1x32x768xf32, #tpu.memory_space<vmem>>
        %dma_start3A_345 = tpu.memref_squeeze %dma_start3A_344 : memref<1x32x768xf32, #tpu.memory_space<vmem>> -> memref<32x768xf32, #tpu.memory_space<vmem>>
        %dma_start3A_346 = arith.constant 0 : i32
        %dma_start3A_347 = tpu.memref_slice %arg2[%add3A_341, %dma_start3A_346] : memref<32768x768xf32, #tpu.memory_space<hbm>> -> memref<32x768xf32, #tpu.memory_space<hbm>>
        %dma_start3A_348 = tpu.memref_slice %arg13[%rem3A_333] : memref<2x!tpu.dma_semaphore, #tpu.memory_space<semaphore_mem>> -> memref<1x!tpu.dma_semaphore, #tpu.memory_space<semaphore_mem>>
        %dma_start3A_349 = tpu.memref_squeeze %dma_start3A_348 : memref<1x!tpu.dma_semaphore, #tpu.memory_space<semaphore_mem>> -> memref<!tpu.dma_semaphore, #tpu.memory_space<semaphore_mem>>
        %dma_start3A_350 = arith.constant 0 : i32
        %dma_start3A_351 = arith.constant 0 : i32
        %dma_start3A_352 = tpu.memref_slice %arg6[%rem3A_333, %dma_start3A_350, %dma_start3A_351] : memref<2x32x768xf32, #tpu.memory_space<vmem>> -> memref<1x32x768xf32, #tpu.memory_space<vmem>>
        %dma_start3A_353 = tpu.memref_squeeze %dma_start3A_352 : memref<1x32x768xf32, #tpu.memory_space<vmem>> -> memref<32x768xf32, #tpu.memory_space<vmem>>
        %dma_start3A_354 = arith.constant 0 : i32
        %dma_start3A_355 = tpu.memref_slice %arg2[%add3A_341, %dma_start3A_354] : memref<32768x768xf32, #tpu.memory_space<hbm>> -> memref<32x768xf32, #tpu.memory_space<hbm>>
        tpu.enqueue_dma source(%dma_start3A_355 : memref<32x768xf32, #tpu.memory_space<hbm>>) target(%dma_start3A_353 : memref<32x768xf32, #tpu.memory_space<vmem>>) target_semaphore(%dma_start3A_349 : memref<!tpu.dma_semaphore, #tpu.memory_space<semaphore_mem>>)
      } else {
      }
      %rem3A_153 = arith.constant 2 : i32
      %rem3A_154 = arith.remsi %scan3A_108, %rem3A_153 : i32
      %dma_wait3A_155 = arith.constant 0 : i32
      %dma_wait3A_156 = arith.constant 0 : i32
      %dma_wait3A_157 = tpu.memref_slice %arg6[%rem3A_154, %dma_wait3A_155, %dma_wait3A_156] : memref<2x32x768xf32, #tpu.memory_space<vmem>> -> memref<1x32x768xf32, #tpu.memory_space<vmem>>
      %dma_wait3A_158 = tpu.memref_squeeze %dma_wait3A_157 : memref<1x32x768xf32, #tpu.memory_space<vmem>> -> memref<32x768xf32, #tpu.memory_space<vmem>>
      %dma_wait3A_159 = arith.constant 0 : i32
      %dma_wait3A_160 = arith.constant 0 : i32
      %dma_wait3A_161 = tpu.memref_slice %arg2[%dma_wait3A_159, %dma_wait3A_160] : memref<32768x768xf32, #tpu.memory_space<hbm>> -> memref<32x768xf32, #tpu.memory_space<hbm>>
      %dma_wait3A_162 = tpu.memref_slice %arg13[%rem3A_154] : memref<2x!tpu.dma_semaphore, #tpu.memory_space<semaphore_mem>> -> memref<1x!tpu.dma_semaphore, #tpu.memory_space<semaphore_mem>>
      %dma_wait3A_163 = tpu.memref_squeeze %dma_wait3A_162 : memref<1x!tpu.dma_semaphore, #tpu.memory_space<semaphore_mem>> -> memref<!tpu.dma_semaphore, #tpu.memory_space<semaphore_mem>>
      %dma_wait3A_164 = arith.constant 0 : i32
      %dma_wait3A_165 = arith.constant 0 : i32
      %dma_wait3A_166 = tpu.memref_slice %arg6[%rem3A_154, %dma_wait3A_164, %dma_wait3A_165] : memref<2x32x768xf32, #tpu.memory_space<vmem>> -> memref<1x32x768xf32, #tpu.memory_space<vmem>>
      %dma_wait3A_167 = tpu.memref_squeeze %dma_wait3A_166 : memref<1x32x768xf32, #tpu.memory_space<vmem>> -> memref<32x768xf32, #tpu.memory_space<vmem>>
      %dma_wait3A_168 = arith.constant 0 : i32
      %dma_wait3A_169 = arith.constant 0 : i32
      %dma_wait3A_170 = tpu.memref_slice %arg2[%dma_wait3A_168, %dma_wait3A_169] : memref<32768x768xf32, #tpu.memory_space<hbm>> -> memref<32x768xf32, #tpu.memory_space<hbm>>
      tpu.wait_dma2 semaphore(%dma_wait3A_163 : memref<!tpu.dma_semaphore, #tpu.memory_space<semaphore_mem>>) src(%dma_wait3A_170 : memref<32x768xf32, #tpu.memory_space<hbm>>) dst(%dma_wait3A_167 : memref<32x768xf32, #tpu.memory_space<vmem>>)
      %rem3A_171 = arith.constant 2 : i32
      %rem3A_172 = arith.remsi %scan3A_108, %rem3A_171 : i32
      %jit3A_173 = arith.constant 4 : i32
      %div3A_174 = arith.divsi %scan3A_108, %jit3A_173 : i32
      %sign3A_175 = arith.constant 0 : i32
      %sign3A_176 = arith.cmpi sgt, %scan3A_108, %sign3A_175 : i32
      %sign3A_177 = arith.extui %sign3A_176 : i1 to i32
      %sign3A_178 = arith.constant 0 : i32
      %sign3A_179 = arith.cmpi slt, %scan3A_108, %sign3A_178 : i32
      %sign3A_180 = arith.extui %sign3A_179 : i1 to i32
      %sign3A_181 = arith.subi %sign3A_177, %sign3A_180 : i32
      %sign3A_182 = arith.constant 0 : i32
      %sign3A_183 = arith.cmpi sgt, %jit3A_173, %sign3A_182 : i32
      %sign3A_184 = arith.extui %sign3A_183 : i1 to i32
      %sign3A_185 = arith.constant 0 : i32
      %sign3A_186 = arith.cmpi slt, %jit3A_173, %sign3A_185 : i32
      %sign3A_187 = arith.extui %sign3A_186 : i1 to i32
      %sign3A_188 = arith.subi %sign3A_184, %sign3A_187 : i32
      %ne3A_189 = arith.cmpi ne, %sign3A_181, %sign3A_188 : i32
      %rem3A_190 = arith.remsi %scan3A_108, %jit3A_173 : i32
      %ne3A_191 = arith.constant 0 : i32
      %ne3A_192 = arith.cmpi ne, %rem3A_190, %ne3A_191 : i32
      %and3A_193 = arith.andi %ne3A_189, %ne3A_192 : i1
      %sub3A_194 = arith.constant 1 : i32
      %sub3A_195 = arith.subi %div3A_174, %sub3A_194 : i32
      %select_n3A_196 = arith.select %and3A_193, %sub3A_195, %div3A_174 : i32
      %rem3A_197 = arith.constant 2 : i32
      %rem3A_198 = arith.remsi %select_n3A_196, %rem3A_197 : i32
      %scan3A_199 = arith.constant 0 : i32
      %scan3A_200 = arith.constant 32 : i32
      %scan3A_201 = arith.addi %scan3A_199, %scan3A_200 : i32
      %scan3A_202 = arith.constant 1 : i32
      scf.for %scan3A_286 = %scan3A_199 to %scan3A_201 step %scan3A_202  : i32 {
        %get3A = arith.index_cast %rem3A_172 : i32 to index
        %get3A_287 = arith.index_cast %scan3A_286 : i32 to index
        %get3A_288 = arith.constant 0 : index
        %get3A_289 = tpu.vector_load %arg6[%get3A, %get3A_287, %get3A_288] {strides = array<i32>} : memref<2x32x768xf32, #tpu.memory_space<vmem>>, vector<1x1x16xf32>,
        %get3A_290 = vector.shape_cast %get3A_289 : vector<1x1x16xf32> to vector<16xf32>
        %get3A_291 = arith.index_cast %rem3A_198 : i32 to index
        %get3A_292 = arith.index_cast %scan3A_286 : i32 to index
        %get3A_293 = arith.constant 0 : index
        %get3A_294 = tpu.vector_load %arg7[%get3A_291, %get3A_292, %get3A_293] {strides = array<i32>} : memref<2x32x768xf32, #tpu.memory_space<vmem>>, vector<1x1x16xf32>,
        %get3A_295 = vector.shape_cast %get3A_294 : vector<1x1x16xf32> to vector<16xf32>
        %add3A_296 = arith.addf %get3A_290, %get3A_295 : vector<16xf32>
        %swap3A_297 = arith.index_cast %rem3A_172 : i32 to index
        %swap3A_298 = arith.index_cast %scan3A_286 : i32 to index
        %swap3A_299 = arith.constant 0 : index
        %swap3A_300 = tpu.vector_load %arg6[%swap3A_297, %swap3A_298, %swap3A_299] {strides = array<i32>} : memref<2x32x768xf32, #tpu.memory_space<vmem>>, vector<1x1x16xf32>,
        %swap3A_301 = vector.shape_cast %swap3A_300 : vector<1x1x16xf32> to vector<16xf32>
        %swap3A_302 = vector.shape_cast %add3A_296 : vector<16xf32> to vector<1x1x16xf32>
        tpu.vector_store %arg6[%swap3A_297, %swap3A_298, %swap3A_299], %swap3A_302 {strides = array<i32>} : memref<2x32x768xf32, #tpu.memory_space<vmem>>, vector<1x1x16xf32>,
        %get3A_303 = arith.index_cast %rem3A_172 : i32 to index
        %get3A_304 = arith.index_cast %scan3A_286 : i32 to index
        %get3A_305 = arith.constant 16 : index
        %get3A_306 = tpu.vector_load %arg6[%get3A_303, %get3A_304, %get3A_305] {strides = array<i32>} : memref<2x32x768xf32, #tpu.memory_space<vmem>>, vector<1x1x16xf32>,
        %get3A_307 = vector.shape_cast %get3A_306 : vector<1x1x16xf32> to vector<16xf32>
        %get3A_308 = arith.index_cast %rem3A_198 : i32 to index
        %get3A_309 = arith.index_cast %scan3A_286 : i32 to index
        %get3A_310 = arith.constant 16 : index
        %get3A_311 = tpu.vector_load %arg7[%get3A_308, %get3A_309, %get3A_310] {strides = array<i32>} : memref<2x32x768xf32, #tpu.memory_space<vmem>>, vector<1x1x16xf32>,
        %get3A_312 = vector.shape_cast %get3A_311 : vector<1x1x16xf32> to vector<16xf32>
        %add3A_313 = arith.addf %get3A_307, %get3A_312 : vector<16xf32>
        %swap3A_314 = arith.index_cast %rem3A_172 : i32 to index
        %swap3A_315 = arith.index_cast %scan3A_286 : i32 to index
        %swap3A_316 = arith.constant 16 : index
        %swap3A_317 = tpu.vector_load %arg6[%swap3A_314, %swap3A_315, %swap3A_316] {strides = array<i32>} : memref<2x32x768xf32, #tpu.memory_space<vmem>>, vector<1x1x16xf32>,
        %swap3A_318 = vector.shape_cast %swap3A_317 : vector<1x1x16xf32> to vector<16xf32>
        %swap3A_319 = vector.shape_cast %add3A_313 : vector<16xf32> to vector<1x1x16xf32>
        tpu.vector_store %arg6[%swap3A_314, %swap3A_315, %swap3A_316], %swap3A_319 {strides = array<i32>} : memref<2x32x768xf32, #tpu.memory_space<vmem>>, vector<1x1x16xf32>,
        %get3A_320 = arith.index_cast %rem3A_172 : i32 to index
        %get3A_321 = arith.index_cast %scan3A_286 : i32 to index
        %get3A_322 = arith.constant 32 : index
        %get3A_323 = tpu.vector_load %arg6[%get3A_320, %get3A_321, %get3A_322] {strides = array<i32>} : memref<2x32x768xf32, #tpu.memory_space<vmem>>, vector<1x1x16xf32>,
        %get3A_324 = vector.shape_cast %get3A_323 : vector<1x1x16xf32> to vector<16xf32>
        %get3A_325 = arith.index_cast %rem3A_198 : i32 to index
        %get3A_326 = arith.index_cast %scan3A_286 : i32 to index
        %get3A_327 = arith.constant 32 : index
        %get3A_328 = tpu.vector_load %arg7[%get3A_325, %get3A_326, %get3A_327] {strides = array<i32>} : memref<2x32x768xf32, #tpu.memory_space<vmem>>, vector<1x1x16xf32>,
        %get3A_329 = vector.shape_cast %get3A_328 : vector<1x1x16xf32> to vector<16xf32>
        %add3A_330 = arith.addf %get3A_324, %get3A_329 : vector<16xf32>
        %swap3A_331 = arith.index_cast %rem3A_172 : i32 to index
        %swap3A_332 = arith.index_cast %scan3A_286 : i32 to index
        %swap3A_333 = arith.constant 32 : index
        %swap3A_334 = tpu.vector_load %arg6[%swap3A_331, %swap3A_332, %swap3A_333] {strides = array<i32>} : memref<2x32x768xf32, #tpu.memory_space<vmem>>, vector<1x1x16xf32>,
        %swap3A_335 = vector.shape_cast %swap3A_334 : vector<1x1x16xf32> to vector<16xf32>
        %swap3A_336 = vector.shape_cast %add3A_330 : vector<16xf32> to vector<1x1x16xf32>
        tpu.vector_store %arg6[%swap3A_331, %swap3A_332, %swap3A_333], %swap3A_336 {strides = array<i32>} : memref<2x32x768xf32, #tpu.memory_space<vmem>>, vector<1x1x16xf32>,
        %get3A_337 = arith.index_cast %rem3A_172 : i32 to index
        %get3A_338 = arith.index_cast %scan3A_286 : i32 to index
        %get3A_339 = arith.constant 48 : index
        %get3A_340 = tpu.vector_load %arg6[%get3A_337, %get3A_338, %get3A_339] {strides = array<i32>} : memref<2x32x768xf32, #tpu.memory_space<vmem>>, vector<1x1x16xf32>,
        %get3A_341 = vector.shape_cast %get3A_340 : vector<1x1x16xf32> to vector<16xf32>
        %get3A_342 = arith.index_cast %rem3A_198 : i32 to index
        %get3A_343 = arith.index_cast %scan3A_286 : i32 to index
        %get3A_344 = arith.constant 48 : index
        %get3A_345 = tpu.vector_load %arg7[%get3A_342, %get3A_343, %get3A_344] {strides = array<i32>} : memref<2x32x768xf32, #tpu.memory_space<vmem>>, vector<1x1x16xf32>,
        %get3A_346 = vector.shape_cast %get3A_345 : vector<1x1x16xf32> to vector<16xf32>
        %add3A_347 = arith.addf %get3A_341, %get3A_346 : vector<16xf32>
        %swap3A_348 = arith.index_cast %rem3A_172 : i32 to index
        %swap3A_349 = arith.index_cast %scan3A_286 : i32 to index
        %swap3A_350 = arith.constant 48 : index
        %swap3A_351 = tpu.vector_load %arg6[%swap3A_348, %swap3A_349, %swap3A_350] {strides = array<i32>} : memref<2x32x768xf32, #tpu.memory_space<vmem>>, vector<1x1x16xf32>,
        %swap3A_352 = vector.shape_cast %swap3A_351 : vector<1x1x16xf32> to vector<16xf32>
        %swap3A_353 = vector.shape_cast %add3A_347 : vector<16xf32> to vector<1x1x16xf32>
        tpu.vector_store %arg6[%swap3A_348, %swap3A_349, %swap3A_350], %swap3A_353 {strides = array<i32>} : memref<2x32x768xf32, #tpu.memory_space<vmem>>, vector<1x1x16xf32>,
        %get3A_354 = arith.index_cast %rem3A_172 : i32 to index
        %get3A_355 = arith.index_cast %scan3A_286 : i32 to index
        %get3A_356 = arith.constant 64 : index
        %get3A_357 = tpu.vector_load %arg6[%get3A_354, %get3A_355, %get3A_356] {strides = array<i32>} : memref<2x32x768xf32, #tpu.memory_space<vmem>>, vector<1x1x16xf32>,
        %get3A_358 = vector.shape_cast %get3A_357 : vector<1x1x16xf32> to vector<16xf32>
        %get3A_359 = arith.index_cast %rem3A_198 : i32 to index
        %get3A_360 = arith.index_cast %scan3A_286 : i32 to index
        %get3A_361 = arith.constant 64 : index
        %get3A_362 = tpu.vector_load %arg7[%get3A_359, %get3A_360, %get3A_361] {strides = array<i32>} : memref<2x32x768xf32, #tpu.memory_space<vmem>>, vector<1x1x16xf32>,
        %get3A_363 = vector.shape_cast %get3A_362 : vector<1x1x16xf32> to vector<16xf32>
        %add3A_364 = arith.addf %get3A_358, %get3A_363 : vector<16xf32>
        %swap3A_365 = arith.index_cast %rem3A_172 : i32 to index
        %swap3A_366 = arith.index_cast %scan3A_286 : i32 to index
        %swap3A_367 = arith.constant 64 : index
        %swap3A_368 = tpu.vector_load %arg6[%swap3A_365, %swap3A_366, %swap3A_367] {strides = array<i32>} : memref<2x32x768xf32, #tpu.memory_space<vmem>>, vector<1x1x16xf32>,
        %swap3A_369 = vector.shape_cast %swap3A_368 : vector<1x1x16xf32> to vector<16xf32>
        %swap3A_370 = vector.shape_cast %add3A_364 : vector<16xf32> to vector<1x1x16xf32>
        tpu.vector_store %arg6[%swap3A_365, %swap3A_366, %swap3A_367], %swap3A_370 {strides = array<i32>} : memref<2x32x768xf32, #tpu.memory_space<vmem>>, vector<1x1x16xf32>,
        %get3A_371 = arith.index_cast %rem3A_172 : i32 to index
        %get3A_372 = arith.index_cast %scan3A_286 : i32 to index
        %get3A_373 = arith.constant 80 : index
        %get3A_374 = tpu.vector_load %arg6[%get3A_371, %get3A_372, %get3A_373] {strides = array<i32>} : memref<2x32x768xf32, #tpu.memory_space<vmem>>, vector<1x1x16xf32>,
        %get3A_375 = vector.shape_cast %get3A_374 : vector<1x1x16xf32> to vector<16xf32>
        %get3A_376 = arith.index_cast %rem3A_198 : i32 to index
        %get3A_377 = arith.index_cast %scan3A_286 : i32 to index
        %get3A_378 = arith.constant 80 : index
        %get3A_379 = tpu.vector_load %arg7[%get3A_376, %get3A_377, %get3A_378] {strides = array<i32>} : memref<2x32x768xf32, #tpu.memory_space<vmem>>, vector<1x1x16xf32>,
        %get3A_380 = vector.shape_cast %get3A_379 : vector<1x1x16xf32> to vector<16xf32>
        %add3A_381 = arith.addf %get3A_375, %get3A_380 : vector<16xf32>
        %swap3A_382 = arith.index_cast %rem3A_172 : i32 to index
        %swap3A_383 = arith.index_cast %scan3A_286 : i32 to index
        %swap3A_384 = arith.constant 80 : index
        %swap3A_385 = tpu.vector_load %arg6[%swap3A_382, %swap3A_383, %swap3A_384] {strides = array<i32>} : memref<2x32x768xf32, #tpu.memory_space<vmem>>, vector<1x1x16xf32>,
        %swap3A_386 = vector.shape_cast %swap3A_385 : vector<1x1x16xf32> to vector<16xf32>
        %swap3A_387 = vector.shape_cast %add3A_381 : vector<16xf32> to vector<1x1x16xf32>
        tpu.vector_store %arg6[%swap3A_382, %swap3A_383, %swap3A_384], %swap3A_387 {strides = array<i32>} : memref<2x32x768xf32, #tpu.memory_space<vmem>>, vector<1x1x16xf32>,
        %get3A_388 = arith.index_cast %rem3A_172 : i32 to index
        %get3A_389 = arith.index_cast %scan3A_286 : i32 to index
        %get3A_390 = arith.constant 96 : index
        %get3A_391 = tpu.vector_load %arg6[%get3A_388, %get3A_389, %get3A_390] {strides = array<i32>} : memref<2x32x768xf32, #tpu.memory_space<vmem>>, vector<1x1x16xf32>,
        %get3A_392 = vector.shape_cast %get3A_391 : vector<1x1x16xf32> to vector<16xf32>
        %get3A_393 = arith.index_cast %rem3A_198 : i32 to index
        %get3A_394 = arith.index_cast %scan3A_286 : i32 to index
        %get3A_395 = arith.constant 96 : index
        %get3A_396 = tpu.vector_load %arg7[%get3A_393, %get3A_394, %get3A_395] {strides = array<i32>} : memref<2x32x768xf32, #tpu.memory_space<vmem>>, vector<1x1x16xf32>,
        %get3A_397 = vector.shape_cast %get3A_396 : vector<1x1x16xf32> to vector<16xf32>
        %add3A_398 = arith.addf %get3A_392, %get3A_397 : vector<16xf32>
        %swap3A_399 = arith.index_cast %rem3A_172 : i32 to index
        %swap3A_400 = arith.index_cast %scan3A_286 : i32 to index
        %swap3A_401 = arith.constant 96 : index
        %swap3A_402 = tpu.vector_load %arg6[%swap3A_399, %swap3A_400, %swap3A_401] {strides = array<i32>} : memref<2x32x768xf32, #tpu.memory_space<vmem>>, vector<1x1x16xf32>,
        %swap3A_403 = vector.shape_cast %swap3A_402 : vector<1x1x16xf32> to vector<16xf32>
        %swap3A_404 = vector.shape_cast %add3A_398 : vector<16xf32> to vector<1x1x16xf32>
        tpu.vector_store %arg6[%swap3A_399, %swap3A_400, %swap3A_401], %swap3A_404 {strides = array<i32>} : memref<2x32x768xf32, #tpu.memory_space<vmem>>, vector<1x1x16xf32>,
        %get3A_405 = arith.index_cast %rem3A_172 : i32 to index
        %get3A_406 = arith.index_cast %scan3A_286 : i32 to index
        %get3A_407 = arith.constant 112 : index
        %get3A_408 = tpu.vector_load %arg6[%get3A_405, %get3A_406, %get3A_407] {strides = array<i32>} : memref<2x32x768xf32, #tpu.memory_space<vmem>>, vector<1x1x16xf32>,
        %get3A_409 = vector.shape_cast %get3A_408 : vector<1x1x16xf32> to vector<16xf32>
        %get3A_410 = arith.index_cast %rem3A_198 : i32 to index
        %get3A_411 = arith.index_cast %scan3A_286 : i32 to index
        %get3A_412 = arith.constant 112 : index
        %get3A_413 = tpu.vector_load %arg7[%get3A_410, %get3A_411, %get3A_412] {strides = array<i32>} : memref<2x32x768xf32, #tpu.memory_space<vmem>>, vector<1x1x16xf32>,
        %get3A_414 = vector.shape_cast %get3A_413 : vector<1x1x16xf32> to vector<16xf32>
        %add3A_415 = arith.addf %get3A_409, %get3A_414 : vector<16xf32>
        %swap3A_416 = arith.index_cast %rem3A_172 : i32 to index
        %swap3A_417 = arith.index_cast %scan3A_286 : i32 to index
        %swap3A_418 = arith.constant 112 : index
        %swap3A_419 = tpu.vector_load %arg6[%swap3A_416, %swap3A_417, %swap3A_418] {strides = array<i32>} : memref<2x32x768xf32, #tpu.memory_space<vmem>>, vector<1x1x16xf32>,
        %swap3A_420 = vector.shape_cast %swap3A_419 : vector<1x1x16xf32> to vector<16xf32>
        %swap3A_421 = vector.shape_cast %add3A_415 : vector<16xf32> to vector<1x1x16xf32>
        tpu.vector_store %arg6[%swap3A_416, %swap3A_417, %swap3A_418], %swap3A_421 {strides = array<i32>} : memref<2x32x768xf32, #tpu.memory_space<vmem>>, vector<1x1x16xf32>,
        %get3A_422 = arith.index_cast %rem3A_172 : i32 to index
        %get3A_423 = arith.index_cast %scan3A_286 : i32 to index
        %get3A_424 = arith.constant 128 : index
        %get3A_425 = tpu.vector_load %arg6[%get3A_422, %get3A_423, %get3A_424] {strides = array<i32>} : memref<2x32x768xf32, #tpu.memory_space<vmem>>, vector<1x1x16xf32>,
        %get3A_426 = vector.shape_cast %get3A_425 : vector<1x1x16xf32> to vector<16xf32>
        %get3A_427 = arith.index_cast %rem3A_198 : i32 to index
        %get3A_428 = arith.index_cast %scan3A_286 : i32 to index
        %get3A_429 = arith.constant 128 : index
        %get3A_430 = tpu.vector_load %arg7[%get3A_427, %get3A_428, %get3A_429] {strides = array<i32>} : memref<2x32x768xf32, #tpu.memory_space<vmem>>, vector<1x1x16xf32>,
        %get3A_431 = vector.shape_cast %get3A_430 : vector<1x1x16xf32> to vector<16xf32>
        %add3A_432 = arith.addf %get3A_426, %get3A_431 : vector<16xf32>
        %swap3A_433 = arith.index_cast %rem3A_172 : i32 to index
        %swap3A_434 = arith.index_cast %scan3A_286 : i32 to index
        %swap3A_435 = arith.constant 128 : index
        %swap3A_436 = tpu.vector_load %arg6[%swap3A_433, %swap3A_434, %swap3A_435] {strides = array<i32>} : memref<2x32x768xf32, #tpu.memory_space<vmem>>, vector<1x1x16xf32>,
        %swap3A_437 = vector.shape_cast %swap3A_436 : vector<1x1x16xf32> to vector<16xf32>
        %swap3A_438 = vector.shape_cast %add3A_432 : vector<16xf32> to vector<1x1x16xf32>
        tpu.vector_store %arg6[%swap3A_433, %swap3A_434, %swap3A_435], %swap3A_438 {strides = array<i32>} : memref<2x32x768xf32, #tpu.memory_space<vmem>>, vector<1x1x16xf32>,
        %get3A_439 = arith.index_cast %rem3A_172 : i32 to index
        %get3A_440 = arith.index_cast %scan3A_286 : i32 to index
        %get3A_441 = arith.constant 144 : index
        %get3A_442 = tpu.vector_load %arg6[%get3A_439, %get3A_440, %get3A_441] {strides = array<i32>} : memref<2x32x768xf32, #tpu.memory_space<vmem>>, vector<1x1x16xf32>,
        %get3A_443 = vector.shape_cast %get3A_442 : vector<1x1x16xf32> to vector<16xf32>
        %get3A_444 = arith.index_cast %rem3A_198 : i32 to index
        %get3A_445 = arith.index_cast %scan3A_286 : i32 to index
        %get3A_446 = arith.constant 144 : index
        %get3A_447 = tpu.vector_load %arg7[%get3A_444, %get3A_445, %get3A_446] {strides = array<i32>} : memref<2x32x768xf32, #tpu.memory_space<vmem>>, vector<1x1x16xf32>,
        %get3A_448 = vector.shape_cast %get3A_447 : vector<1x1x16xf32> to vector<16xf32>
        %add3A_449 = arith.addf %get3A_443, %get3A_448 : vector<16xf32>
        %swap3A_450 = arith.index_cast %rem3A_172 : i32 to index
        %swap3A_451 = arith.index_cast %scan3A_286 : i32 to index
        %swap3A_452 = arith.constant 144 : index
        %swap3A_453 = tpu.vector_load %arg6[%swap3A_450, %swap3A_451, %swap3A_452] {strides = array<i32>} : memref<2x32x768xf32, #tpu.memory_space<vmem>>, vector<1x1x16xf32>,
        %swap3A_454 = vector.shape_cast %swap3A_453 : vector<1x1x16xf32> to vector<16xf32>
        %swap3A_455 = vector.shape_cast %add3A_449 : vector<16xf32> to vector<1x1x16xf32>
        tpu.vector_store %arg6[%swap3A_450, %swap3A_451, %swap3A_452], %swap3A_455 {strides = array<i32>} : memref<2x32x768xf32, #tpu.memory_space<vmem>>, vector<1x1x16xf32>,
        %get3A_456 = arith.index_cast %rem3A_172 : i32 to index
        %get3A_457 = arith.index_cast %scan3A_286 : i32 to index
        %get3A_458 = arith.constant 160 : index
        %get3A_459 = tpu.vector_load %arg6[%get3A_456, %get3A_457, %get3A_458] {strides = array<i32>} : memref<2x32x768xf32, #tpu.memory_space<vmem>>, vector<1x1x16xf32>,
        %get3A_460 = vector.shape_cast %get3A_459 : vector<1x1x16xf32> to vector<16xf32>
        %get3A_461 = arith.index_cast %rem3A_198 : i32 to index
        %get3A_462 = arith.index_cast %scan3A_286 : i32 to index
        %get3A_463 = arith.constant 160 : index
        %get3A_464 = tpu.vector_load %arg7[%get3A_461, %get3A_462, %get3A_463] {strides = array<i32>} : memref<2x32x768xf32, #tpu.memory_space<vmem>>, vector<1x1x16xf32>,
        %get3A_465 = vector.shape_cast %get3A_464 : vector<1x1x16xf32> to vector<16xf32>
        %add3A_466 = arith.addf %get3A_460, %get3A_465 : vector<16xf32>
        %swap3A_467 = arith.index_cast %rem3A_172 : i32 to index
        %swap3A_468 = arith.index_cast %scan3A_286 : i32 to index
        %swap3A_469 = arith.constant 160 : index
        %swap3A_470 = tpu.vector_load %arg6[%swap3A_467, %swap3A_468, %swap3A_469] {strides = array<i32>} : memref<2x32x768xf32, #tpu.memory_space<vmem>>, vector<1x1x16xf32>,
        %swap3A_471 = vector.shape_cast %swap3A_470 : vector<1x1x16xf32> to vector<16xf32>
        %swap3A_472 = vector.shape_cast %add3A_466 : vector<16xf32> to vector<1x1x16xf32>
        tpu.vector_store %arg6[%swap3A_467, %swap3A_468, %swap3A_469], %swap3A_472 {strides = array<i32>} : memref<2x32x768xf32, #tpu.memory_space<vmem>>, vector<1x1x16xf32>,
        %get3A_473 = arith.index_cast %rem3A_172 : i32 to index
        %get3A_474 = arith.index_cast %scan3A_286 : i32 to index
        %get3A_475 = arith.constant 176 : index
        %get3A_476 = tpu.vector_load %arg6[%get3A_473, %get3A_474, %get3A_475] {strides = array<i32>} : memref<2x32x768xf32, #tpu.memory_space<vmem>>, vector<1x1x16xf32>,
        %get3A_477 = vector.shape_cast %get3A_476 : vector<1x1x16xf32> to vector<16xf32>
        %get3A_478 = arith.index_cast %rem3A_198 : i32 to index
        %get3A_479 = arith.index_cast %scan3A_286 : i32 to index
        %get3A_480 = arith.constant 176 : index
        %get3A_481 = tpu.vector_load %arg7[%get3A_478, %get3A_479, %get3A_480] {strides = array<i32>} : memref<2x32x768xf32, #tpu.memory_space<vmem>>, vector<1x1x16xf32>,
        %get3A_482 = vector.shape_cast %get3A_481 : vector<1x1x16xf32> to vector<16xf32>
        %add3A_483 = arith.addf %get3A_477, %get3A_482 : vector<16xf32>
        %swap3A_484 = arith.index_cast %rem3A_172 : i32 to index
        %swap3A_485 = arith.index_cast %scan3A_286 : i32 to index
        %swap3A_486 = arith.constant 176 : index
        %swap3A_487 = tpu.vector_load %arg6[%swap3A_484, %swap3A_485, %swap3A_486] {strides = array<i32>} : memref<2x32x768xf32, #tpu.memory_space<vmem>>, vector<1x1x16xf32>,
        %swap3A_488 = vector.shape_cast %swap3A_487 : vector<1x1x16xf32> to vector<16xf32>
        %swap3A_489 = vector.shape_cast %add3A_483 : vector<16xf32> to vector<1x1x16xf32>
        tpu.vector_store %arg6[%swap3A_484, %swap3A_485, %swap3A_486], %swap3A_489 {strides = array<i32>} : memref<2x32x768xf32, #tpu.memory_space<vmem>>, vector<1x1x16xf32>,
        %get3A_490 = arith.index_cast %rem3A_172 : i32 to index
        %get3A_491 = arith.index_cast %scan3A_286 : i32 to index
        %get3A_492 = arith.constant 192 : index
        %get3A_493 = tpu.vector_load %arg6[%get3A_490, %get3A_491, %get3A_492] {strides = array<i32>} : memref<2x32x768xf32, #tpu.memory_space<vmem>>, vector<1x1x16xf32>,
        %get3A_494 = vector.shape_cast %get3A_493 : vector<1x1x16xf32> to vector<16xf32>
        %get3A_495 = arith.index_cast %rem3A_198 : i32 to index
        %get3A_496 = arith.index_cast %scan3A_286 : i32 to index
        %get3A_497 = arith.constant 192 : index
        %get3A_498 = tpu.vector_load %arg7[%get3A_495, %get3A_496, %get3A_497] {strides = array<i32>} : memref<2x32x768xf32, #tpu.memory_space<vmem>>, vector<1x1x16xf32>,
        %get3A_499 = vector.shape_cast %get3A_498 : vector<1x1x16xf32> to vector<16xf32>
        %add3A_500 = arith.addf %get3A_494, %get3A_499 : vector<16xf32>
        %swap3A_501 = arith.index_cast %rem3A_172 : i32 to index
        %swap3A_502 = arith.index_cast %scan3A_286 : i32 to index
        %swap3A_503 = arith.constant 192 : index
        %swap3A_504 = tpu.vector_load %arg6[%swap3A_501, %swap3A_502, %swap3A_503] {strides = array<i32>} : memref<2x32x768xf32, #tpu.memory_space<vmem>>, vector<1x1x16xf32>,
        %swap3A_505 = vector.shape_cast %swap3A_504 : vector<1x1x16xf32> to vector<16xf32>
        %swap3A_506 = vector.shape_cast %add3A_500 : vector<16xf32> to vector<1x1x16xf32>
        tpu.vector_store %arg6[%swap3A_501, %swap3A_502, %swap3A_503], %swap3A_506 {strides = array<i32>} : memref<2x32x768xf32, #tpu.memory_space<vmem>>, vector<1x1x16xf32>,
        %get3A_507 = arith.index_cast %rem3A_172 : i32 to index
        %get3A_508 = arith.index_cast %scan3A_286 : i32 to index
        %get3A_509 = arith.constant 208 : index
        %get3A_510 = tpu.vector_load %arg6[%get3A_507, %get3A_508, %get3A_509] {strides = array<i32>} : memref<2x32x768xf32, #tpu.memory_space<vmem>>, vector<1x1x16xf32>,
        %get3A_511 = vector.shape_cast %get3A_510 : vector<1x1x16xf32> to vector<16xf32>
        %get3A_512 = arith.index_cast %rem3A_198 : i32 to index
        %get3A_513 = arith.index_cast %scan3A_286 : i32 to index
        %get3A_514 = arith.constant 208 : index
        %get3A_515 = tpu.vector_load %arg7[%get3A_512, %get3A_513, %get3A_514] {strides = array<i32>} : memref<2x32x768xf32, #tpu.memory_space<vmem>>, vector<1x1x16xf32>,
        %get3A_516 = vector.shape_cast %get3A_515 : vector<1x1x16xf32> to vector<16xf32>
        %add3A_517 = arith.addf %get3A_511, %get3A_516 : vector<16xf32>
        %swap3A_518 = arith.index_cast %rem3A_172 : i32 to index
        %swap3A_519 = arith.index_cast %scan3A_286 : i32 to index
        %swap3A_520 = arith.constant 208 : index
        %swap3A_521 = tpu.vector_load %arg6[%swap3A_518, %swap3A_519, %swap3A_520] {strides = array<i32>} : memref<2x32x768xf32, #tpu.memory_space<vmem>>, vector<1x1x16xf32>,
        %swap3A_522 = vector.shape_cast %swap3A_521 : vector<1x1x16xf32> to vector<16xf32>
        %swap3A_523 = vector.shape_cast %add3A_517 : vector<16xf32> to vector<1x1x16xf32>
        tpu.vector_store %arg6[%swap3A_518, %swap3A_519, %swap3A_520], %swap3A_523 {strides = array<i32>} : memref<2x32x768xf32, #tpu.memory_space<vmem>>, vector<1x1x16xf32>,
        %get3A_524 = arith.index_cast %rem3A_172 : i32 to index
        %get3A_525 = arith.index_cast %scan3A_286 : i32 to index
        %get3A_526 = arith.constant 224 : index
        %get3A_527 = tpu.vector_load %arg6[%get3A_524, %get3A_525, %get3A_526] {strides = array<i32>} : memref<2x32x768xf32, #tpu.memory_space<vmem>>, vector<1x1x16xf32>,
        %get3A_528 = vector.shape_cast %get3A_527 : vector<1x1x16xf32> to vector<16xf32>
        %get3A_529 = arith.index_cast %rem3A_198 : i32 to index
        %get3A_530 = arith.index_cast %scan3A_286 : i32 to index
        %get3A_531 = arith.constant 224 : index
        %get3A_532 = tpu.vector_load %arg7[%get3A_529, %get3A_530, %get3A_531] {strides = array<i32>} : memref<2x32x768xf32, #tpu.memory_space<vmem>>, vector<1x1x16xf32>,
        %get3A_533 = vector.shape_cast %get3A_532 : vector<1x1x16xf32> to vector<16xf32>
        %add3A_534 = arith.addf %get3A_528, %get3A_533 : vector<16xf32>
        %swap3A_535 = arith.index_cast %rem3A_172 : i32 to index
        %swap3A_536 = arith.index_cast %scan3A_286 : i32 to index
        %swap3A_537 = arith.constant 224 : index
        %swap3A_538 = tpu.vector_load %arg6[%swap3A_535, %swap3A_536, %swap3A_537] {strides = array<i32>} : memref<2x32x768xf32, #tpu.memory_space<vmem>>, vector<1x1x16xf32>,
        %swap3A_539 = vector.shape_cast %swap3A_538 : vector<1x1x16xf32> to vector<16xf32>
        %swap3A_540 = vector.shape_cast %add3A_534 : vector<16xf32> to vector<1x1x16xf32>
        tpu.vector_store %arg6[%swap3A_535, %swap3A_536, %swap3A_537], %swap3A_540 {strides = array<i32>} : memref<2x32x768xf32, #tpu.memory_space<vmem>>, vector<1x1x16xf32>,
        %get3A_541 = arith.index_cast %rem3A_172 : i32 to index
        %get3A_542 = arith.index_cast %scan3A_286 : i32 to index
        %get3A_543 = arith.constant 240 : index
        %get3A_544 = tpu.vector_load %arg6[%get3A_541, %get3A_542, %get3A_543] {strides = array<i32>} : memref<2x32x768xf32, #tpu.memory_space<vmem>>, vector<1x1x16xf32>,
        %get3A_545 = vector.shape_cast %get3A_544 : vector<1x1x16xf32> to vector<16xf32>
        %get3A_546 = arith.index_cast %rem3A_198 : i32 to index
        %get3A_547 = arith.index_cast %scan3A_286 : i32 to index
        %get3A_548 = arith.constant 240 : index
        %get3A_549 = tpu.vector_load %arg7[%get3A_546, %get3A_547, %get3A_548] {strides = array<i32>} : memref<2x32x768xf32, #tpu.memory_space<vmem>>, vector<1x1x16xf32>,
        %get3A_550 = vector.shape_cast %get3A_549 : vector<1x1x16xf32> to vector<16xf32>
        %add3A_551 = arith.addf %get3A_545, %get3A_550 : vector<16xf32>
        %swap3A_552 = arith.index_cast %rem3A_172 : i32 to index
        %swap3A_553 = arith.index_cast %scan3A_286 : i32 to index
        %swap3A_554 = arith.constant 240 : index
        %swap3A_555 = tpu.vector_load %arg6[%swap3A_552, %swap3A_553, %swap3A_554] {strides = array<i32>} : memref<2x32x768xf32, #tpu.memory_space<vmem>>, vector<1x1x16xf32>,
        %swap3A_556 = vector.shape_cast %swap3A_555 : vector<1x1x16xf32> to vector<16xf32>
        %swap3A_557 = vector.shape_cast %add3A_551 : vector<16xf32> to vector<1x1x16xf32>
        tpu.vector_store %arg6[%swap3A_552, %swap3A_553, %swap3A_554], %swap3A_557 {strides = array<i32>} : memref<2x32x768xf32, #tpu.memory_space<vmem>>, vector<1x1x16xf32>,
        %get3A_558 = arith.index_cast %rem3A_172 : i32 to index
        %get3A_559 = arith.index_cast %scan3A_286 : i32 to index
        %get3A_560 = arith.constant 256 : index
        %get3A_561 = tpu.vector_load %arg6[%get3A_558, %get3A_559, %get3A_560] {strides = array<i32>} : memref<2x32x768xf32, #tpu.memory_space<vmem>>, vector<1x1x16xf32>,
        %get3A_562 = vector.shape_cast %get3A_561 : vector<1x1x16xf32> to vector<16xf32>
        %get3A_563 = arith.index_cast %rem3A_198 : i32 to index
        %get3A_564 = arith.index_cast %scan3A_286 : i32 to index
        %get3A_565 = arith.constant 256 : index
        %get3A_566 = tpu.vector_load %arg7[%get3A_563, %get3A_564, %get3A_565] {strides = array<i32>} : memref<2x32x768xf32, #tpu.memory_space<vmem>>, vector<1x1x16xf32>,
        %get3A_567 = vector.shape_cast %get3A_566 : vector<1x1x16xf32> to vector<16xf32>
        %add3A_568 = arith.addf %get3A_562, %get3A_567 : vector<16xf32>
        %swap3A_569 = arith.index_cast %rem3A_172 : i32 to index
        %swap3A_570 = arith.index_cast %scan3A_286 : i32 to index
        %swap3A_571 = arith.constant 256 : index
        %swap3A_572 = tpu.vector_load %arg6[%swap3A_569, %swap3A_570, %swap3A_571] {strides = array<i32>} : memref<2x32x768xf32, #tpu.memory_space<vmem>>, vector<1x1x16xf32>,
        %swap3A_573 = vector.shape_cast %swap3A_572 : vector<1x1x16xf32> to vector<16xf32>
        %swap3A_574 = vector.shape_cast %add3A_568 : vector<16xf32> to vector<1x1x16xf32>
        tpu.vector_store %arg6[%swap3A_569, %swap3A_570, %swap3A_571], %swap3A_574 {strides = array<i32>} : memref<2x32x768xf32, #tpu.memory_space<vmem>>, vector<1x1x16xf32>,
        %get3A_575 = arith.index_cast %rem3A_172 : i32 to index
        %get3A_576 = arith.index_cast %scan3A_286 : i32 to index
        %get3A_577 = arith.constant 272 : index
        %get3A_578 = tpu.vector_load %arg6[%get3A_575, %get3A_576, %get3A_577] {strides = array<i32>} : memref<2x32x768xf32, #tpu.memory_space<vmem>>, vector<1x1x16xf32>,
        %get3A_579 = vector.shape_cast %get3A_578 : vector<1x1x16xf32> to vector<16xf32>
        %get3A_580 = arith.index_cast %rem3A_198 : i32 to index
        %get3A_581 = arith.index_cast %scan3A_286 : i32 to index
        %get3A_582 = arith.constant 272 : index
        %get3A_583 = tpu.vector_load %arg7[%get3A_580, %get3A_581, %get3A_582] {strides = array<i32>} : memref<2x32x768xf32, #tpu.memory_space<vmem>>, vector<1x1x16xf32>,
        %get3A_584 = vector.shape_cast %get3A_583 : vector<1x1x16xf32> to vector<16xf32>
        %add3A_585 = arith.addf %get3A_579, %get3A_584 : vector<16xf32>
        %swap3A_586 = arith.index_cast %rem3A_172 : i32 to index
        %swap3A_587 = arith.index_cast %scan3A_286 : i32 to index
        %swap3A_588 = arith.constant 272 : index
        %swap3A_589 = tpu.vector_load %arg6[%swap3A_586, %swap3A_587, %swap3A_588] {strides = array<i32>} : memref<2x32x768xf32, #tpu.memory_space<vmem>>, vector<1x1x16xf32>,
        %swap3A_590 = vector.shape_cast %swap3A_589 : vector<1x1x16xf32> to vector<16xf32>
        %swap3A_591 = vector.shape_cast %add3A_585 : vector<16xf32> to vector<1x1x16xf32>
        tpu.vector_store %arg6[%swap3A_586, %swap3A_587, %swap3A_588], %swap3A_591 {strides = array<i32>} : memref<2x32x768xf32, #tpu.memory_space<vmem>>, vector<1x1x16xf32>,
        %get3A_592 = arith.index_cast %rem3A_172 : i32 to index
        %get3A_593 = arith.index_cast %scan3A_286 : i32 to index
        %get3A_594 = arith.constant 288 : index
        %get3A_595 = tpu.vector_load %arg6[%get3A_592, %get3A_593, %get3A_594] {strides = array<i32>} : memref<2x32x768xf32, #tpu.memory_space<vmem>>, vector<1x1x16xf32>,
        %get3A_596 = vector.shape_cast %get3A_595 : vector<1x1x16xf32> to vector<16xf32>
        %get3A_597 = arith.index_cast %rem3A_198 : i32 to index
        %get3A_598 = arith.index_cast %scan3A_286 : i32 to index
        %get3A_599 = arith.constant 288 : index
        %get3A_600 = tpu.vector_load %arg7[%get3A_597, %get3A_598, %get3A_599] {strides = array<i32>} : memref<2x32x768xf32, #tpu.memory_space<vmem>>, vector<1x1x16xf32>,
        %get3A_601 = vector.shape_cast %get3A_600 : vector<1x1x16xf32> to vector<16xf32>
        %add3A_602 = arith.addf %get3A_596, %get3A_601 : vector<16xf32>
        %swap3A_603 = arith.index_cast %rem3A_172 : i32 to index
        %swap3A_604 = arith.index_cast %scan3A_286 : i32 to index
        %swap3A_605 = arith.constant 288 : index
        %swap3A_606 = tpu.vector_load %arg6[%swap3A_603, %swap3A_604, %swap3A_605] {strides = array<i32>} : memref<2x32x768xf32, #tpu.memory_space<vmem>>, vector<1x1x16xf32>,
        %swap3A_607 = vector.shape_cast %swap3A_606 : vector<1x1x16xf32> to vector<16xf32>
        %swap3A_608 = vector.shape_cast %add3A_602 : vector<16xf32> to vector<1x1x16xf32>
        tpu.vector_store %arg6[%swap3A_603, %swap3A_604, %swap3A_605], %swap3A_608 {strides = array<i32>} : memref<2x32x768xf32, #tpu.memory_space<vmem>>, vector<1x1x16xf32>,
        %get3A_609 = arith.index_cast %rem3A_172 : i32 to index
        %get3A_610 = arith.index_cast %scan3A_286 : i32 to index
        %get3A_611 = arith.constant 304 : index
        %get3A_612 = tpu.vector_load %arg6[%get3A_609, %get3A_610, %get3A_611] {strides = array<i32>} : memref<2x32x768xf32, #tpu.memory_space<vmem>>, vector<1x1x16xf32>,
        %get3A_613 = vector.shape_cast %get3A_612 : vector<1x1x16xf32> to vector<16xf32>
        %get3A_614 = arith.index_cast %rem3A_198 : i32 to index
        %get3A_615 = arith.index_cast %scan3A_286 : i32 to index
        %get3A_616 = arith.constant 304 : index
        %get3A_617 = tpu.vector_load %arg7[%get3A_614, %get3A_615, %get3A_616] {strides = array<i32>} : memref<2x32x768xf32, #tpu.memory_space<vmem>>, vector<1x1x16xf32>,
        %get3A_618 = vector.shape_cast %get3A_617 : vector<1x1x16xf32> to vector<16xf32>
        %add3A_619 = arith.addf %get3A_613, %get3A_618 : vector<16xf32>
        %swap3A_620 = arith.index_cast %rem3A_172 : i32 to index
        %swap3A_621 = arith.index_cast %scan3A_286 : i32 to index
        %swap3A_622 = arith.constant 304 : index
        %swap3A_623 = tpu.vector_load %arg6[%swap3A_620, %swap3A_621, %swap3A_622] {strides = array<i32>} : memref<2x32x768xf32, #tpu.memory_space<vmem>>, vector<1x1x16xf32>,
        %swap3A_624 = vector.shape_cast %swap3A_623 : vector<1x1x16xf32> to vector<16xf32>
        %swap3A_625 = vector.shape_cast %add3A_619 : vector<16xf32> to vector<1x1x16xf32>
        tpu.vector_store %arg6[%swap3A_620, %swap3A_621, %swap3A_622], %swap3A_625 {strides = array<i32>} : memref<2x32x768xf32, #tpu.memory_space<vmem>>, vector<1x1x16xf32>,
        %get3A_626 = arith.index_cast %rem3A_172 : i32 to index
        %get3A_627 = arith.index_cast %scan3A_286 : i32 to index
        %get3A_628 = arith.constant 320 : index
        %get3A_629 = tpu.vector_load %arg6[%get3A_626, %get3A_627, %get3A_628] {strides = array<i32>} : memref<2x32x768xf32, #tpu.memory_space<vmem>>, vector<1x1x16xf32>,
        %get3A_630 = vector.shape_cast %get3A_629 : vector<1x1x16xf32> to vector<16xf32>
        %get3A_631 = arith.index_cast %rem3A_198 : i32 to index
        %get3A_632 = arith.index_cast %scan3A_286 : i32 to index
        %get3A_633 = arith.constant 320 : index
        %get3A_634 = tpu.vector_load %arg7[%get3A_631, %get3A_632, %get3A_633] {strides = array<i32>} : memref<2x32x768xf32, #tpu.memory_space<vmem>>, vector<1x1x16xf32>,
        %get3A_635 = vector.shape_cast %get3A_634 : vector<1x1x16xf32> to vector<16xf32>
        %add3A_636 = arith.addf %get3A_630, %get3A_635 : vector<16xf32>
        %swap3A_637 = arith.index_cast %rem3A_172 : i32 to index
        %swap3A_638 = arith.index_cast %scan3A_286 : i32 to index
        %swap3A_639 = arith.constant 320 : index
        %swap3A_640 = tpu.vector_load %arg6[%swap3A_637, %swap3A_638, %swap3A_639] {strides = array<i32>} : memref<2x32x768xf32, #tpu.memory_space<vmem>>, vector<1x1x16xf32>,
        %swap3A_641 = vector.shape_cast %swap3A_640 : vector<1x1x16xf32> to vector<16xf32>
        %swap3A_642 = vector.shape_cast %add3A_636 : vector<16xf32> to vector<1x1x16xf32>
        tpu.vector_store %arg6[%swap3A_637, %swap3A_638, %swap3A_639], %swap3A_642 {strides = array<i32>} : memref<2x32x768xf32, #tpu.memory_space<vmem>>, vector<1x1x16xf32>,
        %get3A_643 = arith.index_cast %rem3A_172 : i32 to index
        %get3A_644 = arith.index_cast %scan3A_286 : i32 to index
        %get3A_645 = arith.constant 336 : index
        %get3A_646 = tpu.vector_load %arg6[%get3A_643, %get3A_644, %get3A_645] {strides = array<i32>} : memref<2x32x768xf32, #tpu.memory_space<vmem>>, vector<1x1x16xf32>,
        %get3A_647 = vector.shape_cast %get3A_646 : vector<1x1x16xf32> to vector<16xf32>
        %get3A_648 = arith.index_cast %rem3A_198 : i32 to index
        %get3A_649 = arith.index_cast %scan3A_286 : i32 to index
        %get3A_650 = arith.constant 336 : index
        %get3A_651 = tpu.vector_load %arg7[%get3A_648, %get3A_649, %get3A_650] {strides = array<i32>} : memref<2x32x768xf32, #tpu.memory_space<vmem>>, vector<1x1x16xf32>,
        %get3A_652 = vector.shape_cast %get3A_651 : vector<1x1x16xf32> to vector<16xf32>
        %add3A_653 = arith.addf %get3A_647, %get3A_652 : vector<16xf32>
        %swap3A_654 = arith.index_cast %rem3A_172 : i32 to index
        %swap3A_655 = arith.index_cast %scan3A_286 : i32 to index
        %swap3A_656 = arith.constant 336 : index
        %swap3A_657 = tpu.vector_load %arg6[%swap3A_654, %swap3A_655, %swap3A_656] {strides = array<i32>} : memref<2x32x768xf32, #tpu.memory_space<vmem>>, vector<1x1x16xf32>,
        %swap3A_658 = vector.shape_cast %swap3A_657 : vector<1x1x16xf32> to vector<16xf32>
        %swap3A_659 = vector.shape_cast %add3A_653 : vector<16xf32> to vector<1x1x16xf32>
        tpu.vector_store %arg6[%swap3A_654, %swap3A_655, %swap3A_656], %swap3A_659 {strides = array<i32>} : memref<2x32x768xf32, #tpu.memory_space<vmem>>, vector<1x1x16xf32>,
        %get3A_660 = arith.index_cast %rem3A_172 : i32 to index
        %get3A_661 = arith.index_cast %scan3A_286 : i32 to index
        %get3A_662 = arith.constant 352 : index
        %get3A_663 = tpu.vector_load %arg6[%get3A_660, %get3A_661, %get3A_662] {strides = array<i32>} : memref<2x32x768xf32, #tpu.memory_space<vmem>>, vector<1x1x16xf32>,
        %get3A_664 = vector.shape_cast %get3A_663 : vector<1x1x16xf32> to vector<16xf32>
        %get3A_665 = arith.index_cast %rem3A_198 : i32 to index
        %get3A_666 = arith.index_cast %scan3A_286 : i32 to index
        %get3A_667 = arith.constant 352 : index
        %get3A_668 = tpu.vector_load %arg7[%get3A_665, %get3A_666, %get3A_667] {strides = array<i32>} : memref<2x32x768xf32, #tpu.memory_space<vmem>>, vector<1x1x16xf32>,
        %get3A_669 = vector.shape_cast %get3A_668 : vector<1x1x16xf32> to vector<16xf32>
        %add3A_670 = arith.addf %get3A_664, %get3A_669 : vector<16xf32>
        %swap3A_671 = arith.index_cast %rem3A_172 : i32 to index
        %swap3A_672 = arith.index_cast %scan3A_286 : i32 to index
        %swap3A_673 = arith.constant 352 : index
        %swap3A_674 = tpu.vector_load %arg6[%swap3A_671, %swap3A_672, %swap3A_673] {strides = array<i32>} : memref<2x32x768xf32, #tpu.memory_space<vmem>>, vector<1x1x16xf32>,
        %swap3A_675 = vector.shape_cast %swap3A_674 : vector<1x1x16xf32> to vector<16xf32>
        %swap3A_676 = vector.shape_cast %add3A_670 : vector<16xf32> to vector<1x1x16xf32>
        tpu.vector_store %arg6[%swap3A_671, %swap3A_672, %swap3A_673], %swap3A_676 {strides = array<i32>} : memref<2x32x768xf32, #tpu.memory_space<vmem>>, vector<1x1x16xf32>,
        %get3A_677 = arith.index_cast %rem3A_172 : i32 to index
        %get3A_678 = arith.index_cast %scan3A_286 : i32 to index
        %get3A_679 = arith.constant 368 : index
        %get3A_680 = tpu.vector_load %arg6[%get3A_677, %get3A_678, %get3A_679] {strides = array<i32>} : memref<2x32x768xf32, #tpu.memory_space<vmem>>, vector<1x1x16xf32>,
        %get3A_681 = vector.shape_cast %get3A_680 : vector<1x1x16xf32> to vector<16xf32>
        %get3A_682 = arith.index_cast %rem3A_198 : i32 to index
        %get3A_683 = arith.index_cast %scan3A_286 : i32 to index
        %get3A_684 = arith.constant 368 : index
        %get3A_685 = tpu.vector_load %arg7[%get3A_682, %get3A_683, %get3A_684] {strides = array<i32>} : memref<2x32x768xf32, #tpu.memory_space<vmem>>, vector<1x1x16xf32>,
        %get3A_686 = vector.shape_cast %get3A_685 : vector<1x1x16xf32> to vector<16xf32>
        %add3A_687 = arith.addf %get3A_681, %get3A_686 : vector<16xf32>
        %swap3A_688 = arith.index_cast %rem3A_172 : i32 to index
        %swap3A_689 = arith.index_cast %scan3A_286 : i32 to index
        %swap3A_690 = arith.constant 368 : index
        %swap3A_691 = tpu.vector_load %arg6[%swap3A_688, %swap3A_689, %swap3A_690] {strides = array<i32>} : memref<2x32x768xf32, #tpu.memory_space<vmem>>, vector<1x1x16xf32>,
        %swap3A_692 = vector.shape_cast %swap3A_691 : vector<1x1x16xf32> to vector<16xf32>
        %swap3A_693 = vector.shape_cast %add3A_687 : vector<16xf32> to vector<1x1x16xf32>
        tpu.vector_store %arg6[%swap3A_688, %swap3A_689, %swap3A_690], %swap3A_693 {strides = array<i32>} : memref<2x32x768xf32, #tpu.memory_space<vmem>>, vector<1x1x16xf32>,
        %get3A_694 = arith.index_cast %rem3A_172 : i32 to index
        %get3A_695 = arith.index_cast %scan3A_286 : i32 to index
        %get3A_696 = arith.constant 384 : index
        %get3A_697 = tpu.vector_load %arg6[%get3A_694, %get3A_695, %get3A_696] {strides = array<i32>} : memref<2x32x768xf32, #tpu.memory_space<vmem>>, vector<1x1x16xf32>,
        %get3A_698 = vector.shape_cast %get3A_697 : vector<1x1x16xf32> to vector<16xf32>
        %get3A_699 = arith.index_cast %rem3A_198 : i32 to index
        %get3A_700 = arith.index_cast %scan3A_286 : i32 to index
        %get3A_701 = arith.constant 384 : index
        %get3A_702 = tpu.vector_load %arg7[%get3A_699, %get3A_700, %get3A_701] {strides = array<i32>} : memref<2x32x768xf32, #tpu.memory_space<vmem>>, vector<1x1x16xf32>,
        %get3A_703 = vector.shape_cast %get3A_702 : vector<1x1x16xf32> to vector<16xf32>
        %add3A_704 = arith.addf %get3A_698, %get3A_703 : vector<16xf32>
        %swap3A_705 = arith.index_cast %rem3A_172 : i32 to index
        %swap3A_706 = arith.index_cast %scan3A_286 : i32 to index
        %swap3A_707 = arith.constant 384 : index
        %swap3A_708 = tpu.vector_load %arg6[%swap3A_705, %swap3A_706, %swap3A_707] {strides = array<i32>} : memref<2x32x768xf32, #tpu.memory_space<vmem>>, vector<1x1x16xf32>,
        %swap3A_709 = vector.shape_cast %swap3A_708 : vector<1x1x16xf32> to vector<16xf32>
        %swap3A_710 = vector.shape_cast %add3A_704 : vector<16xf32> to vector<1x1x16xf32>
        tpu.vector_store %arg6[%swap3A_705, %swap3A_706, %swap3A_707], %swap3A_710 {strides = array<i32>} : memref<2x32x768xf32, #tpu.memory_space<vmem>>, vector<1x1x16xf32>,
        %get3A_711 = arith.index_cast %rem3A_172 : i32 to index
        %get3A_712 = arith.index_cast %scan3A_286 : i32 to index
        %get3A_713 = arith.constant 400 : index
        %get3A_714 = tpu.vector_load %arg6[%get3A_711, %get3A_712, %get3A_713] {strides = array<i32>} : memref<2x32x768xf32, #tpu.memory_space<vmem>>, vector<1x1x16xf32>,
        %get3A_715 = vector.shape_cast %get3A_714 : vector<1x1x16xf32> to vector<16xf32>
        %get3A_716 = arith.index_cast %rem3A_198 : i32 to index
        %get3A_717 = arith.index_cast %scan3A_286 : i32 to index
        %get3A_718 = arith.constant 400 : index
        %get3A_719 = tpu.vector_load %arg7[%get3A_716, %get3A_717, %get3A_718] {strides = array<i32>} : memref<2x32x768xf32, #tpu.memory_space<vmem>>, vector<1x1x16xf32>,
        %get3A_720 = vector.shape_cast %get3A_719 : vector<1x1x16xf32> to vector<16xf32>
        %add3A_721 = arith.addf %get3A_715, %get3A_720 : vector<16xf32>
        %swap3A_722 = arith.index_cast %rem3A_172 : i32 to index
        %swap3A_723 = arith.index_cast %scan3A_286 : i32 to index
        %swap3A_724 = arith.constant 400 : index
        %swap3A_725 = tpu.vector_load %arg6[%swap3A_722, %swap3A_723, %swap3A_724] {strides = array<i32>} : memref<2x32x768xf32, #tpu.memory_space<vmem>>, vector<1x1x16xf32>,
        %swap3A_726 = vector.shape_cast %swap3A_725 : vector<1x1x16xf32> to vector<16xf32>
        %swap3A_727 = vector.shape_cast %add3A_721 : vector<16xf32> to vector<1x1x16xf32>
        tpu.vector_store %arg6[%swap3A_722, %swap3A_723, %swap3A_724], %swap3A_727 {strides = array<i32>} : memref<2x32x768xf32, #tpu.memory_space<vmem>>, vector<1x1x16xf32>,
        %get3A_728 = arith.index_cast %rem3A_172 : i32 to index
        %get3A_729 = arith.index_cast %scan3A_286 : i32 to index
        %get3A_730 = arith.constant 416 : index
        %get3A_731 = tpu.vector_load %arg6[%get3A_728, %get3A_729, %get3A_730] {strides = array<i32>} : memref<2x32x768xf32, #tpu.memory_space<vmem>>, vector<1x1x16xf32>,
        %get3A_732 = vector.shape_cast %get3A_731 : vector<1x1x16xf32> to vector<16xf32>
        %get3A_733 = arith.index_cast %rem3A_198 : i32 to index
        %get3A_734 = arith.index_cast %scan3A_286 : i32 to index
        %get3A_735 = arith.constant 416 : index
        %get3A_736 = tpu.vector_load %arg7[%get3A_733, %get3A_734, %get3A_735] {strides = array<i32>} : memref<2x32x768xf32, #tpu.memory_space<vmem>>, vector<1x1x16xf32>,
        %get3A_737 = vector.shape_cast %get3A_736 : vector<1x1x16xf32> to vector<16xf32>
        %add3A_738 = arith.addf %get3A_732, %get3A_737 : vector<16xf32>
        %swap3A_739 = arith.index_cast %rem3A_172 : i32 to index
        %swap3A_740 = arith.index_cast %scan3A_286 : i32 to index
        %swap3A_741 = arith.constant 416 : index
        %swap3A_742 = tpu.vector_load %arg6[%swap3A_739, %swap3A_740, %swap3A_741] {strides = array<i32>} : memref<2x32x768xf32, #tpu.memory_space<vmem>>, vector<1x1x16xf32>,
        %swap3A_743 = vector.shape_cast %swap3A_742 : vector<1x1x16xf32> to vector<16xf32>
        %swap3A_744 = vector.shape_cast %add3A_738 : vector<16xf32> to vector<1x1x16xf32>
        tpu.vector_store %arg6[%swap3A_739, %swap3A_740, %swap3A_741], %swap3A_744 {strides = array<i32>} : memref<2x32x768xf32, #tpu.memory_space<vmem>>, vector<1x1x16xf32>,
        %get3A_745 = arith.index_cast %rem3A_172 : i32 to index
        %get3A_746 = arith.index_cast %scan3A_286 : i32 to index
        %get3A_747 = arith.constant 432 : index
        %get3A_748 = tpu.vector_load %arg6[%get3A_745, %get3A_746, %get3A_747] {strides = array<i32>} : memref<2x32x768xf32, #tpu.memory_space<vmem>>, vector<1x1x16xf32>,
        %get3A_749 = vector.shape_cast %get3A_748 : vector<1x1x16xf32> to vector<16xf32>
        %get3A_750 = arith.index_cast %rem3A_198 : i32 to index
        %get3A_751 = arith.index_cast %scan3A_286 : i32 to index
        %get3A_752 = arith.constant 432 : index
        %get3A_753 = tpu.vector_load %arg7[%get3A_750, %get3A_751, %get3A_752] {strides = array<i32>} : memref<2x32x768xf32, #tpu.memory_space<vmem>>, vector<1x1x16xf32>,
        %get3A_754 = vector.shape_cast %get3A_753 : vector<1x1x16xf32> to vector<16xf32>
        %add3A_755 = arith.addf %get3A_749, %get3A_754 : vector<16xf32>
        %swap3A_756 = arith.index_cast %rem3A_172 : i32 to index
        %swap3A_757 = arith.index_cast %scan3A_286 : i32 to index
        %swap3A_758 = arith.constant 432 : index
        %swap3A_759 = tpu.vector_load %arg6[%swap3A_756, %swap3A_757, %swap3A_758] {strides = array<i32>} : memref<2x32x768xf32, #tpu.memory_space<vmem>>, vector<1x1x16xf32>,
        %swap3A_760 = vector.shape_cast %swap3A_759 : vector<1x1x16xf32> to vector<16xf32>
        %swap3A_761 = vector.shape_cast %add3A_755 : vector<16xf32> to vector<1x1x16xf32>
        tpu.vector_store %arg6[%swap3A_756, %swap3A_757, %swap3A_758], %swap3A_761 {strides = array<i32>} : memref<2x32x768xf32, #tpu.memory_space<vmem>>, vector<1x1x16xf32>,
        %get3A_762 = arith.index_cast %rem3A_172 : i32 to index
        %get3A_763 = arith.index_cast %scan3A_286 : i32 to index
        %get3A_764 = arith.constant 448 : index
        %get3A_765 = tpu.vector_load %arg6[%get3A_762, %get3A_763, %get3A_764] {strides = array<i32>} : memref<2x32x768xf32, #tpu.memory_space<vmem>>, vector<1x1x16xf32>,
        %get3A_766 = vector.shape_cast %get3A_765 : vector<1x1x16xf32> to vector<16xf32>
        %get3A_767 = arith.index_cast %rem3A_198 : i32 to index
        %get3A_768 = arith.index_cast %scan3A_286 : i32 to index
        %get3A_769 = arith.constant 448 : index
        %get3A_770 = tpu.vector_load %arg7[%get3A_767, %get3A_768, %get3A_769] {strides = array<i32>} : memref<2x32x768xf32, #tpu.memory_space<vmem>>, vector<1x1x16xf32>,
        %get3A_771 = vector.shape_cast %get3A_770 : vector<1x1x16xf32> to vector<16xf32>
        %add3A_772 = arith.addf %get3A_766, %get3A_771 : vector<16xf32>
        %swap3A_773 = arith.index_cast %rem3A_172 : i32 to index
        %swap3A_774 = arith.index_cast %scan3A_286 : i32 to index
        %swap3A_775 = arith.constant 448 : index
        %swap3A_776 = tpu.vector_load %arg6[%swap3A_773, %swap3A_774, %swap3A_775] {strides = array<i32>} : memref<2x32x768xf32, #tpu.memory_space<vmem>>, vector<1x1x16xf32>,
        %swap3A_777 = vector.shape_cast %swap3A_776 : vector<1x1x16xf32> to vector<16xf32>
        %swap3A_778 = vector.shape_cast %add3A_772 : vector<16xf32> to vector<1x1x16xf32>
        tpu.vector_store %arg6[%swap3A_773, %swap3A_774, %swap3A_775], %swap3A_778 {strides = array<i32>} : memref<2x32x768xf32, #tpu.memory_space<vmem>>, vector<1x1x16xf32>,
        %get3A_779 = arith.index_cast %rem3A_172 : i32 to index
        %get3A_780 = arith.index_cast %scan3A_286 : i32 to index
        %get3A_781 = arith.constant 464 : index
        %get3A_782 = tpu.vector_load %arg6[%get3A_779, %get3A_780, %get3A_781] {strides = array<i32>} : memref<2x32x768xf32, #tpu.memory_space<vmem>>, vector<1x1x16xf32>,
        %get3A_783 = vector.shape_cast %get3A_782 : vector<1x1x16xf32> to vector<16xf32>
        %get3A_784 = arith.index_cast %rem3A_198 : i32 to index
        %get3A_785 = arith.index_cast %scan3A_286 : i32 to index
        %get3A_786 = arith.constant 464 : index
        %get3A_787 = tpu.vector_load %arg7[%get3A_784, %get3A_785, %get3A_786] {strides = array<i32>} : memref<2x32x768xf32, #tpu.memory_space<vmem>>, vector<1x1x16xf32>,
        %get3A_788 = vector.shape_cast %get3A_787 : vector<1x1x16xf32> to vector<16xf32>
        %add3A_789 = arith.addf %get3A_783, %get3A_788 : vector<16xf32>
        %swap3A_790 = arith.index_cast %rem3A_172 : i32 to index
        %swap3A_791 = arith.index_cast %scan3A_286 : i32 to index
        %swap3A_792 = arith.constant 464 : index
        %swap3A_793 = tpu.vector_load %arg6[%swap3A_790, %swap3A_791, %swap3A_792] {strides = array<i32>} : memref<2x32x768xf32, #tpu.memory_space<vmem>>, vector<1x1x16xf32>,
        %swap3A_794 = vector.shape_cast %swap3A_793 : vector<1x1x16xf32> to vector<16xf32>
        %swap3A_795 = vector.shape_cast %add3A_789 : vector<16xf32> to vector<1x1x16xf32>
        tpu.vector_store %arg6[%swap3A_790, %swap3A_791, %swap3A_792], %swap3A_795 {strides = array<i32>} : memref<2x32x768xf32, #tpu.memory_space<vmem>>, vector<1x1x16xf32>,
        %get3A_796 = arith.index_cast %rem3A_172 : i32 to index
        %get3A_797 = arith.index_cast %scan3A_286 : i32 to index
        %get3A_798 = arith.constant 480 : index
        %get3A_799 = tpu.vector_load %arg6[%get3A_796, %get3A_797, %get3A_798] {strides = array<i32>} : memref<2x32x768xf32, #tpu.memory_space<vmem>>, vector<1x1x16xf32>,
        %get3A_800 = vector.shape_cast %get3A_799 : vector<1x1x16xf32> to vector<16xf32>
        %get3A_801 = arith.index_cast %rem3A_198 : i32 to index
        %get3A_802 = arith.index_cast %scan3A_286 : i32 to index
        %get3A_803 = arith.constant 480 : index
        %get3A_804 = tpu.vector_load %arg7[%get3A_801, %get3A_802, %get3A_803] {strides = array<i32>} : memref<2x32x768xf32, #tpu.memory_space<vmem>>, vector<1x1x16xf32>,
        %get3A_805 = vector.shape_cast %get3A_804 : vector<1x1x16xf32> to vector<16xf32>
        %add3A_806 = arith.addf %get3A_800, %get3A_805 : vector<16xf32>
        %swap3A_807 = arith.index_cast %rem3A_172 : i32 to index
        %swap3A_808 = arith.index_cast %scan3A_286 : i32 to index
        %swap3A_809 = arith.constant 480 : index
        %swap3A_810 = tpu.vector_load %arg6[%swap3A_807, %swap3A_808, %swap3A_809] {strides = array<i32>} : memref<2x32x768xf32, #tpu.memory_space<vmem>>, vector<1x1x16xf32>,
        %swap3A_811 = vector.shape_cast %swap3A_810 : vector<1x1x16xf32> to vector<16xf32>
        %swap3A_812 = vector.shape_cast %add3A_806 : vector<16xf32> to vector<1x1x16xf32>
        tpu.vector_store %arg6[%swap3A_807, %swap3A_808, %swap3A_809], %swap3A_812 {strides = array<i32>} : memref<2x32x768xf32, #tpu.memory_space<vmem>>, vector<1x1x16xf32>,
        %get3A_813 = arith.index_cast %rem3A_172 : i32 to index
        %get3A_814 = arith.index_cast %scan3A_286 : i32 to index
        %get3A_815 = arith.constant 496 : index
        %get3A_816 = tpu.vector_load %arg6[%get3A_813, %get3A_814, %get3A_815] {strides = array<i32>} : memref<2x32x768xf32, #tpu.memory_space<vmem>>, vector<1x1x16xf32>,
        %get3A_817 = vector.shape_cast %get3A_816 : vector<1x1x16xf32> to vector<16xf32>
        %get3A_818 = arith.index_cast %rem3A_198 : i32 to index
        %get3A_819 = arith.index_cast %scan3A_286 : i32 to index
        %get3A_820 = arith.constant 496 : index
        %get3A_821 = tpu.vector_load %arg7[%get3A_818, %get3A_819, %get3A_820] {strides = array<i32>} : memref<2x32x768xf32, #tpu.memory_space<vmem>>, vector<1x1x16xf32>,
        %get3A_822 = vector.shape_cast %get3A_821 : vector<1x1x16xf32> to vector<16xf32>
        %add3A_823 = arith.addf %get3A_817, %get3A_822 : vector<16xf32>
        %swap3A_824 = arith.index_cast %rem3A_172 : i32 to index
        %swap3A_825 = arith.index_cast %scan3A_286 : i32 to index
        %swap3A_826 = arith.constant 496 : index
        %swap3A_827 = tpu.vector_load %arg6[%swap3A_824, %swap3A_825, %swap3A_826] {strides = array<i32>} : memref<2x32x768xf32, #tpu.memory_space<vmem>>, vector<1x1x16xf32>,
        %swap3A_828 = vector.shape_cast %swap3A_827 : vector<1x1x16xf32> to vector<16xf32>
        %swap3A_829 = vector.shape_cast %add3A_823 : vector<16xf32> to vector<1x1x16xf32>
        tpu.vector_store %arg6[%swap3A_824, %swap3A_825, %swap3A_826], %swap3A_829 {strides = array<i32>} : memref<2x32x768xf32, #tpu.memory_space<vmem>>, vector<1x1x16xf32>,
        %get3A_830 = arith.index_cast %rem3A_172 : i32 to index
        %get3A_831 = arith.index_cast %scan3A_286 : i32 to index
        %get3A_832 = arith.constant 512 : index
        %get3A_833 = tpu.vector_load %arg6[%get3A_830, %get3A_831, %get3A_832] {strides = array<i32>} : memref<2x32x768xf32, #tpu.memory_space<vmem>>, vector<1x1x16xf32>,
        %get3A_834 = vector.shape_cast %get3A_833 : vector<1x1x16xf32> to vector<16xf32>
        %get3A_835 = arith.index_cast %rem3A_198 : i32 to index
        %get3A_836 = arith.index_cast %scan3A_286 : i32 to index
        %get3A_837 = arith.constant 512 : index
        %get3A_838 = tpu.vector_load %arg7[%get3A_835, %get3A_836, %get3A_837] {strides = array<i32>} : memref<2x32x768xf32, #tpu.memory_space<vmem>>, vector<1x1x16xf32>,
        %get3A_839 = vector.shape_cast %get3A_838 : vector<1x1x16xf32> to vector<16xf32>
        %add3A_840 = arith.addf %get3A_834, %get3A_839 : vector<16xf32>
        %swap3A_841 = arith.index_cast %rem3A_172 : i32 to index
        %swap3A_842 = arith.index_cast %scan3A_286 : i32 to index
        %swap3A_843 = arith.constant 512 : index
        %swap3A_844 = tpu.vector_load %arg6[%swap3A_841, %swap3A_842, %swap3A_843] {strides = array<i32>} : memref<2x32x768xf32, #tpu.memory_space<vmem>>, vector<1x1x16xf32>,
        %swap3A_845 = vector.shape_cast %swap3A_844 : vector<1x1x16xf32> to vector<16xf32>
        %swap3A_846 = vector.shape_cast %add3A_840 : vector<16xf32> to vector<1x1x16xf32>
        tpu.vector_store %arg6[%swap3A_841, %swap3A_842, %swap3A_843], %swap3A_846 {strides = array<i32>} : memref<2x32x768xf32, #tpu.memory_space<vmem>>, vector<1x1x16xf32>,
        %get3A_847 = arith.index_cast %rem3A_172 : i32 to index
        %get3A_848 = arith.index_cast %scan3A_286 : i32 to index
        %get3A_849 = arith.constant 528 : index
        %get3A_850 = tpu.vector_load %arg6[%get3A_847, %get3A_848, %get3A_849] {strides = array<i32>} : memref<2x32x768xf32, #tpu.memory_space<vmem>>, vector<1x1x16xf32>,
        %get3A_851 = vector.shape_cast %get3A_850 : vector<1x1x16xf32> to vector<16xf32>
        %get3A_852 = arith.index_cast %rem3A_198 : i32 to index
        %get3A_853 = arith.index_cast %scan3A_286 : i32 to index
        %get3A_854 = arith.constant 528 : index
        %get3A_855 = tpu.vector_load %arg7[%get3A_852, %get3A_853, %get3A_854] {strides = array<i32>} : memref<2x32x768xf32, #tpu.memory_space<vmem>>, vector<1x1x16xf32>,
        %get3A_856 = vector.shape_cast %get3A_855 : vector<1x1x16xf32> to vector<16xf32>
        %add3A_857 = arith.addf %get3A_851, %get3A_856 : vector<16xf32>
        %swap3A_858 = arith.index_cast %rem3A_172 : i32 to index
        %swap3A_859 = arith.index_cast %scan3A_286 : i32 to index
        %swap3A_860 = arith.constant 528 : index
        %swap3A_861 = tpu.vector_load %arg6[%swap3A_858, %swap3A_859, %swap3A_860] {strides = array<i32>} : memref<2x32x768xf32, #tpu.memory_space<vmem>>, vector<1x1x16xf32>,
        %swap3A_862 = vector.shape_cast %swap3A_861 : vector<1x1x16xf32> to vector<16xf32>
        %swap3A_863 = vector.shape_cast %add3A_857 : vector<16xf32> to vector<1x1x16xf32>
        tpu.vector_store %arg6[%swap3A_858, %swap3A_859, %swap3A_860], %swap3A_863 {strides = array<i32>} : memref<2x32x768xf32, #tpu.memory_space<vmem>>, vector<1x1x16xf32>,
        %get3A_864 = arith.index_cast %rem3A_172 : i32 to index
        %get3A_865 = arith.index_cast %scan3A_286 : i32 to index
        %get3A_866 = arith.constant 544 : index
        %get3A_867 = tpu.vector_load %arg6[%get3A_864, %get3A_865, %get3A_866] {strides = array<i32>} : memref<2x32x768xf32, #tpu.memory_space<vmem>>, vector<1x1x16xf32>,
        %get3A_868 = vector.shape_cast %get3A_867 : vector<1x1x16xf32> to vector<16xf32>
        %get3A_869 = arith.index_cast %rem3A_198 : i32 to index
        %get3A_870 = arith.index_cast %scan3A_286 : i32 to index
        %get3A_871 = arith.constant 544 : index
        %get3A_872 = tpu.vector_load %arg7[%get3A_869, %get3A_870, %get3A_871] {strides = array<i32>} : memref<2x32x768xf32, #tpu.memory_space<vmem>>, vector<1x1x16xf32>,
        %get3A_873 = vector.shape_cast %get3A_872 : vector<1x1x16xf32> to vector<16xf32>
        %add3A_874 = arith.addf %get3A_868, %get3A_873 : vector<16xf32>
        %swap3A_875 = arith.index_cast %rem3A_172 : i32 to index
        %swap3A_876 = arith.index_cast %scan3A_286 : i32 to index
        %swap3A_877 = arith.constant 544 : index
        %swap3A_878 = tpu.vector_load %arg6[%swap3A_875, %swap3A_876, %swap3A_877] {strides = array<i32>} : memref<2x32x768xf32, #tpu.memory_space<vmem>>, vector<1x1x16xf32>,
        %swap3A_879 = vector.shape_cast %swap3A_878 : vector<1x1x16xf32> to vector<16xf32>
        %swap3A_880 = vector.shape_cast %add3A_874 : vector<16xf32> to vector<1x1x16xf32>
        tpu.vector_store %arg6[%swap3A_875, %swap3A_876, %swap3A_877], %swap3A_880 {strides = array<i32>} : memref<2x32x768xf32, #tpu.memory_space<vmem>>, vector<1x1x16xf32>,
        %get3A_881 = arith.index_cast %rem3A_172 : i32 to index
        %get3A_882 = arith.index_cast %scan3A_286 : i32 to index
        %get3A_883 = arith.constant 560 : index
        %get3A_884 = tpu.vector_load %arg6[%get3A_881, %get3A_882, %get3A_883] {strides = array<i32>} : memref<2x32x768xf32, #tpu.memory_space<vmem>>, vector<1x1x16xf32>,
        %get3A_885 = vector.shape_cast %get3A_884 : vector<1x1x16xf32> to vector<16xf32>
        %get3A_886 = arith.index_cast %rem3A_198 : i32 to index
        %get3A_887 = arith.index_cast %scan3A_286 : i32 to index
        %get3A_888 = arith.constant 560 : index
        %get3A_889 = tpu.vector_load %arg7[%get3A_886, %get3A_887, %get3A_888] {strides = array<i32>} : memref<2x32x768xf32, #tpu.memory_space<vmem>>, vector<1x1x16xf32>,
        %get3A_890 = vector.shape_cast %get3A_889 : vector<1x1x16xf32> to vector<16xf32>
        %add3A_891 = arith.addf %get3A_885, %get3A_890 : vector<16xf32>
        %swap3A_892 = arith.index_cast %rem3A_172 : i32 to index
        %swap3A_893 = arith.index_cast %scan3A_286 : i32 to index
        %swap3A_894 = arith.constant 560 : index
        %swap3A_895 = tpu.vector_load %arg6[%swap3A_892, %swap3A_893, %swap3A_894] {strides = array<i32>} : memref<2x32x768xf32, #tpu.memory_space<vmem>>, vector<1x1x16xf32>,
        %swap3A_896 = vector.shape_cast %swap3A_895 : vector<1x1x16xf32> to vector<16xf32>
        %swap3A_897 = vector.shape_cast %add3A_891 : vector<16xf32> to vector<1x1x16xf32>
        tpu.vector_store %arg6[%swap3A_892, %swap3A_893, %swap3A_894], %swap3A_897 {strides = array<i32>} : memref<2x32x768xf32, #tpu.memory_space<vmem>>, vector<1x1x16xf32>,
        %get3A_898 = arith.index_cast %rem3A_172 : i32 to index
        %get3A_899 = arith.index_cast %scan3A_286 : i32 to index
        %get3A_900 = arith.constant 576 : index
        %get3A_901 = tpu.vector_load %arg6[%get3A_898, %get3A_899, %get3A_900] {strides = array<i32>} : memref<2x32x768xf32, #tpu.memory_space<vmem>>, vector<1x1x16xf32>,
        %get3A_902 = vector.shape_cast %get3A_901 : vector<1x1x16xf32> to vector<16xf32>
        %get3A_903 = arith.index_cast %rem3A_198 : i32 to index
        %get3A_904 = arith.index_cast %scan3A_286 : i32 to index
        %get3A_905 = arith.constant 576 : index
        %get3A_906 = tpu.vector_load %arg7[%get3A_903, %get3A_904, %get3A_905] {strides = array<i32>} : memref<2x32x768xf32, #tpu.memory_space<vmem>>, vector<1x1x16xf32>,
        %get3A_907 = vector.shape_cast %get3A_906 : vector<1x1x16xf32> to vector<16xf32>
        %add3A_908 = arith.addf %get3A_902, %get3A_907 : vector<16xf32>
        %swap3A_909 = arith.index_cast %rem3A_172 : i32 to index
        %swap3A_910 = arith.index_cast %scan3A_286 : i32 to index
        %swap3A_911 = arith.constant 576 : index
        %swap3A_912 = tpu.vector_load %arg6[%swap3A_909, %swap3A_910, %swap3A_911] {strides = array<i32>} : memref<2x32x768xf32, #tpu.memory_space<vmem>>, vector<1x1x16xf32>,
        %swap3A_913 = vector.shape_cast %swap3A_912 : vector<1x1x16xf32> to vector<16xf32>
        %swap3A_914 = vector.shape_cast %add3A_908 : vector<16xf32> to vector<1x1x16xf32>
        tpu.vector_store %arg6[%swap3A_909, %swap3A_910, %swap3A_911], %swap3A_914 {strides = array<i32>} : memref<2x32x768xf32, #tpu.memory_space<vmem>>, vector<1x1x16xf32>,
        %get3A_915 = arith.index_cast %rem3A_172 : i32 to index
        %get3A_916 = arith.index_cast %scan3A_286 : i32 to index
        %get3A_917 = arith.constant 592 : index
        %get3A_918 = tpu.vector_load %arg6[%get3A_915, %get3A_916, %get3A_917] {strides = array<i32>} : memref<2x32x768xf32, #tpu.memory_space<vmem>>, vector<1x1x16xf32>,
        %get3A_919 = vector.shape_cast %get3A_918 : vector<1x1x16xf32> to vector<16xf32>
        %get3A_920 = arith.index_cast %rem3A_198 : i32 to index
        %get3A_921 = arith.index_cast %scan3A_286 : i32 to index
        %get3A_922 = arith.constant 592 : index
        %get3A_923 = tpu.vector_load %arg7[%get3A_920, %get3A_921, %get3A_922] {strides = array<i32>} : memref<2x32x768xf32, #tpu.memory_space<vmem>>, vector<1x1x16xf32>,
        %get3A_924 = vector.shape_cast %get3A_923 : vector<1x1x16xf32> to vector<16xf32>
        %add3A_925 = arith.addf %get3A_919, %get3A_924 : vector<16xf32>
        %swap3A_926 = arith.index_cast %rem3A_172 : i32 to index
        %swap3A_927 = arith.index_cast %scan3A_286 : i32 to index
        %swap3A_928 = arith.constant 592 : index
        %swap3A_929 = tpu.vector_load %arg6[%swap3A_926, %swap3A_927, %swap3A_928] {strides = array<i32>} : memref<2x32x768xf32, #tpu.memory_space<vmem>>, vector<1x1x16xf32>,
        %swap3A_930 = vector.shape_cast %swap3A_929 : vector<1x1x16xf32> to vector<16xf32>
        %swap3A_931 = vector.shape_cast %add3A_925 : vector<16xf32> to vector<1x1x16xf32>
        tpu.vector_store %arg6[%swap3A_926, %swap3A_927, %swap3A_928], %swap3A_931 {strides = array<i32>} : memref<2x32x768xf32, #tpu.memory_space<vmem>>, vector<1x1x16xf32>,
        %get3A_932 = arith.index_cast %rem3A_172 : i32 to index
        %get3A_933 = arith.index_cast %scan3A_286 : i32 to index
        %get3A_934 = arith.constant 608 : index
        %get3A_935 = tpu.vector_load %arg6[%get3A_932, %get3A_933, %get3A_934] {strides = array<i32>} : memref<2x32x768xf32, #tpu.memory_space<vmem>>, vector<1x1x16xf32>,
        %get3A_936 = vector.shape_cast %get3A_935 : vector<1x1x16xf32> to vector<16xf32>
        %get3A_937 = arith.index_cast %rem3A_198 : i32 to index
        %get3A_938 = arith.index_cast %scan3A_286 : i32 to index
        %get3A_939 = arith.constant 608 : index
        %get3A_940 = tpu.vector_load %arg7[%get3A_937, %get3A_938, %get3A_939] {strides = array<i32>} : memref<2x32x768xf32, #tpu.memory_space<vmem>>, vector<1x1x16xf32>,
        %get3A_941 = vector.shape_cast %get3A_940 : vector<1x1x16xf32> to vector<16xf32>
        %add3A_942 = arith.addf %get3A_936, %get3A_941 : vector<16xf32>
        %swap3A_943 = arith.index_cast %rem3A_172 : i32 to index
        %swap3A_944 = arith.index_cast %scan3A_286 : i32 to index
        %swap3A_945 = arith.constant 608 : index
        %swap3A_946 = tpu.vector_load %arg6[%swap3A_943, %swap3A_944, %swap3A_945] {strides = array<i32>} : memref<2x32x768xf32, #tpu.memory_space<vmem>>, vector<1x1x16xf32>,
        %swap3A_947 = vector.shape_cast %swap3A_946 : vector<1x1x16xf32> to vector<16xf32>
        %swap3A_948 = vector.shape_cast %add3A_942 : vector<16xf32> to vector<1x1x16xf32>
        tpu.vector_store %arg6[%swap3A_943, %swap3A_944, %swap3A_945], %swap3A_948 {strides = array<i32>} : memref<2x32x768xf32, #tpu.memory_space<vmem>>, vector<1x1x16xf32>,
        %get3A_949 = arith.index_cast %rem3A_172 : i32 to index
        %get3A_950 = arith.index_cast %scan3A_286 : i32 to index
        %get3A_951 = arith.constant 624 : index
        %get3A_952 = tpu.vector_load %arg6[%get3A_949, %get3A_950, %get3A_951] {strides = array<i32>} : memref<2x32x768xf32, #tpu.memory_space<vmem>>, vector<1x1x16xf32>,
        %get3A_953 = vector.shape_cast %get3A_952 : vector<1x1x16xf32> to vector<16xf32>
        %get3A_954 = arith.index_cast %rem3A_198 : i32 to index
        %get3A_955 = arith.index_cast %scan3A_286 : i32 to index
        %get3A_956 = arith.constant 624 : index
        %get3A_957 = tpu.vector_load %arg7[%get3A_954, %get3A_955, %get3A_956] {strides = array<i32>} : memref<2x32x768xf32, #tpu.memory_space<vmem>>, vector<1x1x16xf32>,
        %get3A_958 = vector.shape_cast %get3A_957 : vector<1x1x16xf32> to vector<16xf32>
        %add3A_959 = arith.addf %get3A_953, %get3A_958 : vector<16xf32>
        %swap3A_960 = arith.index_cast %rem3A_172 : i32 to index
        %swap3A_961 = arith.index_cast %scan3A_286 : i32 to index
        %swap3A_962 = arith.constant 624 : index
        %swap3A_963 = tpu.vector_load %arg6[%swap3A_960, %swap3A_961, %swap3A_962] {strides = array<i32>} : memref<2x32x768xf32, #tpu.memory_space<vmem>>, vector<1x1x16xf32>,
        %swap3A_964 = vector.shape_cast %swap3A_963 : vector<1x1x16xf32> to vector<16xf32>
        %swap3A_965 = vector.shape_cast %add3A_959 : vector<16xf32> to vector<1x1x16xf32>
        tpu.vector_store %arg6[%swap3A_960, %swap3A_961, %swap3A_962], %swap3A_965 {strides = array<i32>} : memref<2x32x768xf32, #tpu.memory_space<vmem>>, vector<1x1x16xf32>,
        %get3A_966 = arith.index_cast %rem3A_172 : i32 to index
        %get3A_967 = arith.index_cast %scan3A_286 : i32 to index
        %get3A_968 = arith.constant 640 : index
        %get3A_969 = tpu.vector_load %arg6[%get3A_966, %get3A_967, %get3A_968] {strides = array<i32>} : memref<2x32x768xf32, #tpu.memory_space<vmem>>, vector<1x1x16xf32>,
        %get3A_970 = vector.shape_cast %get3A_969 : vector<1x1x16xf32> to vector<16xf32>
        %get3A_971 = arith.index_cast %rem3A_198 : i32 to index
        %get3A_972 = arith.index_cast %scan3A_286 : i32 to index
        %get3A_973 = arith.constant 640 : index
        %get3A_974 = tpu.vector_load %arg7[%get3A_971, %get3A_972, %get3A_973] {strides = array<i32>} : memref<2x32x768xf32, #tpu.memory_space<vmem>>, vector<1x1x16xf32>,
        %get3A_975 = vector.shape_cast %get3A_974 : vector<1x1x16xf32> to vector<16xf32>
        %add3A_976 = arith.addf %get3A_970, %get3A_975 : vector<16xf32>
        %swap3A_977 = arith.index_cast %rem3A_172 : i32 to index
        %swap3A_978 = arith.index_cast %scan3A_286 : i32 to index
        %swap3A_979 = arith.constant 640 : index
        %swap3A_980 = tpu.vector_load %arg6[%swap3A_977, %swap3A_978, %swap3A_979] {strides = array<i32>} : memref<2x32x768xf32, #tpu.memory_space<vmem>>, vector<1x1x16xf32>,
        %swap3A_981 = vector.shape_cast %swap3A_980 : vector<1x1x16xf32> to vector<16xf32>
        %swap3A_982 = vector.shape_cast %add3A_976 : vector<16xf32> to vector<1x1x16xf32>
        tpu.vector_store %arg6[%swap3A_977, %swap3A_978, %swap3A_979], %swap3A_982 {strides = array<i32>} : memref<2x32x768xf32, #tpu.memory_space<vmem>>, vector<1x1x16xf32>,
        %get3A_983 = arith.index_cast %rem3A_172 : i32 to index
        %get3A_984 = arith.index_cast %scan3A_286 : i32 to index
        %get3A_985 = arith.constant 656 : index
        %get3A_986 = tpu.vector_load %arg6[%get3A_983, %get3A_984, %get3A_985] {strides = array<i32>} : memref<2x32x768xf32, #tpu.memory_space<vmem>>, vector<1x1x16xf32>,
        %get3A_987 = vector.shape_cast %get3A_986 : vector<1x1x16xf32> to vector<16xf32>
        %get3A_988 = arith.index_cast %rem3A_198 : i32 to index
        %get3A_989 = arith.index_cast %scan3A_286 : i32 to index
        %get3A_990 = arith.constant 656 : index
        %get3A_991 = tpu.vector_load %arg7[%get3A_988, %get3A_989, %get3A_990] {strides = array<i32>} : memref<2x32x768xf32, #tpu.memory_space<vmem>>, vector<1x1x16xf32>,
        %get3A_992 = vector.shape_cast %get3A_991 : vector<1x1x16xf32> to vector<16xf32>
        %add3A_993 = arith.addf %get3A_987, %get3A_992 : vector<16xf32>
        %swap3A_994 = arith.index_cast %rem3A_172 : i32 to index
        %swap3A_995 = arith.index_cast %scan3A_286 : i32 to index
        %swap3A_996 = arith.constant 656 : index
        %swap3A_997 = tpu.vector_load %arg6[%swap3A_994, %swap3A_995, %swap3A_996] {strides = array<i32>} : memref<2x32x768xf32, #tpu.memory_space<vmem>>, vector<1x1x16xf32>,
        %swap3A_998 = vector.shape_cast %swap3A_997 : vector<1x1x16xf32> to vector<16xf32>
        %swap3A_999 = vector.shape_cast %add3A_993 : vector<16xf32> to vector<1x1x16xf32>
        tpu.vector_store %arg6[%swap3A_994, %swap3A_995, %swap3A_996], %swap3A_999 {strides = array<i32>} : memref<2x32x768xf32, #tpu.memory_space<vmem>>, vector<1x1x16xf32>,
        %get3A_1000 = arith.index_cast %rem3A_172 : i32 to index
        %get3A_1001 = arith.index_cast %scan3A_286 : i32 to index
        %get3A_1002 = arith.constant 672 : index
        %get3A_1003 = tpu.vector_load %arg6[%get3A_1000, %get3A_1001, %get3A_1002] {strides = array<i32>} : memref<2x32x768xf32, #tpu.memory_space<vmem>>, vector<1x1x16xf32>,
        %get3A_1004 = vector.shape_cast %get3A_1003 : vector<1x1x16xf32> to vector<16xf32>
        %get3A_1005 = arith.index_cast %rem3A_198 : i32 to index
        %get3A_1006 = arith.index_cast %scan3A_286 : i32 to index
        %get3A_1007 = arith.constant 672 : index
        %get3A_1008 = tpu.vector_load %arg7[%get3A_1005, %get3A_1006, %get3A_1007] {strides = array<i32>} : memref<2x32x768xf32, #tpu.memory_space<vmem>>, vector<1x1x16xf32>,
        %get3A_1009 = vector.shape_cast %get3A_1008 : vector<1x1x16xf32> to vector<16xf32>
        %add3A_1010 = arith.addf %get3A_1004, %get3A_1009 : vector<16xf32>
        %swap3A_1011 = arith.index_cast %rem3A_172 : i32 to index
        %swap3A_1012 = arith.index_cast %scan3A_286 : i32 to index
        %swap3A_1013 = arith.constant 672 : index
        %swap3A_1014 = tpu.vector_load %arg6[%swap3A_1011, %swap3A_1012, %swap3A_1013] {strides = array<i32>} : memref<2x32x768xf32, #tpu.memory_space<vmem>>, vector<1x1x16xf32>,
        %swap3A_1015 = vector.shape_cast %swap3A_1014 : vector<1x1x16xf32> to vector<16xf32>
        %swap3A_1016 = vector.shape_cast %add3A_1010 : vector<16xf32> to vector<1x1x16xf32>
        tpu.vector_store %arg6[%swap3A_1011, %swap3A_1012, %swap3A_1013], %swap3A_1016 {strides = array<i32>} : memref<2x32x768xf32, #tpu.memory_space<vmem>>, vector<1x1x16xf32>,
        %get3A_1017 = arith.index_cast %rem3A_172 : i32 to index
        %get3A_1018 = arith.index_cast %scan3A_286 : i32 to index
        %get3A_1019 = arith.constant 688 : index
        %get3A_1020 = tpu.vector_load %arg6[%get3A_1017, %get3A_1018, %get3A_1019] {strides = array<i32>} : memref<2x32x768xf32, #tpu.memory_space<vmem>>, vector<1x1x16xf32>,
        %get3A_1021 = vector.shape_cast %get3A_1020 : vector<1x1x16xf32> to vector<16xf32>
        %get3A_1022 = arith.index_cast %rem3A_198 : i32 to index
        %get3A_1023 = arith.index_cast %scan3A_286 : i32 to index
        %get3A_1024 = arith.constant 688 : index
        %get3A_1025 = tpu.vector_load %arg7[%get3A_1022, %get3A_1023, %get3A_1024] {strides = array<i32>} : memref<2x32x768xf32, #tpu.memory_space<vmem>>, vector<1x1x16xf32>,
        %get3A_1026 = vector.shape_cast %get3A_1025 : vector<1x1x16xf32> to vector<16xf32>
        %add3A_1027 = arith.addf %get3A_1021, %get3A_1026 : vector<16xf32>
        %swap3A_1028 = arith.index_cast %rem3A_172 : i32 to index
        %swap3A_1029 = arith.index_cast %scan3A_286 : i32 to index
        %swap3A_1030 = arith.constant 688 : index
        %swap3A_1031 = tpu.vector_load %arg6[%swap3A_1028, %swap3A_1029, %swap3A_1030] {strides = array<i32>} : memref<2x32x768xf32, #tpu.memory_space<vmem>>, vector<1x1x16xf32>,
        %swap3A_1032 = vector.shape_cast %swap3A_1031 : vector<1x1x16xf32> to vector<16xf32>
        %swap3A_1033 = vector.shape_cast %add3A_1027 : vector<16xf32> to vector<1x1x16xf32>
        tpu.vector_store %arg6[%swap3A_1028, %swap3A_1029, %swap3A_1030], %swap3A_1033 {strides = array<i32>} : memref<2x32x768xf32, #tpu.memory_space<vmem>>, vector<1x1x16xf32>,
        %get3A_1034 = arith.index_cast %rem3A_172 : i32 to index
        %get3A_1035 = arith.index_cast %scan3A_286 : i32 to index
        %get3A_1036 = arith.constant 704 : index
        %get3A_1037 = tpu.vector_load %arg6[%get3A_1034, %get3A_1035, %get3A_1036] {strides = array<i32>} : memref<2x32x768xf32, #tpu.memory_space<vmem>>, vector<1x1x16xf32>,
        %get3A_1038 = vector.shape_cast %get3A_1037 : vector<1x1x16xf32> to vector<16xf32>
        %get3A_1039 = arith.index_cast %rem3A_198 : i32 to index
        %get3A_1040 = arith.index_cast %scan3A_286 : i32 to index
        %get3A_1041 = arith.constant 704 : index
        %get3A_1042 = tpu.vector_load %arg7[%get3A_1039, %get3A_1040, %get3A_1041] {strides = array<i32>} : memref<2x32x768xf32, #tpu.memory_space<vmem>>, vector<1x1x16xf32>,
        %get3A_1043 = vector.shape_cast %get3A_1042 : vector<1x1x16xf32> to vector<16xf32>
        %add3A_1044 = arith.addf %get3A_1038, %get3A_1043 : vector<16xf32>
        %swap3A_1045 = arith.index_cast %rem3A_172 : i32 to index
        %swap3A_1046 = arith.index_cast %scan3A_286 : i32 to index
        %swap3A_1047 = arith.constant 704 : index
        %swap3A_1048 = tpu.vector_load %arg6[%swap3A_1045, %swap3A_1046, %swap3A_1047] {strides = array<i32>} : memref<2x32x768xf32, #tpu.memory_space<vmem>>, vector<1x1x16xf32>,
        %swap3A_1049 = vector.shape_cast %swap3A_1048 : vector<1x1x16xf32> to vector<16xf32>
        %swap3A_1050 = vector.shape_cast %add3A_1044 : vector<16xf32> to vector<1x1x16xf32>
        tpu.vector_store %arg6[%swap3A_1045, %swap3A_1046, %swap3A_1047], %swap3A_1050 {strides = array<i32>} : memref<2x32x768xf32, #tpu.memory_space<vmem>>, vector<1x1x16xf32>,
        %get3A_1051 = arith.index_cast %rem3A_172 : i32 to index
        %get3A_1052 = arith.index_cast %scan3A_286 : i32 to index
        %get3A_1053 = arith.constant 720 : index
        %get3A_1054 = tpu.vector_load %arg6[%get3A_1051, %get3A_1052, %get3A_1053] {strides = array<i32>} : memref<2x32x768xf32, #tpu.memory_space<vmem>>, vector<1x1x16xf32>,
        %get3A_1055 = vector.shape_cast %get3A_1054 : vector<1x1x16xf32> to vector<16xf32>
        %get3A_1056 = arith.index_cast %rem3A_198 : i32 to index
        %get3A_1057 = arith.index_cast %scan3A_286 : i32 to index
        %get3A_1058 = arith.constant 720 : index
        %get3A_1059 = tpu.vector_load %arg7[%get3A_1056, %get3A_1057, %get3A_1058] {strides = array<i32>} : memref<2x32x768xf32, #tpu.memory_space<vmem>>, vector<1x1x16xf32>,
        %get3A_1060 = vector.shape_cast %get3A_1059 : vector<1x1x16xf32> to vector<16xf32>
        %add3A_1061 = arith.addf %get3A_1055, %get3A_1060 : vector<16xf32>
        %swap3A_1062 = arith.index_cast %rem3A_172 : i32 to index
        %swap3A_1063 = arith.index_cast %scan3A_286 : i32 to index
        %swap3A_1064 = arith.constant 720 : index
        %swap3A_1065 = tpu.vector_load %arg6[%swap3A_1062, %swap3A_1063, %swap3A_1064] {strides = array<i32>} : memref<2x32x768xf32, #tpu.memory_space<vmem>>, vector<1x1x16xf32>,
        %swap3A_1066 = vector.shape_cast %swap3A_1065 : vector<1x1x16xf32> to vector<16xf32>
        %swap3A_1067 = vector.shape_cast %add3A_1061 : vector<16xf32> to vector<1x1x16xf32>
        tpu.vector_store %arg6[%swap3A_1062, %swap3A_1063, %swap3A_1064], %swap3A_1067 {strides = array<i32>} : memref<2x32x768xf32, #tpu.memory_space<vmem>>, vector<1x1x16xf32>,
        %get3A_1068 = arith.index_cast %rem3A_172 : i32 to index
        %get3A_1069 = arith.index_cast %scan3A_286 : i32 to index
        %get3A_1070 = arith.constant 736 : index
        %get3A_1071 = tpu.vector_load %arg6[%get3A_1068, %get3A_1069, %get3A_1070] {strides = array<i32>} : memref<2x32x768xf32, #tpu.memory_space<vmem>>, vector<1x1x16xf32>,
        %get3A_1072 = vector.shape_cast %get3A_1071 : vector<1x1x16xf32> to vector<16xf32>
        %get3A_1073 = arith.index_cast %rem3A_198 : i32 to index
        %get3A_1074 = arith.index_cast %scan3A_286 : i32 to index
        %get3A_1075 = arith.constant 736 : index
        %get3A_1076 = tpu.vector_load %arg7[%get3A_1073, %get3A_1074, %get3A_1075] {strides = array<i32>} : memref<2x32x768xf32, #tpu.memory_space<vmem>>, vector<1x1x16xf32>,
        %get3A_1077 = vector.shape_cast %get3A_1076 : vector<1x1x16xf32> to vector<16xf32>
        %add3A_1078 = arith.addf %get3A_1072, %get3A_1077 : vector<16xf32>
        %swap3A_1079 = arith.index_cast %rem3A_172 : i32 to index
        %swap3A_1080 = arith.index_cast %scan3A_286 : i32 to index
        %swap3A_1081 = arith.constant 736 : index
        %swap3A_1082 = tpu.vector_load %arg6[%swap3A_1079, %swap3A_1080, %swap3A_1081] {strides = array<i32>} : memref<2x32x768xf32, #tpu.memory_space<vmem>>, vector<1x1x16xf32>,
        %swap3A_1083 = vector.shape_cast %swap3A_1082 : vector<1x1x16xf32> to vector<16xf32>
        %swap3A_1084 = vector.shape_cast %add3A_1078 : vector<16xf32> to vector<1x1x16xf32>
        tpu.vector_store %arg6[%swap3A_1079, %swap3A_1080, %swap3A_1081], %swap3A_1084 {strides = array<i32>} : memref<2x32x768xf32, #tpu.memory_space<vmem>>, vector<1x1x16xf32>,
        %get3A_1085 = arith.index_cast %rem3A_172 : i32 to index
        %get3A_1086 = arith.index_cast %scan3A_286 : i32 to index
        %get3A_1087 = arith.constant 752 : index
        %get3A_1088 = tpu.vector_load %arg6[%get3A_1085, %get3A_1086, %get3A_1087] {strides = array<i32>} : memref<2x32x768xf32, #tpu.memory_space<vmem>>, vector<1x1x16xf32>,
        %get3A_1089 = vector.shape_cast %get3A_1088 : vector<1x1x16xf32> to vector<16xf32>
        %get3A_1090 = arith.index_cast %rem3A_198 : i32 to index
        %get3A_1091 = arith.index_cast %scan3A_286 : i32 to index
        %get3A_1092 = arith.constant 752 : index
        %get3A_1093 = tpu.vector_load %arg7[%get3A_1090, %get3A_1091, %get3A_1092] {strides = array<i32>} : memref<2x32x768xf32, #tpu.memory_space<vmem>>, vector<1x1x16xf32>,
        %get3A_1094 = vector.shape_cast %get3A_1093 : vector<1x1x16xf32> to vector<16xf32>
        %add3A_1095 = arith.addf %get3A_1089, %get3A_1094 : vector<16xf32>
        %swap3A_1096 = arith.index_cast %rem3A_172 : i32 to index
        %swap3A_1097 = arith.index_cast %scan3A_286 : i32 to index
        %swap3A_1098 = arith.constant 752 : index
        %swap3A_1099 = tpu.vector_load %arg6[%swap3A_1096, %swap3A_1097, %swap3A_1098] {strides = array<i32>} : memref<2x32x768xf32, #tpu.memory_space<vmem>>, vector<1x1x16xf32>,
        %swap3A_1100 = vector.shape_cast %swap3A_1099 : vector<1x1x16xf32> to vector<16xf32>
        %swap3A_1101 = vector.shape_cast %add3A_1095 : vector<16xf32> to vector<1x1x16xf32>
        tpu.vector_store %arg6[%swap3A_1096, %swap3A_1097, %swap3A_1098], %swap3A_1101 {strides = array<i32>} : memref<2x32x768xf32, #tpu.memory_space<vmem>>, vector<1x1x16xf32>,
      }
      %scan3A_203 = arith.constant 32 : i32
      %jit3A_204 = arith.constant 4 : i32
      %div3A_205 = arith.divsi %scan3A_108, %jit3A_204 : i32
      %sign3A_206 = arith.constant 0 : i32
      %sign3A_207 = arith.cmpi sgt, %scan3A_108, %sign3A_206 : i32
      %sign3A_208 = arith.extui %sign3A_207 : i1 to i32
      %sign3A_209 = arith.constant 0 : i32
      %sign3A_210 = arith.cmpi slt, %scan3A_108, %sign3A_209 : i32
      %sign3A_211 = arith.extui %sign3A_210 : i1 to i32
      %sign3A_212 = arith.subi %sign3A_208, %sign3A_211 : i32
      %sign3A_213 = arith.constant 0 : i32
      %sign3A_214 = arith.cmpi sgt, %jit3A_204, %sign3A_213 : i32
      %sign3A_215 = arith.extui %sign3A_214 : i1 to i32
      %sign3A_216 = arith.constant 0 : i32
      %sign3A_217 = arith.cmpi slt, %jit3A_204, %sign3A_216 : i32
      %sign3A_218 = arith.extui %sign3A_217 : i1 to i32
      %sign3A_219 = arith.subi %sign3A_215, %sign3A_218 : i32
      %ne3A_220 = arith.cmpi ne, %sign3A_212, %sign3A_219 : i32
      %rem3A_221 = arith.remsi %scan3A_108, %jit3A_204 : i32
      %ne3A_222 = arith.constant 0 : i32
      %ne3A_223 = arith.cmpi ne, %rem3A_221, %ne3A_222 : i32
      %and3A_224 = arith.andi %ne3A_220, %ne3A_223 : i1
      %sub3A_225 = arith.constant 1 : i32
      %sub3A_226 = arith.subi %div3A_205, %sub3A_225 : i32
      %select_n3A_227 = arith.select %and3A_224, %sub3A_226, %div3A_205 : i32
      %jit3A_228 = arith.constant 4 : i32
      %eq3A_229 = arith.constant 0 : i32
      %eq3A_230 = arith.cmpi eq, %jit3A_228, %eq3A_229 : i32
      %jit3A_231 = arith.constant 1 : i32
      %select_n3A_232 = arith.select %eq3A_230, %jit3A_231, %jit3A_228 : i32
      %rem3A_233 = arith.remsi %scan3A_108, %select_n3A_232 : i32
      %ne3A_234 = arith.constant 0 : i32
      %ne3A_235 = arith.cmpi ne, %rem3A_233, %ne3A_234 : i32
      %lt3A_236 = arith.constant 0 : i32
      %lt3A_237 = arith.cmpi slt, %rem3A_233, %lt3A_236 : i32
      %lt3A_238 = arith.constant 0 : i32
      %lt3A_239 = arith.cmpi slt, %select_n3A_232, %lt3A_238 : i32
      %ne3A_240 = arith.xori %lt3A_237, %lt3A_239 : i1
      %and3A_241 = arith.andi %ne3A_240, %ne3A_235 : i1
      %add3A_242 = arith.addi %rem3A_233, %select_n3A_232 : i32
      %select_n3A_243 = arith.select %and3A_241, %add3A_242, %rem3A_233 : i32
      %rem3A_244 = arith.constant 2 : i32
      %rem3A_245 = arith.remsi %scan3A_108, %rem3A_244 : i32
      %mul3A_246 = arith.constant 8193 : i32
      %mul3A_247 = arith.muli %select_n3A_243, %mul3A_246 : i32
      %add3A_248 = arith.constant 1 : i32
      %add3A_249 = arith.addi %mul3A_247, %add3A_248 : i32
      %mul3A_250 = arith.constant 256 : i32
      %mul3A_251 = arith.muli %add3A, %mul3A_250 : i32
      %add3A_252 = arith.addi %add3A_249, %mul3A_251 : i32
      %mul3A_253 = arith.constant 32 : i32
      %mul3A_254 = arith.muli %select_n3A_227, %mul3A_253 : i32
      %add3A_255 = arith.addi %add3A_252, %mul3A_254 : i32
      %add3A_256 = arith.constant 0 : i32
      %add3A_257 = arith.addi %add3A_255, %add3A_256 : i32
      %add3A_258 = vector.broadcast %add3A_257 : i32 to vector<16xi32>
      %add3A_259 = arith.addi %iota3A, %add3A_258 : vector<16xi32>
      %swap3A_260 = arith.index_cast %rem3A_245 : i32 to index
      %swap3A_261 = arith.constant 0 : index
      %swap3A_262 = tpu.vector_load %arg9[%swap3A_260, %swap3A_261] {strides = array<i32>} : memref<2x32xi32, #tpu.memory_space<vmem>>, vector<1x16xi32>,
      %swap3A_263 = vector.shape_cast %swap3A_262 : vector<1x16xi32> to vector<16xi32>
      %swap3A_264 = vector.shape_cast %add3A_259 : vector<16xi32> to vector<1x16xi32>
      tpu.vector_store %arg9[%swap3A_260, %swap3A_261], %swap3A_264 {strides = array<i32>} : memref<2x32xi32, #tpu.memory_space<vmem>>, vector<1x16xi32>,
      %add3A_265 = arith.constant 16 : i32
      %add3A_266 = arith.addi %add3A_255, %add3A_265 : i32
      %add3A_267 = vector.broadcast %add3A_266 : i32 to vector<16xi32>
      %add3A_268 = arith.addi %iota3A, %add3A_267 : vector<16xi32>
      %swap3A_269 = arith.index_cast %rem3A_245 : i32 to index
      %swap3A_270 = arith.constant 16 : index
      %swap3A_271 = tpu.vector_load %arg9[%swap3A_269, %swap3A_270] {strides = array<i32>} : memref<2x32xi32, #tpu.memory_space<vmem>>, vector<1x16xi32>,
      %swap3A_272 = vector.shape_cast %swap3A_271 : vector<1x16xi32> to vector<16xi32>
      %swap3A_273 = vector.shape_cast %add3A_268 : vector<16xi32> to vector<1x16xi32>
      tpu.vector_store %arg9[%swap3A_269, %swap3A_270], %swap3A_273 {strides = array<i32>} : memref<2x32xi32, #tpu.memory_space<vmem>>, vector<1x16xi32>,
      %dma_start3A_274 = arith.constant 0 : i32
      %dma_start3A_275 = arith.constant 0 : i32
      %dma_start3A_276 = tpu.memref_slice %arg6[%rem3A_245, %dma_start3A_274, %dma_start3A_275] : memref<2x32x768xf32, #tpu.memory_space<vmem>> -> memref<1x32x768xf32, #tpu.memory_space<vmem>>
      %dma_start3A_277 = tpu.memref_squeeze %dma_start3A_276 : memref<1x32x768xf32, #tpu.memory_space<vmem>> -> memref<32x768xf32, #tpu.memory_space<vmem>>
      %dma_start3A_278 = arith.constant 0 : i32
      %dma_start3A_279 = tpu.memref_slice %arg9[%rem3A_245, %dma_start3A_278] : memref<2x32xi32, #tpu.memory_space<vmem>> -> memref<1x32xi32, #tpu.memory_space<vmem>>
      %dma_start3A_280 = tpu.memref_squeeze %dma_start3A_279 : memref<1x32xi32, #tpu.memory_space<vmem>> -> memref<32xi32, #tpu.memory_space<vmem>>
      %dma_start3A_281 = arith.constant 0 : i32
      %dma_start3A_282 = arith.constant 0 : i32
      %dma_start3A_283 = tpu.memref_slice %arg5[%dma_start3A_281, %dma_start3A_282] : memref<32772x768xf32, #tpu.memory_space<hbm>> -> memref<32772x768xf32, #tpu.memory_space<hbm>>
      %dma_start3A_284 = tpu.memref_slice %arg14[%rem3A_245] : memref<2x!tpu.dma_semaphore, #tpu.memory_space<semaphore_mem>> -> memref<1x!tpu.dma_semaphore, #tpu.memory_space<semaphore_mem>>
      %dma_start3A_285 = tpu.memref_squeeze %dma_start3A_284 : memref<1x!tpu.dma_semaphore, #tpu.memory_space<semaphore_mem>> -> memref<!tpu.dma_semaphore, #tpu.memory_space<semaphore_mem>>
      tpu.enqueue_indirect_dma source(%dma_start3A_277 : memref<32x768xf32, #tpu.memory_space<vmem>>) target(%dma_start3A_283 : memref<32772x768xf32, #tpu.memory_space<hbm>>) offsets(%dma_start3A_280 : memref<32xi32, #tpu.memory_space<vmem>>) semaphore(%dma_start3A_285 : memref<!tpu.dma_semaphore, #tpu.memory_space<semaphore_mem>>)
    }
    %scan3A_65 = arith.constant 32 : i32
    %rem3A_66 = arith.constant 31 : i32
    %rem3A_67 = arith.constant 2 : i32
    %rem3A_68 = arith.remsi %rem3A_66, %rem3A_67 : i32
    %dma_wait3A = arith.constant 0 : i32
    %dma_wait3A_69 = arith.constant 0 : i32
    %dma_wait3A_70 = tpu.memref_slice %arg6[%rem3A_68, %dma_wait3A, %dma_wait3A_69] : memref<2x32x768xf32, #tpu.memory_space<vmem>> -> memref<1x32x768xf32, #tpu.memory_space<vmem>>
    %dma_wait3A_71 = tpu.memref_squeeze %dma_wait3A_70 : memref<1x32x768xf32, #tpu.memory_space<vmem>> -> memref<32x768xf32, #tpu.memory_space<vmem>>
    %dma_wait3A_72 = arith.constant 0 : i32
    %dma_wait3A_73 = arith.constant 0 : i32
    %dma_wait3A_74 = tpu.memref_slice %arg2[%dma_wait3A_72, %dma_wait3A_73] : memref<32768x768xf32, #tpu.memory_space<hbm>> -> memref<32x768xf32, #tpu.memory_space<hbm>>
    %dma_wait3A_75 = tpu.memref_slice %arg14[%rem3A_68] : memref<2x!tpu.dma_semaphore, #tpu.memory_space<semaphore_mem>> -> memref<1x!tpu.dma_semaphore, #tpu.memory_space<semaphore_mem>>
    %dma_wait3A_76 = tpu.memref_squeeze %dma_wait3A_75 : memref<1x!tpu.dma_semaphore, #tpu.memory_space<semaphore_mem>> -> memref<!tpu.dma_semaphore, #tpu.memory_space<semaphore_mem>>
    %dma_wait3A_77 = arith.constant 0 : i32
    %dma_wait3A_78 = arith.constant 0 : i32
    %dma_wait3A_79 = tpu.memref_slice %arg6[%rem3A_68, %dma_wait3A_77, %dma_wait3A_78] : memref<2x32x768xf32, #tpu.memory_space<vmem>> -> memref<1x32x768xf32, #tpu.memory_space<vmem>>
    %dma_wait3A_80 = tpu.memref_squeeze %dma_wait3A_79 : memref<1x32x768xf32, #tpu.memory_space<vmem>> -> memref<32x768xf32, #tpu.memory_space<vmem>>
    %dma_wait3A_81 = arith.constant 0 : i32
    %dma_wait3A_82 = arith.constant 0 : i32
    %dma_wait3A_83 = tpu.memref_slice %arg2[%dma_wait3A_81, %dma_wait3A_82] : memref<32768x768xf32, #tpu.memory_space<hbm>> -> memref<32x768xf32, #tpu.memory_space<hbm>>
    tpu.wait_dma2 semaphore(%dma_wait3A_76 : memref<!tpu.dma_semaphore, #tpu.memory_space<semaphore_mem>>) src(%dma_wait3A_83 : memref<32x768xf32, #tpu.memory_space<hbm>>) dst(%dma_wait3A_80 : memref<32x768xf32, #tpu.memory_space<vmem>>)
    %rem3A_84 = arith.constant 30 : i32
    %rem3A_85 = arith.constant 2 : i32
    %rem3A_86 = arith.remsi %rem3A_84, %rem3A_85 : i32
    %dma_wait3A_87 = arith.constant 0 : i32
    %dma_wait3A_88 = arith.constant 0 : i32
    %dma_wait3A_89 = tpu.memref_slice %arg6[%rem3A_86, %dma_wait3A_87, %dma_wait3A_88] : memref<2x32x768xf32, #tpu.memory_space<vmem>> -> memref<1x32x768xf32, #tpu.memory_space<vmem>>
    %dma_wait3A_90 = tpu.memref_squeeze %dma_wait3A_89 : memref<1x32x768xf32, #tpu.memory_space<vmem>> -> memref<32x768xf32, #tpu.memory_space<vmem>>
    %dma_wait3A_91 = arith.constant 0 : i32
    %dma_wait3A_92 = arith.constant 0 : i32
    %dma_wait3A_93 = tpu.memref_slice %arg2[%dma_wait3A_91, %dma_wait3A_92] : memref<32768x768xf32, #tpu.memory_space<hbm>> -> memref<32x768xf32, #tpu.memory_space<hbm>>
    %dma_wait3A_94 = tpu.memref_slice %arg14[%rem3A_86] : memref<2x!tpu.dma_semaphore, #tpu.memory_space<semaphore_mem>> -> memref<1x!tpu.dma_semaphore, #tpu.memory_space<semaphore_mem>>
    %dma_wait3A_95 = tpu.memref_squeeze %dma_wait3A_94 : memref<1x!tpu.dma_semaphore, #tpu.memory_space<semaphore_mem>> -> memref<!tpu.dma_semaphore, #tpu.memory_space<semaphore_mem>>
    %dma_wait3A_96 = arith.constant 0 : i32
    %dma_wait3A_97 = arith.constant 0 : i32
    %dma_wait3A_98 = tpu.memref_slice %arg6[%rem3A_86, %dma_wait3A_96, %dma_wait3A_97] : memref<2x32x768xf32, #tpu.memory_space<vmem>> -> memref<1x32x768xf32, #tpu.memory_space<vmem>>
    %dma_wait3A_99 = tpu.memref_squeeze %dma_wait3A_98 : memref<1x32x768xf32, #tpu.memory_space<vmem>> -> memref<32x768xf32, #tpu.memory_space<vmem>>
    %dma_wait3A_100 = arith.constant 0 : i32
    %dma_wait3A_101 = arith.constant 0 : i32
    %dma_wait3A_102 = tpu.memref_slice %arg2[%dma_wait3A_100, %dma_wait3A_101] : memref<32768x768xf32, #tpu.memory_space<hbm>> -> memref<32x768xf32, #tpu.memory_space<hbm>>
    tpu.wait_dma2 semaphore(%dma_wait3A_95 : memref<!tpu.dma_semaphore, #tpu.memory_space<semaphore_mem>>) src(%dma_wait3A_102 : memref<32x768xf32, #tpu.memory_space<hbm>>) dst(%dma_wait3A_99 : memref<32x768xf32, #tpu.memory_space<vmem>>)
    %eq3A_103 = arith.constant 0 : i32
    %eq3A_104 = arith.cmpi eq, %add3A, %eq3A_103 : i32
    %convert_element_type3A_105 = arith.extui %eq3A_104 : i1 to i32
    %cond3A_106 = arith.constant 0 : i32
    %cond3A_107 = arith.cmpi ne, %convert_element_type3A_105, %cond3A_106 : i32
    scf.if %cond3A_107 {
      %dma_wait3A_108 = arith.constant 0 : i32
      %dma_wait3A_109 = arith.constant 0 : i32
      %dma_wait3A_110 = tpu.memref_slice %arg5[%dma_wait3A_108, %dma_wait3A_109] : memref<32772x768xf32, #tpu.memory_space<hbm>> -> memref<32772x768xf32, #tpu.memory_space<hbm>>
      tpu.wait_indirect_dma semaphore(%arg16 : memref<!tpu.dma_semaphore, #tpu.memory_space<semaphore_mem>>) src(%arg10 : memref<16x768xf32, #tpu.memory_space<vmem>>) dst(%dma_wait3A_110 : memref<32772x768xf32, #tpu.memory_space<hbm>>)
    } else {
    }
    return
  }
}

</mosaic_0001>

<sc_bundles>
// kernel: kernel.3.cloned.1.call-start
scs
__scs_entry_jumppad:
0x0: {  	(pc) =	sbr.rel $0x88, $3  }
0x1: {  	(tag) =	ssettag $0x0;
	lr =	simm.s32 $0x1  }
0x2: {  	[smem:$0x3F9E] =	sst lr;
	_ =	strace $0xD0000000  }
0x3: {  	_ = 	snop  }
0x4: {  	_ = 	snop  }
0x5: {  	_ = 	snop  }
0x6: {  	_ = 	snop  }
0x7: {  	_ = 	snop  }
__scs_overlays_trampoline_lowered:
0x8: {  	[smem:$0x3FAD] =	sst s0  }
0x9: {  	[smem:$0x3FAE] =	sst s1  }
0xa: {  	[smem:$0x3FAF] =	sst s2  }
0xb: {  	[smem:$0x3FB0] =	sst s3  }
0xc: {  	[smem:$0x3FB1] =	sst s4  }
0xd: {  	[smem:$0x3FB2] =	sst s5  }
0xe: {  	[smem:$0x3FB3] =	sst s6  }
0xf: {  	[smem:$0x3FB4] =	sst s7  }
0x10: {  	[smem:$0x3FB5] =	sst s8  }
0x11: {  	[smem:$0x3FB6] =	sst s9;
	s0 =	simm.s32 @!p0 $0x0  }
0x12: {  	s1 =	sld [smem:$0x3F9C];
	s0 =	simm.s32 @p0 $0x1  }
0x13: {  	[smem:$0x3FB7] =	sst s0;
	s0 =	simm.s32 @!p1 $0x0  }
0x14: {  	s2 =	sld [smem:$0x3F9B];
	s0 =	simm.s32 @p1 $0x1  }
0x15: {  	[smem:$0x3FB8] =	sst s0;
	s0 =	simm.s32 @!p2 $0x0  }
0x16: {  	s3 =	sld [smem:$0x3FDB];
	s0 =	simm.s32 @p2 $0x1  }
0x17: {  	s4 =	simm.s32 $0x1BF5;
	[smem:$0x3FBA] =	sst s0  }
0x18: {  	s0 =	sld [smem:$0x3F9D];
	_ =	swait.ge [sflag:s4], $0x0  }
0x19: {  	s7 =	sld [smem:$0x3F9E]  }
0x1a: {  	s8 =	sadd.s32 $0xFFFFE003, lr  }
0x1b: {  	s9 =	sadd.s32 $0xFFFFFEF7, lr;
	s5 =	simm.s32 $0xFFFFFFFF;
	p2 =	slt.u32 s8, $0xFFFFF086  }
0x1c: {  	p1 =	slt.u32 s9, $0xF7A;
	s5 =	simm.s32 @!p2 $0x0  }
0x1d: {  	s5 =	simm.s32 @p1 $0x1;
	p0 =	seq.s32 s7, s2  }
0x1e: {  	s7 =	smul.u32 @!p0 $0xF7A, s2;
	p2 =	seq.s32 @!p0 s5, $0x0  }
0x1f: {  	s9 =	smul.u32 $0xF7A, s1;
	s8 =	simm.s32 @!p0 $0x1BF5;
	p2 =	por !p2, p0  }
0x20: {  	[sflag:s8] =	ssyncset.s32 @!p0 $0xFFFFF086;
	s6 =	sadd.s32 @!p0 s3, s7;
	s7 =	simm.s32 @!p0 $0x108  }
0x21: {  	s3 =	sadd.s32 s3, s9;
	s6 =	sadd.s32 @!p0 $0x88, s6;
	s7 =	simm.s32 @p2 $0x1082  }
0x22: {  	[simem:s7], [sflag:s8] =	dma.local @!p0 [hbm:s6], $0xF7A  }
0x23: {  	s9 =	sor.u32 $0xD0000000, s2;
	s6 =	simm.s32 $0x108;
	_ =	swait.ge @!p0 [sflag:s8], $0x0  }
0x24: {  	s3 =	sadd.s32 $0x88, s3;
	s6 =	simm.s32 @!p1 $0x1082;
	[sflag:s4] =	ssyncset.s32 $0xFFFFF086  }
0x25: {  	[simem:s6], [sflag:s4] =	dma.local [hbm:s3], $0xF7A  }
0x26: {  	[smem:$0x3F9E] =	sst s1;
	(tag) =	ssettag s2;
	_ =	strace s9  }
0x27: {  	s1 =	sld [smem:$0x3FAE]  }
0x28: {  	s2 =	sld [smem:$0x3FAF]  }
0x29: {  	s4 =	sld [smem:$0x3FB1]  }
0x2a: {  	p0 =	seq.s32 s5, $0x0;
	s5 =	sld [smem:$0x3FB2]  }
0x2b: {  	s6 =	sld [smem:$0x3FB3]  }
0x2c: {  	s7 =	sld [smem:$0x3FB4]  }
0x2d: {  	s3 =	simm.s32 $0x108;
	s8 =	sld [smem:$0x3FB5]  }
0x2e: {  	s3 =	simm.s32 @!p0 $0x1082;
	s9 =	sld [smem:$0x3FB6]  }
0x2f: {  	lr =	sadd.s32 s0, s3;
	s0 =	sld [smem:$0x3FAD]  }
0x30: {  	s3 =	sld [smem:$0x3FB0]  }
0x31: {  	[smem:$0x3FB9] =	sst s10  }
0x32: {  	s10 =	sld [smem:$0x3FB7];
	_ =	sdelay $0x3  }
0x33: {  	p0 =	seq.s32 s10, $0x1;
	s10 =	sld [smem:$0x3FB9];
	_ =	sdelay $0x3  }
0x34: {  	[smem:$0x3FB9] =	sst s10  }
0x35: {  	s10 =	sld [smem:$0x3FB8];
	_ =	sdelay $0x3  }
0x36: {  	p1 =	seq.s32 s10, $0x1;
	s10 =	sld [smem:$0x3FB9];
	_ =	sdelay $0x3  }
0x37: {  	[smem:$0x3FB9] =	sst s10  }
0x38: {  	s10 =	sld [smem:$0x3FBA]  }
0x39: {  	_ = 	snop;
	(pc) =	sbr.ind lr, $3  }
0x3a: {  	_ = 	snop  }
0x3b: {  	_ = 	snop  }
0x3c: {  	p2 =	seq.s32 s10, $0x1;
	s10 =	sld [smem:$0x3FB9]  }
0x3d: {  	_ =	shalt  }
0x3e: {  	_ =	shalt  }
0x3f: {  	_ =	shalt  }
0x40: {  	_ =	shalt  }
0x41: {  	_ =	shalt  }
0x42: {  	_ =	shalt  }
0x43: {  	_ =	shalt  }
0x44: {  	_ =	shalt  }
0x45: {  	_ =	shalt  }
0x46: {  	_ =	shalt  }
0x47: {  	_ =	shalt  }
0x48: {  	_ =	shalt  }
0x49: {  	_ =	shalt  }
0x4a: {  	_ =	shalt  }
0x4b: {  	_ =	shalt  }
0x4c: {  	_ =	shalt  }
0x4d: {  	_ =	shalt  }
0x4e: {  	_ =	shalt  }
0x4f: {  	_ =	shalt  }
0x50: {  	_ =	shalt  }
0x51: {  	_ =	shalt  }
0x52: {  	_ =	shalt  }
0x53: {  	_ =	shalt  }
0x54: {  	_ =	shalt  }
0x55: {  	_ =	shalt  }
0x56: {  	_ =	shalt  }
0x57: {  	_ =	shalt  }
0x58: {  	_ =	shalt  }
0x59: {  	_ =	shalt  }
0x5a: {  	_ =	shalt  }
0x5b: {  	_ =	shalt  }
0x5c: {  	_ =	shalt  }
0x5d: {  	_ =	shalt  }
0x5e: {  	_ =	shalt  }
0x5f: {  	_ =	shalt  }
0x60: {  	_ =	shalt  }
0x61: {  	_ =	shalt  }
0x62: {  	_ =	shalt  }
0x63: {  	_ =	shalt  }
0x64: {  	_ =	shalt  }
0x65: {  	_ =	shalt  }
0x66: {  	_ =	shalt  }
0x67: {  	_ =	shalt  }
0x68: {  	_ =	shalt  }
0x69: {  	_ =	shalt  }
0x6a: {  	_ =	shalt  }
0x6b: {  	_ =	shalt  }
0x6c: {  	_ =	shalt  }
0x6d: {  	_ =	shalt  }
0x6e: {  	_ =	shalt  }
0x6f: {  	_ =	shalt  }
0x70: {  	_ =	shalt  }
0x71: {  	_ =	shalt  }
0x72: {  	_ =	shalt  }
0x73: {  	_ =	shalt  }
0x74: {  	_ =	shalt  }
0x75: {  	_ =	shalt  }
0x76: {  	_ =	shalt  }
0x77: {  	_ =	shalt  }
0x78: {  	_ =	shalt  }
0x79: {  	_ =	shalt  }
0x7a: {  	_ =	shalt  }
0x7b: {  	_ =	shalt  }
0x7c: {  	_ =	shalt  }
0x7d: {  	_ =	shalt  }
0x7e: {  	_ =	shalt  }
0x7f: {  	_ =	shalt  }
0x80: {  	_ =	shalt  }
0x81: {  	_ =	shalt  }
0x82: {  	_ =	shalt  }
0x83: {  	_ =	shalt  }
0x84: {  	_ =	shalt  }
0x85: {  	_ =	shalt  }
0x86: {  	_ =	shalt  }
0x87: {  	_ =	shalt  }
.Lfunc_end0:
.L_simem_size_0:
called_computation.1_lowered:
.L_overlay_start_0:
0x88: {  	s2 =	sld [smem:$0x3FD9]  }
0x89: {  	s3 =	sld [smem:$0x3FFE];
	_ =	sdelay $0x1  }
0x8a: {  	s1 =	srdreg.scid  }
0x8b: {  	s0 =	sand.u32 $0x1, s1  }
0x8c: {  	s17 =	sshll.u32 s0, $0xA;
	s2 =	sadd.s32 s3, s2  }
0x8d: {  	s2 =	sadd.s32 s2, s17  }
0x8e: {  	[smem:$0x3FC5] =	sst s2  }
0x8f: {  	_ = 	snop  }
0x90: {  	s2 =	sld [smem:$0x3FC9]  }
0x91: {  	s18 =	sld [smem:$0x3FC8]  }
0x92: {  	s4 =	sld [smem:$0x3FC7];
	(tm) =	ssettm $0x1  }
0x93: {  	s5 =	sld [smem:$0x3FFB];
	_ =	sdelay $0x3  }
0x94: {  	_ =	strace s5  }
0x95: {  	s5 =	sld [smem:$0x3FFC];
	_ =	sdelay $0x3  }
0x96: {  	_ =	strace s5  }
0x97: {  	s5 =	sld [smem:$0x3FFD];
	_ =	sdelay $0x3  }
0x98: {  	_ =	strace s5  }
0x99: {  	_ =	strace $0x8FFFFFFF  }
0x9a: {  	s19 =	sld [smem:$0x3FDB];
	_ =	sdelay $0x1  }
0x9b: {  	s6 =	simm.s32 $_scs_section_size  }
0x9c: {  	s7 =	simm.s32 $_size__tile_overlayer_lowered;
	s8 =	simm.s32 $_tile_overlayer_lowered  }
0x9d: {  	s22 =	simm.s32 $0x1BFF;
	s21 =	sshll.u32 s8, $0x1;
	s5 =	sadd.s32 s6, s19  }
0x9e: {  	s9 =	simm.s32 $0x0;
	s20 =	sshll.u32 s7, $0x1;
	s7 =	sadd.s32 s21, s5  }
0x9f: {  	[timem:s9], [sflag:s22] =	dma.local [hbm:s7], s20  }
0xa0: {  	_ =	swait.ge [sflag:s22], s20  }
0xa1: {  	s6 =	ssub.s32 $0x0, s20;
	[sflag:s22] =	ssyncset.done $0x0  }
0xa2: {  	[sflag:s22] =	ssyncadd.s32 s6;
	_ =	sdelay $0x1  }
0xa3: {  	s23 =	simm.s32 $0x1B8B  }
0xa4: {  	_ =	swait.ge [sflag:s23], $0x1  }
0xa5: {  	[sflag:s23] =	ssyncset.done $0x0  }
0xa6: {  	s25 =	simm.s32 $0x1B8E;
	s24 =	sld [smem:$0x3FFE];
	[sflag:s23] =	ssyncadd.s32 $0xFFFFFFFF  }
0xa7: {  	s26 =	simm.s32 $execute0_lowered;
	[smem:$0x3FD2] =	sst s25  }
0xa8: {  	s7 =	sshll.u32 s26, $0x1;
	_ =	strace $0x80000046;
	[dreg:$0x1] =	wrdreg $0xFFFFFFFF  }
0xa9: {  	s28 =	simm.s32 $_size_execute0_lowered;
	s5 =	sadd.s32 s5, s7;
	[dreg:$0x0] =	wrdreg $0x0  }
0xaa: {  	s7 =	sshll.u32 s28, $0x1;
	[dreg:$0x2] =	wrdreg s5  }
0xab: {  	[dreg:$0x3] =	wrdreg s7  }
0xac: {  	[dreg:$0x4] =	wrdreg $0xC0  }
0xad: {  	_ =	task [dreg:s9], $0x5FFFF  }
0xae: {  	[dreg:$0x1] =	wrdreg $0xFFFFFFFF  }
0xaf: {  	[dreg:$0x0] =	wrdreg $0x60  }
0xb0: {  	[dreg:$0x2] =	wrdreg s2  }
0xb1: {  	[dreg:$0x3] =	wrdreg s18  }
0xb2: {  	[dreg:$0x4] =	wrdreg s4  }
0xb3: {  	[dreg:$0x5] =	wrdreg s24  }
0xb4: {  	[dreg:$0x6] =	wrdreg $0x9  }
0xb5: {  	_ =	task.clear_ibuf [dreg:s9], $0x7FFFF;
	_ =	strace $0x90000046  }
0xb6: {  	s29 =	simm.s32 $0x9;
	_ =	strace $0x80000048  }
0xb7: {  	_ =	swait.ge [sflag:s29], $0x1  }
0xb8: {  	[sflag:s29] =	ssyncadd.s32 $0xFFFFFFFF  }
0xb9: {  	_ =	strace $0x90000048  }
0xba: {  	_ =	sfence  }
0xbb: {  	s30 =	sld [smem:$0x0];
	_ =	sdelay $0x2  }
0xbc: {  	s31 =	sshll.u32 s1, $0xD;
	s1 =	sshrl.u32 s1, $0x2  }
0xbd: {  	s3 =	sand.u32 $0x4000, s31;
	s1 =	sadd.s32 s1, s30  }
0xbe: {  	s0 =	sor.u32 s3, s0;
	s1 =	sshll.u32 s1, $0x11  }
0xbf: {  	s0 =	sor.u32 s1, s0  }
0xc0: {  	s0 =	sadd.s32 $0x8F2B, s0  }
0xc1: {  	[sflag:s0] =	ssyncadd.remote.s32 $0x1  }
0xc2: {  	_ =	sfence.sel $0xFFFF  }
0xc3: {  	[dreg:$0x0] =	wrdreg $0xFFFFFFFF;
	(pc) =	sbr.abs _section_cstart, $3  }
0xc4: {  	[dreg:$0x1] =	wrdreg $0xFFFFFFFF  }
0xc5: {  	_ =	task.clear_ibuf [dreg:s9], $0x2FFFF;
	_ =	strace $0x9FFFFFFF  }
0xc6: {  	(tm) =	ssettm $0x7FFFFFFF  }
0xc7: {  	_ =	shalt  }
tec
execute0_lowered:
.L_overlay_start_1:
0x0: {  	(tag) =	ssettag $0x1  }
0x1: {  	s2 =	srdreg.scid;
	s9 =	stileid.u32  }
0x2: {  	s2 =	sand.u32 $0x1, s2;
	s30 =	sshll.u32 s9, $0x1  }
0x3: {  	s1 =	rddreg [dreg:$0x0];
	s5 =	ssub.s32 $0x2, s2;
	s2 =	sor.u32 s2, s30  }
0x4: {  	s8 =	rddreg [dreg:$0x1];
	v0 =	vlaneseq.u32;
	s13 =	sshll.u32 s2, $0x8  }
0x5: {  	s3 =	rddreg [dreg:$0x2];
	v2 =	vimm.s32 $0x0;
	vm0 =	vmmov $0xffff;
	v4 =	vand.u32 $0x7, v0;
	s14 =	sor.u32 $0x1, s13  }
0x6: {  	s0 =	rddreg [dreg:$0x3];
	s4 =	simm.s32 $0x0;
	v9 =	vand.u32 $0x3, v0;
	v8 =	vperm.xlane v2, v4;
	v1 =	vadd.s32 s14, v0  }
0x7: {  	s23 =	simm.s32 $0x7;
	s19 =	simm.s32 $0x11800;
	s20 =	simm.s32 $0x4;
	v10 =	vshrl.u32 v0, $0x3;
	v11 =	vmul.u32 $0xC001, v9;
	v5 =	vshrl.u32 v1, $0x3  }
0x8: {  	s21 =	simm.s32 $0x3;
	s22 =	simm.s32 $0x0;
	[smem:$0x7FF] =	sst s4;
	v3 =	vadd.s32 v10, v8;
	v7 =	vmul.u32 $0x30, v5;
	v5 =	vor.u32 $0x8, v0  }
0x9: {  	s6 =	sadd.s32 $0x800, s0;
	s9 =	sadd.s32 $0x100, s3;
	s10 =	sadd.s32 $0x200, s3;
	v13 =	vperm.xlane v11, v4;
	v6 =	vand.u32 $0x7, v1;
	v8 =	vperm.xlane v2, v5  }
0xa: {  	s11 =	sadd.s32 $0x900, s0;
	s12 =	sadd.s32 $0xA00, s0;
	_ =	strace $0x80000047;
	v11 =	vperm.xlane v11, v5;
	v12 =	vor.u32 v6, v7;
	v7 =	vmul.u32 $0x8, v10  }
0xb: {  	s7 =	sshrl.u32 s5, $0x1;
	s15 =	smul.u32 $0x6000, s2;
	s31 =	sor.u32 $0x11, s13;
	v2 =	vmul.u32 $0x2001, v9;
	v14 =	vperm.xlane v12, v4;
	v15 =	vperm.xlane v12, v5  }
0xc: {  	p0 =	sne.s32 s2, $0x0;
	s5 =	ssub.s32 s5, s7;
	s7 =	sadd.s32 $0x20, s8;
	v17 =	vadd.s32 s31, v0;
	[tilespmem:$0x1FFE0] =	vst v3;
	v8 =	vadd.s32 v10, v8;
	v10 =	vadd.s32 v7, v13  }
0xd: {  	s8 =	sadd.s32 $0x40, s8;
	s15 =	sadd.s32 s1, s15;
	s16 =	smax.u32 s5, $0x1;
	[tilespmem:$0x1FFF0] =	vst v2;
	v11 =	vadd.s32 v7, v11;
	v12 =	vadd.s32 v7, v14;
	v13 =	vadd.s32 v7, v15  }
.LBB2_1:
.Ltmp0:
0xe: {  	(pc) =	sbr.rel @p0 .LBB2_5-.Ltmp0, $1  }
0xf: {  	_ =	sdelay $0x3  }
0x10: {  	v2 =	vimm.s32 $0x0  }
0x11: {  	[tilespmem:$0x1E200] =	vst v2;
	v2 =	vld [tilespmem:$0x1FFE0];
	_ =	sdelay $0x6  }
0x12: {  	s0 =	simm.s32 $0x0;
	s2 =	rddreg [dreg:$0x1];
	s5 =	simm.s32 $0x18200  }
0x13: {  	[tilespmem:s5], [sflag:$0x7] =	stream.indirect_vreg.gather [hbm4b:s2+s0], $0x80, v2, vm0, $0xb8;
	[tilespmem:$0x1E280] =	vst v63  }
0x14: {  	s29 =	simm.s32 $0x18A00  }
0x15: {  	[tilespmem:s29], [sflag:$0x7] =	stream.indirect_vreg.gather [hbm4b:s7+s0], $0x80, v2, vm0, $0xb8;
	[tilespmem:$0x1E280] =	vst v63  }
0x16: {  	s30 =	simm.s32 $0x19200  }
0x17: {  	[tilespmem:s30], [sflag:$0x7] =	stream.indirect_vreg.gather [hbm4b:s8+s0], $0x80, v2, vm0, $0xb8;
	[tilespmem:$0x1E280] =	vst v63  }
0x18: {  	s31 =	simm.s32 $0x19A00  }
0x19: {  	[tilespmem:s31], [sflag:$0x7] =	stream.indirect_vreg.gather [hbm4b:s2+s0], $0x80, v8, vm0, $0xb8;
	[tilespmem:$0x1E280] =	vst v63  }
0x1a: {  	s5 =	simm.s32 $0x1A200  }
0x1b: {  	[tilespmem:s5], [sflag:$0x7] =	stream.indirect_vreg.gather [hbm4b:s7+s0], $0x80, v8, vm0, $0xb8;
	[tilespmem:$0x1E280] =	vst v63  }
0x1c: {  	s17 =	simm.s32 $0x1AA00  }
0x1d: {  	[tilespmem:s17], [sflag:$0x7] =	stream.indirect_vreg.gather [hbm4b:s8+s0], $0x80, v8, vm0, $0xb8;
	[tilespmem:$0x1E280] =	vst v63  }
0x1e: {  	_ =	swait.ge [sflag:s23], $0x3000  }
0x1f: {  	[sflag:s23] =	ssyncset.done $0x0  }
0x20: {  	[sflag:s23] =	ssyncadd.s32 $0xFFFFD000  }
0x21: {  	v14 =	vld [tilespmem:$0x1E200];
	_ =	sdelay $0x4  }
0x22: {  	v15 =	vshrl.u32 v14, $0x3  }
0x23: {  	v15 =	vmul.u32 $0x30, v15  }
0x24: {  	v14 =	vand.u32 $0x7, v14  }
0x25: {  	v14 =	vor.u32 v14, v15  }
0x26: {  	v15 =	vperm.xlane v14, v4;
	_ =	sdelay $0x1  }
0x27: {  	v15 =	vadd.s32 v7, v15;
	_ =	sdelay $0x3  }
0x28: {  	s18 =	simm.s32 $0x1B200;
	v14 =	vperm.xlane v14, v5  }
0x29: {  	[tilespmem:s18], [sflag:$0x7] =	stream.indirect_vreg.gather [hbm4b:s3+s0], $0x80, v15, vm0, $0xb8;
	[tilespmem:$0x1E280] =	vst v63  }
0x2a: {  	s24 =	simm.s32 $0x1BA00;
	v14 =	vadd.s32 v7, v14  }
0x2b: {  	[tilespmem:s24], [sflag:$0x7] =	stream.indirect_vreg.gather [hbm4b:s9+s0], $0x80, v15, vm0, $0xb8;
	[tilespmem:$0x1E280] =	vst v63  }
0x2c: {  	s25 =	simm.s32 $0x1C200  }
0x2d: {  	[tilespmem:s25], [sflag:$0x7] =	stream.indirect_vreg.gather [hbm4b:s10+s0], $0x80, v15, vm0, $0xb8;
	[tilespmem:$0x1E280] =	vst v63  }
0x2e: {  	s26 =	simm.s32 $0x1CA00  }
0x2f: {  	[tilespmem:s26], [sflag:$0x7] =	stream.indirect_vreg.gather [hbm4b:s3+s0], $0x80, v14, vm0, $0xb8;
	[tilespmem:$0x1E280] =	vst v63  }
0x30: {  	s28 =	simm.s32 $0x1D200  }
0x31: {  	[tilespmem:s28], [sflag:$0x7] =	stream.indirect_vreg.gather [hbm4b:s9+s0], $0x80, v14, vm0, $0xb8;
	[tilespmem:$0x1E280] =	vst v63  }
0x32: {  	s29 =	simm.s32 $0x1DA00;
	s30 =	simm.s32 $0x0  }
0x33: {  	[tilespmem:s29], [sflag:$0x7] =	stream.indirect_vreg.gather [hbm4b:s10+s0], $0x80, v14, vm0, $0xb8;
	[tilespmem:$0x1E280] =	vst v63  }
0x34: {  	s2 =	smul.u32 $0x1800, s30;
	_ =	swait.ge [sflag:s23], $0x3000  }
0x35: {  	s31 =	sand.u32 $0x380, s0;
	[sflag:s23] =	ssyncset.done $0x0  }
0x36: {  	s2 =	sor.u32 s31, s2;
	[sflag:s23] =	ssyncadd.s32 $0xFFFFD000  }
0x37: {  	v23 =	vld [tilespmem:s2+$0x1B200]  }
0x38: {  	v24 =	vld [tilespmem:s2+$0x1B210]  }
0x39: {  	v25 =	vld [tilespmem:s2+$0x1B220]  }
0x3a: {  	v26 =	vld [tilespmem:s2+$0x1B230]  }
0x3b: {  	v27 =	vld [tilespmem:s2+$0x1B240]  }
0x3c: {  	v28 =	vld [tilespmem:s2+$0x1B250]  }
0x3d: {  	v29 =	vld [tilespmem:s2+$0x1B260]  }
0x3e: {  	v30 =	vld [tilespmem:s2+$0x1B270]  }
0x3f: {  	v31 =	vld [tilespmem:s2+$0x1B600]  }
0x40: {  	v32 =	vld [tilespmem:s2+$0x1B610]  }
0x41: {  	v33 =	vld [tilespmem:s2+$0x1B620]  }
0x42: {  	v34 =	vld [tilespmem:s2+$0x1B630]  }
0x43: {  	v35 =	vld [tilespmem:s2+$0x1B640]  }
0x44: {  	v36 =	vld [tilespmem:s2+$0x1B650]  }
0x45: {  	v37 =	vld [tilespmem:s2+$0x1B660]  }
0x46: {  	v38 =	vld [tilespmem:s2+$0x1B670]  }
0x47: {  	v39 =	vld [tilespmem:s2+$0x1BA00]  }
0x48: {  	v40 =	vld [tilespmem:s2+$0x1BA10]  }
0x49: {  	v41 =	vld [tilespmem:s2+$0x1BA20]  }
0x4a: {  	v42 =	vld [tilespmem:s2+$0x1BA30]  }
0x4b: {  	v43 =	vld [tilespmem:s2+$0x1BA40]  }
0x4c: {  	v44 =	vld [tilespmem:s2+$0x1BA50]  }
0x4d: {  	v45 =	vld [tilespmem:s2+$0x1BA60]  }
0x4e: {  	v46 =	vld [tilespmem:s2+$0x1BA70]  }
0x4f: {  	v47 =	vld [tilespmem:s2+$0x1BE00]  }
0x50: {  	v48 =	vld [tilespmem:s2+$0x1BE10]  }
0x51: {  	v49 =	vld [tilespmem:s2+$0x1BE20]  }
0x52: {  	v50 =	vld [tilespmem:s2+$0x1BE30]  }
0x53: {  	v51 =	vld [tilespmem:s2+$0x1BE40]  }
0x54: {  	v52 =	vld [tilespmem:s2+$0x1BE50]  }
0x55: {  	v53 =	vld [tilespmem:s2+$0x1BE60]  }
0x56: {  	v54 =	vld [tilespmem:s2+$0x1BE70]  }
0x57: {  	v55 =	vld [tilespmem:s2+$0x1C200]  }
0x58: {  	v56 =	vld [tilespmem:s2+$0x1C210]  }
0x59: {  	v57 =	vld [tilespmem:s2+$0x1C220]  }
0x5a: {  	v58 =	vld [tilespmem:s2+$0x1C230]  }
0x5b: {  	v59 =	vld [tilespmem:s2+$0x1C240]  }
0x5c: {  	v60 =	vld [tilespmem:s2+$0x1C250]  }
0x5d: {  	v61 =	vld [tilespmem:s2+$0x1C260]  }
0x5e: {  	v22 =	vld [tilespmem:s2+$0x1C270]  }
0x5f: {  	v21 =	vld [tilespmem:s2+$0x1C600]  }
0x60: {  	v20 =	vld [tilespmem:s2+$0x1C610]  }
0x61: {  	v19 =	vld [tilespmem:s2+$0x1C620]  }
0x62: {  	v18 =	vld [tilespmem:s2+$0x1C630]  }
0x63: {  	v6 =	vmov v1;
	v1 =	vmov v17;
	v17 =	vld [tilespmem:s2+$0x1C640]  }
0x64: {  	v62 =	vld [tilespmem:s2+$0x18200]  }
0x65: {  	v63 =	vld [tilespmem:s2+$0x18210]  }
0x66: {  	v3 =	vld [tilespmem:s2+$0x18220]  }
0x67: {  	v9 =	vld [tilespmem:s2+$0x18230]  }
0x68: {  	v2 =	vld [tilespmem:s2+$0x18240]  }
0x69: {  	v23 =	vadd.f32 v23, v62;
	v62 =	vld [tilespmem:s2+$0x18250]  }
0x6a: {  	v24 =	vadd.f32 v24, v63;
	v63 =	vld [tilespmem:s2+$0x18260]  }
0x6b: {  	v3 =	vadd.f32 v25, v3;
	v25 =	vld [tilespmem:s2+$0x18620]  }
0x6c: {  	[tilespmem:s2+$0x18200] =	vst v23;
	v23 =	vld [tilespmem:s2+$0x18270]  }
0x6d: {  	v9 =	vadd.f32 v26, v9;
	[tilespmem:s2+$0x18210] =	vst v24;
	v24 =	vld [tilespmem:s2+$0x18600]  }
0x6e: {  	v2 =	vadd.f32 v27, v2;
	[tilespmem:s2+$0x18220] =	vst v3;
	v3 =	vld [tilespmem:s2+$0x18610]  }
0x6f: {  	v16 =	vld [tilespmem:s2+$0x1C650];
	[tilespmem:s2+$0x18230] =	vst v9;
	v9 =	vadd.f32 v28, v62  }
0x70: {  	v15 =	vld [tilespmem:s2+$0x1C660];
	[tilespmem:s2+$0x18240] =	vst v2;
	v2 =	vadd.f32 v29, v63  }
0x71: {  	[tilespmem:s2+$0x18250] =	vst v9;
	v9 =	vadd.f32 v30, v23;
	v23 =	vld [tilespmem:s2+$0x18630]  }
0x72: {  	[tilespmem:s2+$0x18260] =	vst v2;
	v2 =	vadd.f32 v31, v24;
	v24 =	vadd.f32 v33, v25;
	v25 =	vld [tilespmem:s2+$0x18660]  }
0x73: {  	v3 =	vadd.f32 v32, v3;
	[tilespmem:s2+$0x18270] =	vst v9;
	v9 =	vld [tilespmem:s2+$0x18640]  }
0x74: {  	[tilespmem:s2+$0x18600] =	vst v2;
	v2 =	vld [tilespmem:s2+$0x18650]  }
0x75: {  	[tilespmem:s2+$0x18610] =	vst v3;
	v3 =	vld [tilespmem:s2+$0x18A00]  }
0x76: {  	[tilespmem:s2+$0x18620] =	vst v24;
	v24 =	vld [tilespmem:s2+$0x18A10];
	v23 =	vadd.f32 v34, v23  }
0x77: {  	v14 =	vld [tilespmem:s2+$0x1C670];
	v25 =	vadd.f32 v37, v25  }
0x78: {  	v9 =	vadd.f32 v35, v9;
	[tilespmem:s2+$0x18630] =	vst v23;
	v23 =	vld [tilespmem:s2+$0x18A20]  }
0x79: {  	v26 =	vld [tilespmem:s2+$0x18670];
	v2 =	vadd.f32 v36, v2;
	[tilespmem:s2+$0x18660] =	vst v25  }
0x7a: {  	v3 =	vadd.f32 v39, v3;
	[tilespmem:s2+$0x18640] =	vst v9;
	v9 =	vld [tilespmem:s2+$0x18A30]  }
0x7b: {  	v24 =	vadd.f32 v40, v24;
	[tilespmem:s2+$0x18650] =	vst v2;
	v2 =	vld [tilespmem:s2+$0x18A40]  }
0x7c: {  	v25 =	vld [tilespmem:s2+$0x18A50];
	[tilespmem:s2+$0x18A00] =	vst v3  }
0x7d: {  	[tilespmem:s2+$0x18A10] =	vst v24;
	v24 =	vld [tilespmem:s2+$0x18A60];
	v3 =	vadd.f32 v41, v23  }
0x7e: {  	v26 =	vadd.f32 v38, v26;
	v23 =	vld [tilespmem:s2+$0x18E00]  }
0x7f: {  	v9 =	vadd.f32 v42, v9;
	[tilespmem:s2+$0x18A20] =	vst v3;
	v3 =	vld [tilespmem:s2+$0x18E10]  }
0x80: {  	[tilespmem:s2+$0x18670] =	vst v26;
	v26 =	vld [tilespmem:s2+$0x18A70];
	v2 =	vadd.f32 v43, v2  }
0x81: {  	v25 =	vadd.f32 v44, v25;
	[tilespmem:s2+$0x18A30] =	vst v9;
	v9 =	vld [tilespmem:s2+$0x18E20]  }
0x82: {  	v24 =	vadd.f32 v45, v24;
	[tilespmem:s2+$0x18A40] =	vst v2;
	v2 =	vld [tilespmem:s2+$0x18E30]  }
0x83: {  	[tilespmem:s2+$0x18A50] =	vst v25;
	v25 =	vld [tilespmem:s2+$0x18E40];
	v23 =	vadd.f32 v47, v23  }
0x84: {  	[tilespmem:s2+$0x18A60] =	vst v24;
	v24 =	vld [tilespmem:s2+$0x18E50];
	v3 =	vadd.f32 v48, v3  }
0x85: {  	v26 =	vadd.f32 v46, v26;
	[tilespmem:s2+$0x18E00] =	vst v23;
	v23 =	vld [tilespmem:s2+$0x18E60]  }
0x86: {  	v9 =	vadd.f32 v49, v9;
	[tilespmem:s2+$0x18E10] =	vst v3;
	v3 =	vld [tilespmem:s2+$0x19200]  }
0x87: {  	[tilespmem:s2+$0x18A70] =	vst v26;
	v26 =	vld [tilespmem:s2+$0x18E70];
	v2 =	vadd.f32 v50, v2  }
0x88: {  	v25 =	vadd.f32 v51, v25;
	[tilespmem:s2+$0x18E20] =	vst v9;
	v9 =	vld [tilespmem:s2+$0x19210]  }
0x89: {  	v24 =	vadd.f32 v52, v24;
	[tilespmem:s2+$0x18E30] =	vst v2;
	v2 =	vld [tilespmem:s2+$0x19220]  }
0x8a: {  	[tilespmem:s2+$0x18E40] =	vst v25;
	v25 =	vld [tilespmem:s2+$0x19230];
	v23 =	vadd.f32 v53, v23  }
0x8b: {  	[tilespmem:s2+$0x18E50] =	vst v24;
	v24 =	vld [tilespmem:s2+$0x19240];
	v3 =	vadd.f32 v55, v3  }
0x8c: {  	v26 =	vadd.f32 v54, v26;
	[tilespmem:s2+$0x18E60] =	vst v23;
	v23 =	vld [tilespmem:s2+$0x19250]  }
0x8d: {  	v9 =	vadd.f32 v56, v9;
	[tilespmem:s2+$0x19200] =	vst v3;
	v3 =	vld [tilespmem:s2+$0x19260]  }
0x8e: {  	v27 =	vld [tilespmem:s2+$0x19270];
	[tilespmem:s2+$0x18E70] =	vst v26;
	v2 =	vadd.f32 v57, v2  }
0x8f: {  	v26 =	vld [tilespmem:s2+$0x19600];
	[tilespmem:s2+$0x19210] =	vst v9;
	v9 =	vadd.f32 v58, v25  }
0x90: {  	[tilespmem:s2+$0x19220] =	vst v2;
	v25 =	vld [tilespmem:s2+$0x19610];
	v2 =	vadd.f32 v59, v24  }
0x91: {  	v24 =	vld [tilespmem:s2+$0x19620];
	v29 =	vadd.f32 v60, v23;
	[tilespmem:s2+$0x19230] =	vst v9  }
0x92: {  	s5 =	simm.s32 $0x1;
	v23 =	vld [tilespmem:s2+$0x19630];
	[tilespmem:s2+$0x19240] =	vst v2;
	v28 =	vadd.f32 v61, v3  }
.LBB2_3:
0x93: {  	s24 =	sshrl.u32 s5, $0x3;
	p1 =	sne.s32 s5, $0xF;
	[tilespmem:s2+$0x19250] =	vst v29;
	v2 =	vadd.f32 v22, v27;
	v3 =	vld [tilespmem:s2+$0x19640]  }
0x94: {  	s0 =	sadd.s32 $0x80, s0;
	s24 =	smul.u32 $0x1800, s24;
	[tilespmem:s2+$0x19260] =	vst v28;
	v9 =	vadd.f32 v21, v26;
	v21 =	vld [tilespmem:s2+$0x19650]  }
0x95: {  	s25 =	sand.u32 $0x380, s0;
	[tilespmem:s2+$0x19270] =	vst v2;
	v2 =	vadd.f32 v20, v25;
	v20 =	vld [tilespmem:s2+$0x19660]  }
0x96: {  	s24 =	sor.u32 s25, s24;
	[tilespmem:s2+$0x19600] =	vst v9;
	v9 =	vadd.f32 v19, v24;
	v19 =	vld [tilespmem:s2+$0x19670]  }
0x97: {  	v50 =	vld [tilespmem:s24+$0x1B200];
	[tilespmem:s2+$0x19610] =	vst v2;
	v2 =	vadd.f32 v18, v23  }
0x98: {  	v51 =	vld [tilespmem:s24+$0x1B210];
	[tilespmem:s2+$0x19620] =	vst v9;
	v3 =	vadd.f32 v17, v3  }
0x99: {  	v9 =	vld [tilespmem:s24+$0x1B220];
	[tilespmem:s2+$0x19630] =	vst v2;
	v2 =	vadd.f32 v16, v21  }
0x9a: {  	v52 =	vld [tilespmem:s24+$0x1B230];
	[tilespmem:s2+$0x19640] =	vst v3;
	v3 =	vadd.f32 v15, v20  }
0x9b: {  	v53 =	vld [tilespmem:s24+$0x1B240];
	[tilespmem:s2+$0x19650] =	vst v2;
	v2 =	vadd.f32 v14, v19  }
0x9c: {  	v54 =	vld [tilespmem:s24+$0x1B250];
	[tilespmem:s2+$0x19660] =	vst v3  }
0x9d: {  	v3 =	vld [tilespmem:s24+$0x1B260];
	[tilespmem:s2+$0x19670] =	vst v2;
	s2 =	smov.u32 s24  }
0x9e: {  	v2 =	vld [tilespmem:s2+$0x1B270]  }
0x9f: {  	v55 =	vld [tilespmem:s2+$0x1B600]  }
0xa0: {  	v56 =	vld [tilespmem:s2+$0x1B610]  }
0xa1: {  	v57 =	vld [tilespmem:s2+$0x1B620]  }
0xa2: {  	v58 =	vld [tilespmem:s2+$0x1B630]  }
0xa3: {  	v49 =	vld [tilespmem:s2+$0x1B640]  }
0xa4: {  	v48 =	vld [tilespmem:s2+$0x1B650]  }
0xa5: {  	v47 =	vld [tilespmem:s2+$0x1B660]  }
0xa6: {  	v46 =	vld [tilespmem:s2+$0x1B670]  }
0xa7: {  	v45 =	vld [tilespmem:s2+$0x1BA00]  }
0xa8: {  	v44 =	vld [tilespmem:s2+$0x1BA10]  }
0xa9: {  	v43 =	vld [tilespmem:s2+$0x1BA20]  }
0xaa: {  	v42 =	vld [tilespmem:s2+$0x1BA30]  }
0xab: {  	v41 =	vld [tilespmem:s2+$0x1BA40]  }
0xac: {  	v40 =	vld [tilespmem:s2+$0x1BA50]  }
0xad: {  	v39 =	vld [tilespmem:s2+$0x1BA60]  }
0xae: {  	v38 =	vld [tilespmem:s2+$0x1BA70]  }
0xaf: {  	v37 =	vld [tilespmem:s2+$0x1BE00]  }
0xb0: {  	v36 =	vld [tilespmem:s2+$0x1BE10]  }
0xb1: {  	v35 =	vld [tilespmem:s2+$0x1BE20]  }
0xb2: {  	v34 =	vld [tilespmem:s2+$0x1BE30]  }
0xb3: {  	v33 =	vld [tilespmem:s2+$0x1BE40]  }
0xb4: {  	v32 =	vld [tilespmem:s2+$0x1BE50]  }
0xb5: {  	v31 =	vld [tilespmem:s2+$0x1BE60]  }
0xb6: {  	v30 =	vld [tilespmem:s2+$0x1BE70]  }
0xb7: {  	v29 =	vld [tilespmem:s2+$0x1C200]  }
0xb8: {  	v28 =	vld [tilespmem:s2+$0x1C210]  }
0xb9: {  	v27 =	vld [tilespmem:s2+$0x1C220]  }
0xba: {  	v26 =	vld [tilespmem:s2+$0x1C230]  }
0xbb: {  	v25 =	vld [tilespmem:s2+$0x1C240]  }
0xbc: {  	v24 =	vld [tilespmem:s2+$0x1C250]  }
0xbd: {  	v23 =	vld [tilespmem:s2+$0x1C260]  }
0xbe: {  	v22 =	vld [tilespmem:s2+$0x1C270]  }
0xbf: {  	v21 =	vld [tilespmem:s2+$0x1C600]  }
0xc0: {  	v20 =	vld [tilespmem:s2+$0x1C610]  }
0xc1: {  	v19 =	vld [tilespmem:s2+$0x1C620]  }
0xc2: {  	v18 =	vld [tilespmem:s2+$0x1C630]  }
0xc3: {  	v17 =	vld [tilespmem:s2+$0x1C640]  }
0xc4: {  	v16 =	vld [tilespmem:s2+$0x1C650]  }
0xc5: {  	v15 =	vld [tilespmem:s2+$0x1C660]  }
0xc6: {  	v14 =	vld [tilespmem:s2+$0x1C670]  }
0xc7: {  	v59 =	vld [tilespmem:s2+$0x18200]  }
0xc8: {  	v60 =	vld [tilespmem:s2+$0x18210]  }
0xc9: {  	v61 =	vld [tilespmem:s2+$0x18220]  }
0xca: {  	v62 =	vld [tilespmem:s2+$0x18230]  }
0xcb: {  	v63 =	vld [tilespmem:s2+$0x18240]  }
0xcc: {  	v50 =	vadd.f32 v50, v59;
	v59 =	vld [tilespmem:s2+$0x18250]  }
0xcd: {  	v51 =	vadd.f32 v51, v60;
	v60 =	vld [tilespmem:s2+$0x18260]  }
0xce: {  	[tilespmem:s2+$0x18200] =	vst v50;
	v9 =	vadd.f32 v9, v61;
	v50 =	vld [tilespmem:s2+$0x18270]  }
0xcf: {  	[tilespmem:s2+$0x18210] =	vst v51;
	v51 =	vadd.f32 v52, v62;
	v52 =	vld [tilespmem:s2+$0x18600]  }
0xd0: {  	[tilespmem:s2+$0x18220] =	vst v9;
	v9 =	vadd.f32 v53, v63;
	v53 =	vld [tilespmem:s2+$0x18610]  }
0xd1: {  	[tilespmem:s2+$0x18230] =	vst v51;
	v51 =	vadd.f32 v54, v59;
	v54 =	vld [tilespmem:s2+$0x18620]  }
0xd2: {  	[tilespmem:s2+$0x18240] =	vst v9;
	v3 =	vadd.f32 v3, v60;
	v9 =	vld [tilespmem:s2+$0x18630]  }
0xd3: {  	[tilespmem:s2+$0x18250] =	vst v51;
	v2 =	vadd.f32 v2, v50;
	v50 =	vld [tilespmem:s2+$0x18640]  }
0xd4: {  	[tilespmem:s2+$0x18260] =	vst v3;
	v3 =	vadd.f32 v55, v52;
	v51 =	vld [tilespmem:s2+$0x18650]  }
0xd5: {  	[tilespmem:s2+$0x18270] =	vst v2;
	v2 =	vadd.f32 v56, v53;
	v52 =	vld [tilespmem:s2+$0x18660]  }
0xd6: {  	[tilespmem:s2+$0x18600] =	vst v3;
	v3 =	vadd.f32 v57, v54;
	v53 =	vld [tilespmem:s2+$0x18670]  }
0xd7: {  	[tilespmem:s2+$0x18610] =	vst v2;
	v2 =	vadd.f32 v58, v9;
	v9 =	vld [tilespmem:s2+$0x18A00]  }
0xd8: {  	[tilespmem:s2+$0x18620] =	vst v3;
	v3 =	vadd.f32 v49, v50;
	v49 =	vld [tilespmem:s2+$0x18A10]  }
0xd9: {  	[tilespmem:s2+$0x18630] =	vst v2;
	v2 =	vadd.f32 v48, v51;
	v48 =	vld [tilespmem:s2+$0x18A20]  }
0xda: {  	[tilespmem:s2+$0x18640] =	vst v3;
	v3 =	vadd.f32 v47, v52;
	v47 =	vld [tilespmem:s2+$0x18A30]  }
0xdb: {  	[tilespmem:s2+$0x18650] =	vst v2;
	v2 =	vadd.f32 v46, v53;
	v46 =	vld [tilespmem:s2+$0x18A40]  }
0xdc: {  	[tilespmem:s2+$0x18660] =	vst v3;
	v3 =	vadd.f32 v45, v9;
	v9 =	vld [tilespmem:s2+$0x18A50]  }
0xdd: {  	[tilespmem:s2+$0x18670] =	vst v2;
	v2 =	vadd.f32 v44, v49;
	v44 =	vld [tilespmem:s2+$0x18A60]  }
0xde: {  	[tilespmem:s2+$0x18A00] =	vst v3;
	v3 =	vadd.f32 v43, v48;
	v43 =	vld [tilespmem:s2+$0x18A70]  }
0xdf: {  	[tilespmem:s2+$0x18A10] =	vst v2;
	v2 =	vadd.f32 v42, v47;
	v42 =	vld [tilespmem:s2+$0x18E00]  }
0xe0: {  	[tilespmem:s2+$0x18A20] =	vst v3;
	v3 =	vadd.f32 v41, v46;
	v41 =	vld [tilespmem:s2+$0x18E10]  }
0xe1: {  	[tilespmem:s2+$0x18A30] =	vst v2;
	v2 =	vadd.f32 v40, v9;
	v9 =	vld [tilespmem:s2+$0x18E20]  }
0xe2: {  	[tilespmem:s2+$0x18A40] =	vst v3;
	v3 =	vadd.f32 v39, v44;
	v39 =	vld [tilespmem:s2+$0x18E30]  }
0xe3: {  	[tilespmem:s2+$0x18A50] =	vst v2;
	v2 =	vadd.f32 v38, v43;
	v38 =	vld [tilespmem:s2+$0x18E40]  }
0xe4: {  	[tilespmem:s2+$0x18A60] =	vst v3;
	v3 =	vadd.f32 v37, v42;
	v37 =	vld [tilespmem:s2+$0x18E50]  }
0xe5: {  	[tilespmem:s2+$0x18A70] =	vst v2;
	v2 =	vadd.f32 v36, v41;
	v36 =	vld [tilespmem:s2+$0x18E60]  }
0xe6: {  	[tilespmem:s2+$0x18E00] =	vst v3;
	v3 =	vadd.f32 v35, v9;
	v9 =	vld [tilespmem:s2+$0x18E70]  }
0xe7: {  	[tilespmem:s2+$0x18E10] =	vst v2;
	v2 =	vadd.f32 v34, v39;
	v34 =	vld [tilespmem:s2+$0x19200]  }
0xe8: {  	[tilespmem:s2+$0x18E20] =	vst v3;
	v3 =	vadd.f32 v33, v38;
	v33 =	vld [tilespmem:s2+$0x19210]  }
0xe9: {  	[tilespmem:s2+$0x18E30] =	vst v2;
	v2 =	vadd.f32 v32, v37;
	v32 =	vld [tilespmem:s2+$0x19220]  }
0xea: {  	[tilespmem:s2+$0x18E40] =	vst v3;
	v3 =	vadd.f32 v31, v36;
	v31 =	vld [tilespmem:s2+$0x19230]  }
0xeb: {  	[tilespmem:s2+$0x18E50] =	vst v2;
	v2 =	vadd.f32 v30, v9;
	v9 =	vld [tilespmem:s2+$0x19240]  }
0xec: {  	[tilespmem:s2+$0x18E60] =	vst v3;
	v3 =	vadd.f32 v29, v34;
	v29 =	vld [tilespmem:s2+$0x19250]  }
0xed: {  	[tilespmem:s2+$0x18E70] =	vst v2;
	v2 =	vadd.f32 v28, v33;
	v28 =	vld [tilespmem:s2+$0x19260]  }
.Ltmp1:
0xee: {  	[tilespmem:s2+$0x19200] =	vst v3;
	v3 =	vadd.f32 v27, v32;
	v27 =	vld [tilespmem:s2+$0x19270];
	(pc) =	sbr.rel @p1 .LBB2_3-.Ltmp1, $4  }
0xef: {  	[tilespmem:s2+$0x19210] =	vst v2;
	v2 =	vadd.f32 v26, v31;
	v26 =	vld [tilespmem:s2+$0x19600]  }
0xf0: {  	[tilespmem:s2+$0x19220] =	vst v3;
	v3 =	vadd.f32 v25, v9;
	v25 =	vld [tilespmem:s2+$0x19610]  }
0xf1: {  	[tilespmem:s2+$0x19230] =	vst v2;
	v29 =	vadd.f32 v24, v29;
	v24 =	vld [tilespmem:s2+$0x19620]  }
0xf2: {  	s5 =	sadd.s32 $0x1, s5;
	[tilespmem:s2+$0x19240] =	vst v3;
	v28 =	vadd.f32 v23, v28;
	v23 =	vld [tilespmem:s2+$0x19630]  }
0xf3: {  	v2 =	vld [tilespmem:s2+$0x19640];
	_ =	sdelay $0x1  }
0xf4: {  	v3 =	vadd.f32 v22, v27;
	v62 =	vld [tilespmem:s2+$0x19660]  }
0xf5: {  	[tilespmem:s2+$0x19250] =	vst v29  }
0xf6: {  	v9 =	vld [tilespmem:s2+$0x19650];
	[tilespmem:s2+$0x19270] =	vst v3;
	v3 =	vadd.f32 v20, v25  }
0xf7: {  	[tilespmem:s2+$0x19260] =	vst v28;
	v2 =	vadd.f32 v17, v2  }
0xf8: {  	v63 =	vld [tilespmem:s2+$0x19670];
	[tilespmem:s2+$0x19610] =	vst v3;
	v3 =	vadd.f32 v18, v23  }
0xf9: {  	[tilespmem:s2+$0x19640] =	vst v2;
	v2 =	vadd.f32 v15, v62  }
0xfa: {  	v21 =	vadd.f32 v21, v26;
	[tilespmem:s2+$0x19630] =	vst v3  }
0xfb: {  	v3 =	vadd.f32 v16, v9;
	[tilespmem:s2+$0x19660] =	vst v2;
	v2 =	vld [tilespmem:$0x1FFF0]  }
0xfc: {  	[tilespmem:s2+$0x19600] =	vst v21;
	v19 =	vadd.f32 v19, v24  }
0xfd: {  	[tilespmem:s2+$0x19650] =	vst v3;
	v3 =	vadd.f32 v14, v63  }
0xfe: {  	[tilespmem:s2+$0x19620] =	vst v19  }
0xff: {  	[tilespmem:s2+$0x19670] =	vst v3  }
0x100: {  	s0 =	simm.s32 $0x18200;
	[tilespmem:$0x1E200] =	vst v2  }
0x101: {  	[hbm4b:s6+s4] =	stream.indirect_vreg.scatter [tilespmem:s0], [sflag:$0x7], $0x80, v10, vm0, $0xb8;
	[tilespmem:$0x1E280] =	vst v63  }
0x102: {  	s26 =	simm.s32 $0x18A00  }
0x103: {  	[hbm4b:s11+s4] =	stream.indirect_vreg.scatter [tilespmem:s26], [sflag:$0x7], $0x80, v10, vm0, $0xb8;
	[tilespmem:$0x1E280] =	vst v63  }
0x104: {  	s28 =	simm.s32 $0x19200  }
0x105: {  	[hbm4b:s12+s4] =	stream.indirect_vreg.scatter [tilespmem:s28], [sflag:$0x7], $0x80, v10, vm0, $0xb8;
	[tilespmem:$0x1E280] =	vst v63  }
0x106: {  	s29 =	simm.s32 $0x19A00  }
0x107: {  	[hbm4b:s6+s4] =	stream.indirect_vreg.scatter [tilespmem:s29], [sflag:$0x7], $0x80, v11, vm0, $0xb8;
	[tilespmem:$0x1E280] =	vst v63  }
0x108: {  	s30 =	simm.s32 $0x1A200  }
0x109: {  	[hbm4b:s11+s4] =	stream.indirect_vreg.scatter [tilespmem:s30], [sflag:$0x7], $0x80, v11, vm0, $0xb8;
	[tilespmem:$0x1E280] =	vst v63  }
0x10a: {  	s31 =	simm.s32 $0x1AA00  }
0x10b: {  	v17 =	vmov v1;
	v1 =	vmov v6;
	[hbm4b:s12+s4] =	stream.indirect_vreg.scatter [tilespmem:s31], [sflag:$0x7], $0x80, v11, vm0, $0xb8;
	[tilespmem:$0x1E280] =	vst v63  }
.LBB2_5:
0x10c: {  	_ =	sdelay $0x1  }
0x10d: {  	[tilespmem:$0x18000] =	vst v1  }
0x10e: {  	[tilespmem:$0x18010] =	vst v17;
	s5 =	simm.s32 $0x0;
	s0 =	simm.s32 $0xC000  }
0x10f: {  	[tilespmem:s0], [sflag:$0x5] =	stream.indirect_vreg.gather [hbm4b:s3+s5], $0x80, v12, vm0, $0xb8;
	[tilespmem:$0x1E280] =	vst v63  }
0x110: {  	s2 =	simm.s32 $0xC800  }
0x111: {  	[tilespmem:s2], [sflag:$0x5] =	stream.indirect_vreg.gather [hbm4b:s9+s5], $0x80, v12, vm0, $0xb8;
	[tilespmem:$0x1E280] =	vst v63  }
0x112: {  	s17 =	simm.s32 $0xD000  }
0x113: {  	[tilespmem:s17], [sflag:$0x5] =	stream.indirect_vreg.gather [hbm4b:s10+s5], $0x80, v12, vm0, $0xb8;
	[tilespmem:$0x1E280] =	vst v63  }
0x114: {  	s18 =	simm.s32 $0xD800  }
0x115: {  	[tilespmem:s18], [sflag:$0x5] =	stream.indirect_vreg.gather [hbm4b:s3+s5], $0x80, v13, vm0, $0xb8;
	[tilespmem:$0x1E280] =	vst v63  }
0x116: {  	s24 =	simm.s32 $0xE000  }
0x117: {  	[tilespmem:s24], [sflag:$0x5] =	stream.indirect_vreg.gather [hbm4b:s9+s5], $0x80, v13, vm0, $0xb8;
	[tilespmem:$0x1E280] =	vst v63  }
0x118: {  	s25 =	simm.s32 $0xE800  }
0x119: {  	[tilespmem:s25], [sflag:$0x5] =	stream.indirect_vreg.gather [hbm4b:s10+s5], $0x80, v13, vm0, $0xb8;
	[tilespmem:$0x1E280] =	vst v63  }
0x11a: {  	v2 =	vld [tilespmem:$0x18010];
	_ =	sdelay $0x4  }
0x11b: {  	v3 =	vshrl.u32 v2, $0x3  }
0x11c: {  	v3 =	vmul.u32 $0x30, v3  }
0x11d: {  	v2 =	vand.u32 $0x7, v2  }
0x11e: {  	v2 =	vor.u32 v2, v3  }
0x11f: {  	v3 =	vperm.xlane v2, v4;
	_ =	sdelay $0x1  }
0x120: {  	v3 =	vadd.s32 v7, v3;
	_ =	sdelay $0x3  }
0x121: {  	s26 =	simm.s32 $0xF000;
	v2 =	vperm.xlane v2, v5  }
0x122: {  	[tilespmem:s26], [sflag:$0x5] =	stream.indirect_vreg.gather [hbm4b:s3+s5], $0x80, v3, vm0, $0xb8;
	[tilespmem:$0x1E280] =	vst v63  }
0x123: {  	s28 =	simm.s32 $0xF800;
	v2 =	vadd.s32 v7, v2  }
0x124: {  	[tilespmem:s28], [sflag:$0x5] =	stream.indirect_vreg.gather [hbm4b:s9+s5], $0x80, v3, vm0, $0xb8;
	[tilespmem:$0x1E280] =	vst v63  }
0x125: {  	s29 =	simm.s32 $0x10000  }
0x126: {  	[tilespmem:s29], [sflag:$0x5] =	stream.indirect_vreg.gather [hbm4b:s10+s5], $0x80, v3, vm0, $0xb8;
	[tilespmem:$0x1E280] =	vst v63  }
0x127: {  	s30 =	simm.s32 $0x10800  }
0x128: {  	[tilespmem:s30], [sflag:$0x5] =	stream.indirect_vreg.gather [hbm4b:s3+s5], $0x80, v2, vm0, $0xb8;
	[tilespmem:$0x1E280] =	vst v63  }
0x129: {  	s31 =	simm.s32 $0x11000  }
0x12a: {  	[tilespmem:s31], [sflag:$0x5] =	stream.indirect_vreg.gather [hbm4b:s9+s5], $0x80, v2, vm0, $0xb8;
	[tilespmem:$0x1E280] =	vst v63  }
0x12b: {  	_ = 	snop  }
0x12c: {  	[tilespmem:s19], [sflag:$0x5] =	stream.indirect_vreg.gather [hbm4b:s10+s5], $0x80, v2, vm0, $0xb8;
	[tilespmem:$0x1E280] =	vst v63  }
0x12d: {  	_ = 	snop  }
0x12e: {  	[tilespmem:s5], [sflag:$0x1] =	stream.linear.gather [hbm4b:s15+s5], $0x6000, $0x38;
	[tilespmem:$0x1E280] =	vst v63  }
.LBB2_6:
0x12f: {  	s31 =	sand.u32 $0x3, s5  }
0x130: {  	p1 =	sne.s32 s31, $0x0  }
.Ltmp2:
0x131: {  	_ = 	snop;
	(pc) =	sbr.rel @p1 .LBB2_8-.Ltmp2, $3  }
0x132: {  	_ =	sdelay $0x1  }
0x133: {  	s2 =	sshrl.u32 s5, $0x2  }
0x134: {  	s25 =	sand.u32 $0x1, s2  }
0x135: {  	p1 =	sgt.u32 s5, $0x1B  }
0x136: {  	s0 =	sadd.s32 @!p1 $0x1, s2  }
0x137: {  	s24 =	sshll.u32 @!p1 s0, $0x5  }
0x138: {  	v2 =	vlaneseq.u32 @!p1;
	s24 =	sadd.s32 @!p1 s14, s24  }
0x139: {  	v3 =	vadd.s32 @!p1 s24, v2  }
0x13a: {  	v9 =	vshrl.u32 @!p1 v3, $0x3  }
0x13b: {  	v9 =	vmul.u32 @!p1 $0x30, v9  }
0x13c: {  	v14 =	vand.u32 @!p1 $0x7, v3  }
0x13d: {  	v15 =	vshrl.u32 @!p1 v2, $0x3;
	v9 =	vor.u32 @!p1 v14, v9;
	v14 =	vand.u32 @!p1 $0x7, v2  }
0x13e: {  	v15 =	vmul.u32 @!p1 $0x8, v15;
	v16 =	vperm.xlane @!p1 v9, v14  }
0x13f: {  	s26 =	sadd.s32 $0x5, s25  }
0x140: {  	_ =	swait.ge [sflag:s26], $0x6000;
	s0 =	sand.u32 @!p1 $0x1, s0;
	v16 =	vadd.s32 @!p1 v15, v16  }
0x141: {  	[sflag:s26] =	ssyncset.done $0x0;
	s28 =	smul.u32 @!p1 $0x18000, s0  }
0x142: {  	[sflag:s26] =	ssyncadd.s32 $0xFFFFA000;
	s26 =	sshll.u32 @!p1 s0, $0x7;
	s24 =	sor.u32 @!p1 $0x10, s24  }
0x143: {  	[tilespmem:s26+$0x18000] =	vst @!p1 v3;
	v3 =	vadd.s32 @!p1 s24, v2;
	s24 =	sshrl.u32 @!p1 s28, $0x2;
	v2 =	vor.u32 @!p1 $0x8, v2  }
0x144: {  	vm1 =	vmmov @!p1 $0xffff;
	s29 =	simm.s32 @!p1 $0x0;
	s0 =	sadd.s32 @!p1 $0x5, s0;
	[tilespmem:s26+$0x18010] =	vst @!p1 v3;
	s28 =	sadd.s32 @!p1 $0xC000, s24;
	v3 =	vperm.xlane @!p1 v9, v2  }
0x145: {  	[tilespmem:s28], [sflag:s0] =	stream.indirect_vreg.gather @!p1 [hbm4b:s3+s29], $0x80, v16, vm1, $0xb8;
	[tilespmem:$0x1E280] =	vst v63  }
0x146: {  	v3 =	vadd.s32 @!p1 v15, v3;
	s28 =	sadd.s32 @!p1 $0xC800, s24  }
0x147: {  	[tilespmem:s28], [sflag:s0] =	stream.indirect_vreg.gather @!p1 [hbm4b:s9+s29], $0x80, v16, vm1, $0xb8;
	[tilespmem:$0x1E280] =	vst v63  }
0x148: {  	s28 =	sadd.s32 @!p1 $0xD000, s24  }
0x149: {  	[tilespmem:s28], [sflag:s0] =	stream.indirect_vreg.gather @!p1 [hbm4b:s10+s29], $0x80, v16, vm1, $0xb8;
	[tilespmem:$0x1E280] =	vst v63  }
0x14a: {  	s28 =	sadd.s32 @!p1 $0xD800, s24  }
0x14b: {  	[tilespmem:s28], [sflag:s0] =	stream.indirect_vreg.gather @!p1 [hbm4b:s3+s29], $0x80, v3, vm1, $0xb8;
	[tilespmem:$0x1E280] =	vst v63  }
0x14c: {  	s28 =	sadd.s32 @!p1 $0xE000, s24  }
0x14d: {  	[tilespmem:s28], [sflag:s0] =	stream.indirect_vreg.gather @!p1 [hbm4b:s9+s29], $0x80, v3, vm1, $0xb8;
	[tilespmem:$0x1E280] =	vst v63  }
0x14e: {  	s28 =	sadd.s32 @!p1 $0xE800, s24  }
0x14f: {  	[tilespmem:s28], [sflag:s0] =	stream.indirect_vreg.gather @!p1 [hbm4b:s10+s29], $0x80, v3, vm1, $0xb8;
	[tilespmem:$0x1E280] =	vst v63  }
0x150: {  	v3 =	vld @!p1 [tilespmem:s26+$0x18010];
	_ =	sdelay $0x4  }
0x151: {  	v9 =	vshrl.u32 @!p1 v3, $0x3  }
0x152: {  	v9 =	vmul.u32 @!p1 $0x30, v9  }
0x153: {  	v3 =	vand.u32 @!p1 $0x7, v3  }
0x154: {  	v3 =	vor.u32 @!p1 v3, v9  }
0x155: {  	v9 =	vperm.xlane @!p1 v3, v14;
	_ =	sdelay $0x1  }
0x156: {  	v9 =	vadd.s32 @!p1 v15, v9;
	_ =	sdelay $0x3  }
0x157: {  	s26 =	sadd.s32 @!p1 $0xF000, s24;
	v2 =	vperm.xlane @!p1 v3, v2  }
0x158: {  	[tilespmem:s26], [sflag:s0] =	stream.indirect_vreg.gather @!p1 [hbm4b:s3+s29], $0x80, v9, vm1, $0xb8;
	[tilespmem:$0x1E280] =	vst v63  }
0x159: {  	v2 =	vadd.s32 @!p1 v15, v2;
	s26 =	sadd.s32 @!p1 $0xF800, s24  }
0x15a: {  	[tilespmem:s26], [sflag:s0] =	stream.indirect_vreg.gather @!p1 [hbm4b:s9+s29], $0x80, v9, vm1, $0xb8;
	[tilespmem:$0x1E280] =	vst v63  }
0x15b: {  	s26 =	sor.u32 @!p1 $0x10000, s24  }
0x15c: {  	[tilespmem:s26], [sflag:s0] =	stream.indirect_vreg.gather @!p1 [hbm4b:s10+s29], $0x80, v9, vm1, $0xb8;
	[tilespmem:$0x1E280] =	vst v63  }
0x15d: {  	s26 =	sor.u32 @!p1 $0x10800, s24  }
0x15e: {  	[tilespmem:s26], [sflag:s0] =	stream.indirect_vreg.gather @!p1 [hbm4b:s3+s29], $0x80, v2, vm1, $0xb8;
	[tilespmem:$0x1E280] =	vst v63  }
0x15f: {  	s26 =	sor.u32 @!p1 $0x11000, s24  }
0x160: {  	[tilespmem:s26], [sflag:s0] =	stream.indirect_vreg.gather @!p1 [hbm4b:s9+s29], $0x80, v2, vm1, $0xb8;
	[tilespmem:$0x1E280] =	vst v63  }
0x161: {  	s24 =	sor.u32 @!p1 $0x11800, s24  }
0x162: {  	[tilespmem:s24], [sflag:s0] =	stream.indirect_vreg.gather @!p1 [hbm4b:s10+s29], $0x80, v2, vm1, $0xb8;
	[tilespmem:$0x1E280] =	vst v63  }
.LBB2_8:
0x163: {  	p1 =	seq.s32 s5, $0x0  }
.Ltmp3:
0x164: {  	_ = 	snop;
	(pc) =	sbr.rel @p1 .LBB2_11-.Ltmp3, $2  }
0x165: {  	_ =	sdelay $0x2  }
0x166: {  	s0 =	sadd.s32 $0x1, s5  }
0x167: {  	p1 =	seq.s32 s5, $0x1F  }
.Ltmp4:
0x168: {  	_ = 	snop;
	(pc) =	sbr.rel @p1 .LBB2_12-.Ltmp4, $1  }
0x169: {  	_ =	sdelay $0x3  }
0x16a: {  	s24 =	sxor.u32 $0xFFFFFFFF, s5  }
0x16b: {  	s24 =	sand.u32 $0x1, s24  }
0x16c: {  	s24 =	sadd.s32 $0x3, s24  }
0x16d: {  	_ =	swait.ge [sflag:s24], $0x6000  }
0x16e: {  	[sflag:s24] =	ssyncset.done $0x0  }
0x16f: {  	[sflag:s24] =	ssyncadd.s32 $0xFFFFA000  }
.LBB2_11:
0x170: {  	s24 =	sshll.u32 s0, $0xD  }
0x171: {  	s26 =	sshll.u32 s0, $0x3;
	s24 =	sand.u32 $0x6000, s24  }
0x172: {  	s26 =	sand.u32 $0x1E0, s26;
	s24 =	sor.u32 s13, s24  }
0x173: {  	s30 =	sand.u32 $0x1, s0;
	s24 =	sadd.s32 s26, s24  }
0x174: {  	s28 =	smul.u32 $0x18000, s30;
	s24 =	sshrl.u32 s24, $0x3  }
0x175: {  	s24 =	smul.u32 $0x300, s24;
	_ =	sdelay $0x1  }
0x176: {  	s28 =	sshrl.u32 s28, $0x2;
	s26 =	sadd.s32 $0x1, s30;
	s24 =	sadd.s32 s1, s24  }
0x177: {  	[tilespmem:s28], [sflag:s26] =	stream.linear.gather [hbm4b:s24+s4], $0x6000, $0x38;
	[tilespmem:$0x1E280] =	vst v63  }
.LBB2_12:
0x178: {  	s24 =	sand.u32 $0x1, s5;
	s28 =	simm.s32 $0x0  }
0x179: {  	p1 =	seq.s32 s25, $0x1;
	s25 =	simm.s32 $0x12000;
	s5 =	smul.u32 $0x18000, s24  }
0x17a: {  	s26 =	sadd.s32 $0x1, s24;
	s29 =	smul.u32 $0x1800, s28;
	s28 =	simm.s32 $0x0  }
0x17b: {  	s25 =	simm.s32 @!p1 $0xC000;
	_ =	swait.ge [sflag:s26], $0x6000;
	s30 =	sand.u32 $0x380, s28  }
0x17c: {  	[sflag:s26] =	ssyncset.done $0x0;
	s5 =	sshrl.u32 s5, $0x2;
	s18 =	sadd.s32 s29, s25  }
0x17d: {  	s17 =	sadd.s32 s29, s5;
	[sflag:s26] =	ssyncadd.s32 $0xFFFFA000;
	s29 =	sadd.s32 s30, s18  }
0x17e: {  	s26 =	sadd.s32 s30, s17;
	v3 =	vld [tilespmem:s29+$0x0]  }
0x17f: {  	v2 =	vld [tilespmem:s26+$0x0];
	_ =	sdelay $0x4  }
0x180: {  	v2 =	vadd.f32 v3, v2;
	_ =	sdelay $0x1  }
0x181: {  	[tilespmem:s26+$0x0] =	vst v2;
	v2 =	vld [tilespmem:s26+$0x10]  }
0x182: {  	v3 =	vld [tilespmem:s29+$0x10];
	_ =	sdelay $0x4  }
0x183: {  	v2 =	vadd.f32 v3, v2;
	_ =	sdelay $0x1  }
0x184: {  	[tilespmem:s26+$0x10] =	vst v2;
	v2 =	vld [tilespmem:s26+$0x20]  }
0x185: {  	v3 =	vld [tilespmem:s29+$0x20];
	_ =	sdelay $0x4  }
0x186: {  	v2 =	vadd.f32 v3, v2;
	_ =	sdelay $0x1  }
0x187: {  	[tilespmem:s26+$0x20] =	vst v2;
	v2 =	vld [tilespmem:s26+$0x30]  }
0x188: {  	v3 =	vld [tilespmem:s29+$0x30];
	_ =	sdelay $0x4  }
0x189: {  	v2 =	vadd.f32 v3, v2;
	_ =	sdelay $0x1  }
0x18a: {  	[tilespmem:s26+$0x30] =	vst v2;
	v2 =	vld [tilespmem:s26+$0x40]  }
0x18b: {  	v3 =	vld [tilespmem:s29+$0x40];
	_ =	sdelay $0x4  }
0x18c: {  	v2 =	vadd.f32 v3, v2;
	_ =	sdelay $0x1  }
0x18d: {  	[tilespmem:s26+$0x40] =	vst v2;
	v2 =	vld [tilespmem:s26+$0x50]  }
0x18e: {  	v3 =	vld [tilespmem:s29+$0x50];
	_ =	sdelay $0x4  }
0x18f: {  	v2 =	vadd.f32 v3, v2;
	_ =	sdelay $0x1  }
0x190: {  	[tilespmem:s26+$0x50] =	vst v2;
	v2 =	vld [tilespmem:s26+$0x60]  }
0x191: {  	v3 =	vld [tilespmem:s29+$0x60];
	_ =	sdelay $0x4  }
0x192: {  	v2 =	vadd.f32 v3, v2;
	_ =	sdelay $0x1  }
0x193: {  	[tilespmem:s26+$0x60] =	vst v2;
	v2 =	vld [tilespmem:s26+$0x70]  }
0x194: {  	v3 =	vld [tilespmem:s29+$0x70];
	_ =	sdelay $0x4  }
0x195: {  	v2 =	vadd.f32 v3, v2;
	_ =	sdelay $0x1  }
0x196: {  	[tilespmem:s26+$0x70] =	vst v2;
	v2 =	vld [tilespmem:s26+$0x400]  }
0x197: {  	v3 =	vld [tilespmem:s29+$0x400];
	_ =	sdelay $0x4  }
0x198: {  	v2 =	vadd.f32 v3, v2;
	_ =	sdelay $0x1  }
0x199: {  	[tilespmem:s26+$0x400] =	vst v2;
	v2 =	vld [tilespmem:s26+$0x410]  }
0x19a: {  	v3 =	vld [tilespmem:s29+$0x410];
	_ =	sdelay $0x4  }
0x19b: {  	v2 =	vadd.f32 v3, v2;
	_ =	sdelay $0x1  }
0x19c: {  	[tilespmem:s26+$0x410] =	vst v2;
	v2 =	vld [tilespmem:s26+$0x420]  }
0x19d: {  	v3 =	vld [tilespmem:s29+$0x420];
	_ =	sdelay $0x4  }
0x19e: {  	v2 =	vadd.f32 v3, v2;
	_ =	sdelay $0x1  }
0x19f: {  	[tilespmem:s26+$0x420] =	vst v2;
	v2 =	vld [tilespmem:s26+$0x430]  }
0x1a0: {  	v3 =	vld [tilespmem:s29+$0x430];
	_ =	sdelay $0x4  }
0x1a1: {  	v2 =	vadd.f32 v3, v2;
	_ =	sdelay $0x1  }
0x1a2: {  	[tilespmem:s26+$0x430] =	vst v2;
	v2 =	vld [tilespmem:s26+$0x440]  }
0x1a3: {  	v3 =	vld [tilespmem:s29+$0x440];
	_ =	sdelay $0x4  }
0x1a4: {  	v2 =	vadd.f32 v3, v2;
	_ =	sdelay $0x1  }
0x1a5: {  	[tilespmem:s26+$0x440] =	vst v2;
	v2 =	vld [tilespmem:s26+$0x450]  }
0x1a6: {  	v3 =	vld [tilespmem:s29+$0x450];
	_ =	sdelay $0x4  }
0x1a7: {  	v2 =	vadd.f32 v3, v2;
	_ =	sdelay $0x1  }
0x1a8: {  	[tilespmem:s26+$0x450] =	vst v2;
	v2 =	vld [tilespmem:s26+$0x460]  }
0x1a9: {  	v3 =	vld [tilespmem:s29+$0x460];
	_ =	sdelay $0x4  }
0x1aa: {  	v2 =	vadd.f32 v3, v2;
	_ =	sdelay $0x1  }
0x1ab: {  	[tilespmem:s26+$0x460] =	vst v2;
	v2 =	vld [tilespmem:s26+$0x470]  }
0x1ac: {  	v3 =	vld [tilespmem:s29+$0x470];
	_ =	sdelay $0x4  }
0x1ad: {  	v2 =	vadd.f32 v3, v2;
	_ =	sdelay $0x1  }
0x1ae: {  	[tilespmem:s26+$0x470] =	vst v2;
	v2 =	vld [tilespmem:s26+$0x800]  }
0x1af: {  	v3 =	vld [tilespmem:s29+$0x800];
	_ =	sdelay $0x4  }
0x1b0: {  	v2 =	vadd.f32 v3, v2;
	_ =	sdelay $0x1  }
0x1b1: {  	[tilespmem:s26+$0x800] =	vst v2;
	v2 =	vld [tilespmem:s26+$0x810]  }
0x1b2: {  	v3 =	vld [tilespmem:s29+$0x810];
	_ =	sdelay $0x4  }
0x1b3: {  	v2 =	vadd.f32 v3, v2;
	_ =	sdelay $0x1  }
0x1b4: {  	[tilespmem:s26+$0x810] =	vst v2;
	v2 =	vld [tilespmem:s26+$0x820]  }
0x1b5: {  	v3 =	vld [tilespmem:s29+$0x820];
	_ =	sdelay $0x4  }
0x1b6: {  	v2 =	vadd.f32 v3, v2;
	_ =	sdelay $0x1  }
0x1b7: {  	[tilespmem:s26+$0x820] =	vst v2;
	v2 =	vld [tilespmem:s26+$0x830]  }
0x1b8: {  	v3 =	vld [tilespmem:s29+$0x830];
	_ =	sdelay $0x4  }
0x1b9: {  	v2 =	vadd.f32 v3, v2;
	_ =	sdelay $0x1  }
0x1ba: {  	[tilespmem:s26+$0x830] =	vst v2;
	v2 =	vld [tilespmem:s26+$0x840]  }
0x1bb: {  	v3 =	vld [tilespmem:s29+$0x840];
	_ =	sdelay $0x4  }
0x1bc: {  	v2 =	vadd.f32 v3, v2;
	_ =	sdelay $0x1  }
0x1bd: {  	[tilespmem:s26+$0x840] =	vst v2;
	v2 =	vld [tilespmem:s26+$0x850]  }
0x1be: {  	v3 =	vld [tilespmem:s29+$0x850];
	_ =	sdelay $0x4  }
0x1bf: {  	v2 =	vadd.f32 v3, v2;
	_ =	sdelay $0x1  }
0x1c0: {  	[tilespmem:s26+$0x850] =	vst v2;
	v2 =	vld [tilespmem:s26+$0x860]  }
0x1c1: {  	v3 =	vld [tilespmem:s29+$0x860];
	_ =	sdelay $0x4  }
0x1c2: {  	v2 =	vadd.f32 v3, v2;
	_ =	sdelay $0x1  }
0x1c3: {  	[tilespmem:s26+$0x860] =	vst v2;
	v2 =	vld [tilespmem:s26+$0x870]  }
0x1c4: {  	v3 =	vld [tilespmem:s29+$0x870];
	_ =	sdelay $0x4  }
0x1c5: {  	v2 =	vadd.f32 v3, v2;
	_ =	sdelay $0x1  }
0x1c6: {  	[tilespmem:s26+$0x870] =	vst v2;
	v2 =	vld [tilespmem:s26+$0xC00]  }
0x1c7: {  	v3 =	vld [tilespmem:s29+$0xC00];
	_ =	sdelay $0x4  }
0x1c8: {  	v2 =	vadd.f32 v3, v2;
	_ =	sdelay $0x1  }
0x1c9: {  	[tilespmem:s26+$0xC00] =	vst v2;
	v2 =	vld [tilespmem:s26+$0xC10]  }
0x1ca: {  	v3 =	vld [tilespmem:s29+$0xC10];
	_ =	sdelay $0x4  }
0x1cb: {  	v2 =	vadd.f32 v3, v2;
	_ =	sdelay $0x1  }
0x1cc: {  	[tilespmem:s26+$0xC10] =	vst v2;
	v2 =	vld [tilespmem:s26+$0xC20]  }
0x1cd: {  	v3 =	vld [tilespmem:s29+$0xC20];
	_ =	sdelay $0x4  }
0x1ce: {  	v2 =	vadd.f32 v3, v2;
	_ =	sdelay $0x1  }
0x1cf: {  	[tilespmem:s26+$0xC20] =	vst v2;
	v2 =	vld [tilespmem:s26+$0xC30]  }
0x1d0: {  	v3 =	vld [tilespmem:s29+$0xC30];
	_ =	sdelay $0x4  }
0x1d1: {  	v2 =	vadd.f32 v3, v2;
	_ =	sdelay $0x1  }
0x1d2: {  	[tilespmem:s26+$0xC30] =	vst v2;
	v2 =	vld [tilespmem:s26+$0xC40]  }
0x1d3: {  	v3 =	vld [tilespmem:s29+$0xC40];
	_ =	sdelay $0x4  }
0x1d4: {  	v2 =	vadd.f32 v3, v2;
	_ =	sdelay $0x1  }
0x1d5: {  	[tilespmem:s26+$0xC40] =	vst v2;
	v2 =	vld [tilespmem:s26+$0xC50]  }
0x1d6: {  	v3 =	vld [tilespmem:s29+$0xC50];
	_ =	sdelay $0x4  }
0x1d7: {  	v2 =	vadd.f32 v3, v2;
	_ =	sdelay $0x1  }
0x1d8: {  	[tilespmem:s26+$0xC50] =	vst v2;
	v2 =	vld [tilespmem:s26+$0xC60]  }
0x1d9: {  	v3 =	vld [tilespmem:s29+$0xC60];
	_ =	sdelay $0x4  }
0x1da: {  	v2 =	vadd.f32 v3, v2;
	_ =	sdelay $0x1  }
0x1db: {  	[tilespmem:s26+$0xC60] =	vst v2;
	v2 =	vld [tilespmem:s26+$0xC70]  }
0x1dc: {  	v3 =	vld [tilespmem:s29+$0xC70];
	_ =	sdelay $0x4  }
0x1dd: {  	v2 =	vadd.f32 v3, v2;
	_ =	sdelay $0x1  }
0x1de: {  	[tilespmem:s26+$0xC70] =	vst v2;
	v2 =	vld [tilespmem:s26+$0x1000]  }
0x1df: {  	v3 =	vld [tilespmem:s29+$0x1000];
	_ =	sdelay $0x4  }
0x1e0: {  	v2 =	vadd.f32 v3, v2;
	_ =	sdelay $0x1  }
0x1e1: {  	[tilespmem:s26+$0x1000] =	vst v2;
	v2 =	vld [tilespmem:s26+$0x1010]  }
0x1e2: {  	v3 =	vld [tilespmem:s29+$0x1010];
	_ =	sdelay $0x4  }
0x1e3: {  	v2 =	vadd.f32 v3, v2;
	_ =	sdelay $0x1  }
0x1e4: {  	[tilespmem:s26+$0x1010] =	vst v2;
	v2 =	vld [tilespmem:s26+$0x1020]  }
0x1e5: {  	v3 =	vld [tilespmem:s29+$0x1020];
	_ =	sdelay $0x4  }
0x1e6: {  	v2 =	vadd.f32 v3, v2;
	_ =	sdelay $0x1  }
0x1e7: {  	[tilespmem:s26+$0x1020] =	vst v2;
	v2 =	vld [tilespmem:s26+$0x1030]  }
0x1e8: {  	v3 =	vld [tilespmem:s29+$0x1030];
	_ =	sdelay $0x4  }
0x1e9: {  	v2 =	vadd.f32 v3, v2;
	_ =	sdelay $0x1  }
0x1ea: {  	[tilespmem:s26+$0x1030] =	vst v2;
	v2 =	vld [tilespmem:s26+$0x1040]  }
0x1eb: {  	v3 =	vld [tilespmem:s29+$0x1040];
	_ =	sdelay $0x4  }
0x1ec: {  	v2 =	vadd.f32 v3, v2;
	_ =	sdelay $0x1  }
0x1ed: {  	[tilespmem:s26+$0x1040] =	vst v2;
	v2 =	vld [tilespmem:s26+$0x1050]  }
0x1ee: {  	v3 =	vld [tilespmem:s29+$0x1050];
	_ =	sdelay $0x4  }
0x1ef: {  	v2 =	vadd.f32 v3, v2;
	_ =	sdelay $0x1  }
0x1f0: {  	[tilespmem:s26+$0x1050] =	vst v2;
	v2 =	vld [tilespmem:s26+$0x1060]  }
0x1f1: {  	v3 =	vld [tilespmem:s29+$0x1060];
	_ =	sdelay $0x4  }
0x1f2: {  	v2 =	vadd.f32 v3, v2;
	_ =	sdelay $0x1  }
0x1f3: {  	[tilespmem:s26+$0x1060] =	vst v2;
	v2 =	vld [tilespmem:s26+$0x1070]  }
0x1f4: {  	v3 =	vld [tilespmem:s29+$0x1070];
	_ =	sdelay $0x4  }
0x1f5: {  	v2 =	vadd.f32 v3, v2;
	_ =	sdelay $0x1  }
0x1f6: {  	[tilespmem:s26+$0x1070] =	vst v2;
	v2 =	vld [tilespmem:s26+$0x1400]  }
0x1f7: {  	v3 =	vld [tilespmem:s29+$0x1400];
	_ =	sdelay $0x4  }
0x1f8: {  	v2 =	vadd.f32 v3, v2;
	_ =	sdelay $0x1  }
0x1f9: {  	[tilespmem:s26+$0x1400] =	vst v2;
	v2 =	vld [tilespmem:s26+$0x1410]  }
0x1fa: {  	v3 =	vld [tilespmem:s29+$0x1410];
	_ =	sdelay $0x4  }
0x1fb: {  	v2 =	vadd.f32 v3, v2;
	_ =	sdelay $0x1  }
0x1fc: {  	[tilespmem:s26+$0x1410] =	vst v2;
	v2 =	vld [tilespmem:s26+$0x1420]  }
0x1fd: {  	v3 =	vld [tilespmem:s29+$0x1420];
	_ =	sdelay $0x4  }
0x1fe: {  	v2 =	vadd.f32 v3, v2;
	_ =	sdelay $0x1  }
0x1ff: {  	[tilespmem:s26+$0x1420] =	vst v2;
	v2 =	vld [tilespmem:s26+$0x1430]  }
0x200: {  	v3 =	vld [tilespmem:s29+$0x1430];
	_ =	sdelay $0x4  }
0x201: {  	v2 =	vadd.f32 v3, v2;
	_ =	sdelay $0x1  }
0x202: {  	[tilespmem:s26+$0x1430] =	vst v2;
	v2 =	vld [tilespmem:s26+$0x1440]  }
0x203: {  	v3 =	vld [tilespmem:s29+$0x1440];
	_ =	sdelay $0x4  }
0x204: {  	v2 =	vadd.f32 v3, v2;
	_ =	sdelay $0x1  }
0x205: {  	[tilespmem:s26+$0x1440] =	vst v2;
	v2 =	vld [tilespmem:s26+$0x1450]  }
0x206: {  	v3 =	vld [tilespmem:s29+$0x1450];
	_ =	sdelay $0x4  }
0x207: {  	v2 =	vadd.f32 v3, v2;
	_ =	sdelay $0x1  }
0x208: {  	[tilespmem:s26+$0x1450] =	vst v2;
	v2 =	vld [tilespmem:s26+$0x1460]  }
0x209: {  	v3 =	vld [tilespmem:s29+$0x1460];
	_ =	sdelay $0x4  }
0x20a: {  	v2 =	vadd.f32 v3, v2;
	_ =	sdelay $0x1  }
0x20b: {  	v14 =	vld [tilespmem:s26+$0x1470];
	[tilespmem:s26+$0x1460] =	vst v2  }
0x20c: {  	v15 =	vld [tilespmem:s29+$0x1470];
	_ =	sdelay $0x1  }
0x20d: {  	s18 =	simm.s32 $0x0  }
0x20e: {  	s30 =	smul.u32 $0x1800, s18;
	s29 =	simm.s32 $0x2  }
.LBB2_13:
0x20f: {  	p1 =	sne.s32 s29, $0x1F;
	s28 =	sadd.s32 $0x80, s28  }
0x210: {  	s17 =	sand.u32 $0x380, s28;
	s18 =	sadd.s32 s30, s5;
	v2 =	vadd.f32 v15, v14  }
0x211: {  	s30 =	sadd.s32 s30, s25;
	s18 =	sadd.s32 s17, s18  }
0x212: {  	s30 =	sadd.s32 s17, s30;
	v3 =	vld [tilespmem:s18+$0x0];
	[tilespmem:s26+$0x1470] =	vst v2;
	s26 =	smov.u32 s18  }
0x213: {  	v2 =	vld [tilespmem:s30+$0x0];
	_ =	sdelay $0x4  }
0x214: {  	v2 =	vadd.f32 v2, v3;
	_ =	sdelay $0x1  }
0x215: {  	[tilespmem:s26+$0x0] =	vst v2;
	v2 =	vld [tilespmem:s26+$0x10]  }
0x216: {  	v3 =	vld [tilespmem:s30+$0x10];
	_ =	sdelay $0x4  }
0x217: {  	v2 =	vadd.f32 v3, v2;
	_ =	sdelay $0x1  }
0x218: {  	[tilespmem:s26+$0x10] =	vst v2;
	v2 =	vld [tilespmem:s26+$0x20]  }
0x219: {  	v3 =	vld [tilespmem:s30+$0x20];
	_ =	sdelay $0x4  }
0x21a: {  	v2 =	vadd.f32 v3, v2;
	_ =	sdelay $0x1  }
0x21b: {  	[tilespmem:s26+$0x20] =	vst v2;
	v2 =	vld [tilespmem:s26+$0x30]  }
0x21c: {  	v3 =	vld [tilespmem:s30+$0x30];
	_ =	sdelay $0x4  }
0x21d: {  	v2 =	vadd.f32 v3, v2;
	_ =	sdelay $0x1  }
0x21e: {  	[tilespmem:s26+$0x30] =	vst v2;
	v2 =	vld [tilespmem:s26+$0x40]  }
0x21f: {  	v3 =	vld [tilespmem:s30+$0x40];
	_ =	sdelay $0x4  }
0x220: {  	v2 =	vadd.f32 v3, v2;
	_ =	sdelay $0x1  }
0x221: {  	[tilespmem:s26+$0x40] =	vst v2;
	v2 =	vld [tilespmem:s26+$0x50]  }
0x222: {  	v3 =	vld [tilespmem:s30+$0x50];
	_ =	sdelay $0x4  }
0x223: {  	v2 =	vadd.f32 v3, v2;
	_ =	sdelay $0x1  }
0x224: {  	[tilespmem:s26+$0x50] =	vst v2;
	v2 =	vld [tilespmem:s26+$0x60]  }
0x225: {  	v3 =	vld [tilespmem:s30+$0x60];
	_ =	sdelay $0x4  }
0x226: {  	v2 =	vadd.f32 v3, v2;
	_ =	sdelay $0x1  }
0x227: {  	[tilespmem:s26+$0x60] =	vst v2;
	v2 =	vld [tilespmem:s26+$0x70]  }
0x228: {  	v3 =	vld [tilespmem:s30+$0x70];
	_ =	sdelay $0x4  }
0x229: {  	v2 =	vadd.f32 v3, v2;
	_ =	sdelay $0x1  }
0x22a: {  	[tilespmem:s26+$0x70] =	vst v2;
	v2 =	vld [tilespmem:s26+$0x400]  }
0x22b: {  	v3 =	vld [tilespmem:s30+$0x400];
	_ =	sdelay $0x4  }
0x22c: {  	v2 =	vadd.f32 v3, v2;
	_ =	sdelay $0x1  }
0x22d: {  	[tilespmem:s26+$0x400] =	vst v2;
	v2 =	vld [tilespmem:s26+$0x410]  }
0x22e: {  	v3 =	vld [tilespmem:s30+$0x410];
	_ =	sdelay $0x4  }
0x22f: {  	v2 =	vadd.f32 v3, v2;
	_ =	sdelay $0x1  }
0x230: {  	[tilespmem:s26+$0x410] =	vst v2;
	v2 =	vld [tilespmem:s26+$0x420]  }
0x231: {  	v3 =	vld [tilespmem:s30+$0x420];
	_ =	sdelay $0x4  }
0x232: {  	v2 =	vadd.f32 v3, v2;
	_ =	sdelay $0x1  }
0x233: {  	[tilespmem:s26+$0x420] =	vst v2;
	v2 =	vld [tilespmem:s26+$0x430]  }
0x234: {  	v3 =	vld [tilespmem:s30+$0x430];
	_ =	sdelay $0x4  }
0x235: {  	v2 =	vadd.f32 v3, v2;
	_ =	sdelay $0x1  }
0x236: {  	[tilespmem:s26+$0x430] =	vst v2;
	v2 =	vld [tilespmem:s26+$0x440]  }
0x237: {  	v3 =	vld [tilespmem:s30+$0x440];
	_ =	sdelay $0x4  }
0x238: {  	v2 =	vadd.f32 v3, v2;
	_ =	sdelay $0x1  }
0x239: {  	[tilespmem:s26+$0x440] =	vst v2;
	v2 =	vld [tilespmem:s26+$0x450]  }
0x23a: {  	v3 =	vld [tilespmem:s30+$0x450];
	_ =	sdelay $0x4  }
0x23b: {  	v2 =	vadd.f32 v3, v2;
	_ =	sdelay $0x1  }
0x23c: {  	[tilespmem:s26+$0x450] =	vst v2;
	v2 =	vld [tilespmem:s26+$0x460]  }
0x23d: {  	v3 =	vld [tilespmem:s30+$0x460];
	_ =	sdelay $0x4  }
0x23e: {  	v2 =	vadd.f32 v3, v2;
	_ =	sdelay $0x1  }
0x23f: {  	[tilespmem:s26+$0x460] =	vst v2;
	v2 =	vld [tilespmem:s26+$0x470]  }
0x240: {  	v3 =	vld [tilespmem:s30+$0x470];
	_ =	sdelay $0x4  }
0x241: {  	v2 =	vadd.f32 v3, v2;
	_ =	sdelay $0x1  }
0x242: {  	[tilespmem:s26+$0x470] =	vst v2;
	v2 =	vld [tilespmem:s26+$0x800]  }
0x243: {  	v3 =	vld [tilespmem:s30+$0x800];
	_ =	sdelay $0x4  }
0x244: {  	v2 =	vadd.f32 v3, v2;
	_ =	sdelay $0x1  }
0x245: {  	[tilespmem:s26+$0x800] =	vst v2;
	v2 =	vld [tilespmem:s26+$0x810]  }
0x246: {  	v3 =	vld [tilespmem:s30+$0x810];
	_ =	sdelay $0x4  }
0x247: {  	v2 =	vadd.f32 v3, v2;
	_ =	sdelay $0x1  }
0x248: {  	[tilespmem:s26+$0x810] =	vst v2;
	v2 =	vld [tilespmem:s26+$0x820]  }
0x249: {  	v3 =	vld [tilespmem:s30+$0x820];
	_ =	sdelay $0x4  }
0x24a: {  	v2 =	vadd.f32 v3, v2;
	_ =	sdelay $0x1  }
0x24b: {  	[tilespmem:s26+$0x820] =	vst v2;
	v2 =	vld [tilespmem:s26+$0x830]  }
0x24c: {  	v3 =	vld [tilespmem:s30+$0x830];
	_ =	sdelay $0x4  }
0x24d: {  	v2 =	vadd.f32 v3, v2;
	_ =	sdelay $0x1  }
0x24e: {  	[tilespmem:s26+$0x830] =	vst v2;
	v2 =	vld [tilespmem:s26+$0x840]  }
0x24f: {  	v3 =	vld [tilespmem:s30+$0x840];
	_ =	sdelay $0x4  }
0x250: {  	v2 =	vadd.f32 v3, v2;
	_ =	sdelay $0x1  }
0x251: {  	[tilespmem:s26+$0x840] =	vst v2;
	v2 =	vld [tilespmem:s26+$0x850]  }
0x252: {  	v3 =	vld [tilespmem:s30+$0x850];
	_ =	sdelay $0x4  }
0x253: {  	v2 =	vadd.f32 v3, v2;
	_ =	sdelay $0x1  }
0x254: {  	[tilespmem:s26+$0x850] =	vst v2;
	v2 =	vld [tilespmem:s26+$0x860]  }
0x255: {  	v3 =	vld [tilespmem:s30+$0x860];
	_ =	sdelay $0x4  }
0x256: {  	v2 =	vadd.f32 v3, v2;
	_ =	sdelay $0x1  }
0x257: {  	[tilespmem:s26+$0x860] =	vst v2;
	v2 =	vld [tilespmem:s26+$0x870]  }
0x258: {  	v3 =	vld [tilespmem:s30+$0x870];
	_ =	sdelay $0x4  }
0x259: {  	v2 =	vadd.f32 v3, v2;
	_ =	sdelay $0x1  }
0x25a: {  	[tilespmem:s26+$0x870] =	vst v2;
	v2 =	vld [tilespmem:s26+$0xC00]  }
0x25b: {  	v3 =	vld [tilespmem:s30+$0xC00];
	_ =	sdelay $0x4  }
0x25c: {  	v2 =	vadd.f32 v3, v2;
	_ =	sdelay $0x1  }
0x25d: {  	[tilespmem:s26+$0xC00] =	vst v2;
	v2 =	vld [tilespmem:s26+$0xC10]  }
0x25e: {  	v3 =	vld [tilespmem:s30+$0xC10];
	_ =	sdelay $0x4  }
0x25f: {  	v2 =	vadd.f32 v3, v2;
	_ =	sdelay $0x1  }
0x260: {  	[tilespmem:s26+$0xC10] =	vst v2;
	v2 =	vld [tilespmem:s26+$0xC20]  }
0x261: {  	v3 =	vld [tilespmem:s30+$0xC20];
	_ =	sdelay $0x4  }
0x262: {  	v2 =	vadd.f32 v3, v2;
	_ =	sdelay $0x1  }
0x263: {  	[tilespmem:s26+$0xC20] =	vst v2;
	v2 =	vld [tilespmem:s26+$0xC30]  }
0x264: {  	v3 =	vld [tilespmem:s30+$0xC30];
	_ =	sdelay $0x4  }
0x265: {  	v2 =	vadd.f32 v3, v2;
	_ =	sdelay $0x1  }
0x266: {  	[tilespmem:s26+$0xC30] =	vst v2;
	v2 =	vld [tilespmem:s26+$0xC40]  }
0x267: {  	v3 =	vld [tilespmem:s30+$0xC40];
	_ =	sdelay $0x4  }
0x268: {  	v2 =	vadd.f32 v3, v2;
	_ =	sdelay $0x1  }
0x269: {  	[tilespmem:s26+$0xC40] =	vst v2;
	v2 =	vld [tilespmem:s26+$0xC50]  }
0x26a: {  	v3 =	vld [tilespmem:s30+$0xC50];
	_ =	sdelay $0x4  }
0x26b: {  	v2 =	vadd.f32 v3, v2;
	_ =	sdelay $0x1  }
0x26c: {  	[tilespmem:s26+$0xC50] =	vst v2;
	v2 =	vld [tilespmem:s26+$0xC60]  }
0x26d: {  	v3 =	vld [tilespmem:s30+$0xC60];
	_ =	sdelay $0x4  }
0x26e: {  	v2 =	vadd.f32 v3, v2;
	_ =	sdelay $0x1  }
0x26f: {  	[tilespmem:s26+$0xC60] =	vst v2;
	v2 =	vld [tilespmem:s26+$0xC70]  }
0x270: {  	v3 =	vld [tilespmem:s30+$0xC70];
	_ =	sdelay $0x4  }
0x271: {  	v2 =	vadd.f32 v3, v2;
	_ =	sdelay $0x1  }
0x272: {  	[tilespmem:s26+$0xC70] =	vst v2;
	v2 =	vld [tilespmem:s26+$0x1000]  }
0x273: {  	v3 =	vld [tilespmem:s30+$0x1000];
	_ =	sdelay $0x4  }
0x274: {  	v2 =	vadd.f32 v3, v2;
	_ =	sdelay $0x1  }
0x275: {  	[tilespmem:s26+$0x1000] =	vst v2;
	v2 =	vld [tilespmem:s26+$0x1010]  }
0x276: {  	v3 =	vld [tilespmem:s30+$0x1010];
	_ =	sdelay $0x4  }
0x277: {  	v2 =	vadd.f32 v3, v2;
	_ =	sdelay $0x1  }
0x278: {  	[tilespmem:s26+$0x1010] =	vst v2;
	v2 =	vld [tilespmem:s26+$0x1020]  }
0x279: {  	v3 =	vld [tilespmem:s30+$0x1020];
	_ =	sdelay $0x4  }
0x27a: {  	v2 =	vadd.f32 v3, v2;
	_ =	sdelay $0x1  }
0x27b: {  	[tilespmem:s26+$0x1020] =	vst v2;
	v2 =	vld [tilespmem:s26+$0x1030]  }
0x27c: {  	v3 =	vld [tilespmem:s30+$0x1030];
	_ =	sdelay $0x4  }
0x27d: {  	v2 =	vadd.f32 v3, v2;
	_ =	sdelay $0x1  }
0x27e: {  	[tilespmem:s26+$0x1030] =	vst v2;
	v2 =	vld [tilespmem:s26+$0x1040]  }
0x27f: {  	v3 =	vld [tilespmem:s30+$0x1040];
	_ =	sdelay $0x4  }
0x280: {  	v2 =	vadd.f32 v3, v2;
	_ =	sdelay $0x1  }
0x281: {  	[tilespmem:s26+$0x1040] =	vst v2;
	v2 =	vld [tilespmem:s26+$0x1050]  }
0x282: {  	v3 =	vld [tilespmem:s30+$0x1050];
	_ =	sdelay $0x4  }
0x283: {  	v2 =	vadd.f32 v3, v2;
	_ =	sdelay $0x1  }
0x284: {  	[tilespmem:s26+$0x1050] =	vst v2;
	v2 =	vld [tilespmem:s26+$0x1060]  }
0x285: {  	v3 =	vld [tilespmem:s30+$0x1060];
	_ =	sdelay $0x4  }
0x286: {  	v2 =	vadd.f32 v3, v2;
	_ =	sdelay $0x1  }
0x287: {  	[tilespmem:s26+$0x1060] =	vst v2;
	v2 =	vld [tilespmem:s26+$0x1070]  }
0x288: {  	v3 =	vld [tilespmem:s30+$0x1070];
	_ =	sdelay $0x4  }
0x289: {  	v2 =	vadd.f32 v3, v2;
	_ =	sdelay $0x1  }
0x28a: {  	[tilespmem:s26+$0x1070] =	vst v2;
	v2 =	vld [tilespmem:s26+$0x1400]  }
0x28b: {  	v3 =	vld [tilespmem:s30+$0x1400];
	_ =	sdelay $0x4  }
0x28c: {  	v2 =	vadd.f32 v3, v2;
	_ =	sdelay $0x1  }
0x28d: {  	[tilespmem:s26+$0x1400] =	vst v2;
	v2 =	vld [tilespmem:s26+$0x1410]  }
0x28e: {  	v3 =	vld [tilespmem:s30+$0x1410];
	_ =	sdelay $0x4  }
0x28f: {  	v2 =	vadd.f32 v3, v2;
	_ =	sdelay $0x1  }
0x290: {  	[tilespmem:s26+$0x1410] =	vst v2;
	v2 =	vld [tilespmem:s26+$0x1420]  }
0x291: {  	v3 =	vld [tilespmem:s30+$0x1420];
	_ =	sdelay $0x4  }
0x292: {  	v2 =	vadd.f32 v3, v2;
	_ =	sdelay $0x1  }
0x293: {  	[tilespmem:s26+$0x1420] =	vst v2;
	v2 =	vld [tilespmem:s26+$0x1430]  }
0x294: {  	v3 =	vld [tilespmem:s30+$0x1430];
	_ =	sdelay $0x4  }
0x295: {  	v2 =	vadd.f32 v3, v2;
	_ =	sdelay $0x1  }
0x296: {  	[tilespmem:s26+$0x1430] =	vst v2;
	v2 =	vld [tilespmem:s26+$0x1440]  }
0x297: {  	v3 =	vld [tilespmem:s30+$0x1440];
	_ =	sdelay $0x4  }
0x298: {  	v2 =	vadd.f32 v3, v2;
	_ =	sdelay $0x1  }
0x299: {  	[tilespmem:s26+$0x1440] =	vst v2;
	v2 =	vld [tilespmem:s26+$0x1450]  }
0x29a: {  	v3 =	vld [tilespmem:s30+$0x1450];
	_ =	sdelay $0x4  }
0x29b: {  	v2 =	vadd.f32 v3, v2;
	_ =	sdelay $0x1  }
0x29c: {  	[tilespmem:s26+$0x1450] =	vst v2;
	v2 =	vld [tilespmem:s26+$0x1460]  }
0x29d: {  	v3 =	vld [tilespmem:s30+$0x1460];
	_ =	sdelay $0x4  }
0x29e: {  	v2 =	vadd.f32 v3, v2;
	_ =	sdelay $0x1  }
.Ltmp5:
0x29f: {  	[tilespmem:s26+$0x1460] =	vst v2;
	v14 =	vld [tilespmem:s26+$0x1470];
	(pc) =	sbr.rel @p1 .LBB2_13-.Ltmp5, $3  }
0x2a0: {  	v15 =	vld [tilespmem:s30+$0x1470];
	_ =	sdelay $0x1  }
0x2a1: {  	s17 =	sshrl.u32 s29, $0x3  }
0x2a2: {  	s29 =	sadd.s32 $0x1, s29;
	s30 =	smul.u32 $0x1800, s17  }
0x2a3: {  	s17 =	sadd.s32 $0x80, s28  }
0x2a4: {  	s17 =	sand.u32 $0x380, s17;
	s18 =	sadd.s32 s30, s5;
	v2 =	vadd.f32 v15, v14  }
0x2a5: {  	s30 =	sadd.s32 s30, s25;
	s29 =	sadd.s32 s17, s18  }
0x2a6: {  	s25 =	sadd.s32 s17, s30;
	v3 =	vld [tilespmem:s29+$0x0];
	[tilespmem:s26+$0x1470] =	vst v2  }
0x2a7: {  	v2 =	vld [tilespmem:s25+$0x0];
	_ =	sdelay $0x4  }
0x2a8: {  	v2 =	vadd.f32 v2, v3;
	_ =	sdelay $0x1  }
0x2a9: {  	[tilespmem:s29+$0x0] =	vst v2;
	v2 =	vld [tilespmem:s29+$0x10]  }
0x2aa: {  	v3 =	vld [tilespmem:s25+$0x10];
	_ =	sdelay $0x4  }
0x2ab: {  	v2 =	vadd.f32 v3, v2;
	_ =	sdelay $0x1  }
0x2ac: {  	[tilespmem:s29+$0x10] =	vst v2;
	v2 =	vld [tilespmem:s29+$0x20]  }
0x2ad: {  	v3 =	vld [tilespmem:s25+$0x20];
	_ =	sdelay $0x4  }
0x2ae: {  	v2 =	vadd.f32 v3, v2;
	_ =	sdelay $0x1  }
0x2af: {  	[tilespmem:s29+$0x20] =	vst v2;
	v2 =	vld [tilespmem:s29+$0x30]  }
0x2b0: {  	v3 =	vld [tilespmem:s25+$0x30];
	_ =	sdelay $0x4  }
0x2b1: {  	v2 =	vadd.f32 v3, v2;
	_ =	sdelay $0x1  }
0x2b2: {  	[tilespmem:s29+$0x30] =	vst v2;
	v2 =	vld [tilespmem:s29+$0x40]  }
0x2b3: {  	v3 =	vld [tilespmem:s25+$0x40];
	_ =	sdelay $0x4  }
0x2b4: {  	v2 =	vadd.f32 v3, v2;
	_ =	sdelay $0x1  }
0x2b5: {  	[tilespmem:s29+$0x40] =	vst v2;
	v2 =	vld [tilespmem:s29+$0x50]  }
0x2b6: {  	v3 =	vld [tilespmem:s25+$0x50];
	_ =	sdelay $0x4  }
0x2b7: {  	v2 =	vadd.f32 v3, v2;
	_ =	sdelay $0x1  }
0x2b8: {  	[tilespmem:s29+$0x50] =	vst v2;
	v2 =	vld [tilespmem:s29+$0x60]  }
0x2b9: {  	v3 =	vld [tilespmem:s25+$0x60];
	_ =	sdelay $0x4  }
0x2ba: {  	v2 =	vadd.f32 v3, v2;
	_ =	sdelay $0x1  }
0x2bb: {  	[tilespmem:s29+$0x60] =	vst v2;
	v2 =	vld [tilespmem:s29+$0x70]  }
0x2bc: {  	v3 =	vld [tilespmem:s25+$0x70];
	_ =	sdelay $0x4  }
0x2bd: {  	v2 =	vadd.f32 v3, v2;
	_ =	sdelay $0x1  }
0x2be: {  	[tilespmem:s29+$0x70] =	vst v2;
	v2 =	vld [tilespmem:s29+$0x400]  }
0x2bf: {  	v3 =	vld [tilespmem:s25+$0x400];
	_ =	sdelay $0x4  }
0x2c0: {  	v2 =	vadd.f32 v3, v2;
	_ =	sdelay $0x1  }
0x2c1: {  	[tilespmem:s29+$0x400] =	vst v2;
	v2 =	vld [tilespmem:s29+$0x410]  }
0x2c2: {  	v3 =	vld [tilespmem:s25+$0x410];
	_ =	sdelay $0x4  }
0x2c3: {  	v2 =	vadd.f32 v3, v2;
	_ =	sdelay $0x1  }
0x2c4: {  	[tilespmem:s29+$0x410] =	vst v2;
	v2 =	vld [tilespmem:s29+$0x420]  }
0x2c5: {  	v3 =	vld [tilespmem:s25+$0x420];
	_ =	sdelay $0x4  }
0x2c6: {  	v2 =	vadd.f32 v3, v2;
	_ =	sdelay $0x1  }
0x2c7: {  	[tilespmem:s29+$0x420] =	vst v2;
	v2 =	vld [tilespmem:s29+$0x430]  }
0x2c8: {  	v3 =	vld [tilespmem:s25+$0x430];
	_ =	sdelay $0x4  }
0x2c9: {  	v2 =	vadd.f32 v3, v2;
	_ =	sdelay $0x1  }
0x2ca: {  	[tilespmem:s29+$0x430] =	vst v2;
	v2 =	vld [tilespmem:s29+$0x440]  }
0x2cb: {  	v3 =	vld [tilespmem:s25+$0x440];
	_ =	sdelay $0x4  }
0x2cc: {  	v2 =	vadd.f32 v3, v2;
	_ =	sdelay $0x1  }
0x2cd: {  	[tilespmem:s29+$0x440] =	vst v2;
	v2 =	vld [tilespmem:s29+$0x450]  }
0x2ce: {  	v3 =	vld [tilespmem:s25+$0x450];
	_ =	sdelay $0x4  }
0x2cf: {  	v2 =	vadd.f32 v3, v2;
	_ =	sdelay $0x1  }
0x2d0: {  	[tilespmem:s29+$0x450] =	vst v2;
	v2 =	vld [tilespmem:s29+$0x460]  }
0x2d1: {  	v3 =	vld [tilespmem:s25+$0x460];
	_ =	sdelay $0x4  }
0x2d2: {  	v2 =	vadd.f32 v3, v2;
	_ =	sdelay $0x1  }
0x2d3: {  	[tilespmem:s29+$0x460] =	vst v2;
	v2 =	vld [tilespmem:s29+$0x470]  }
0x2d4: {  	v3 =	vld [tilespmem:s25+$0x470];
	_ =	sdelay $0x4  }
0x2d5: {  	v2 =	vadd.f32 v3, v2;
	_ =	sdelay $0x1  }
0x2d6: {  	[tilespmem:s29+$0x470] =	vst v2;
	v2 =	vld [tilespmem:s29+$0x800]  }
0x2d7: {  	v3 =	vld [tilespmem:s25+$0x800];
	_ =	sdelay $0x4  }
0x2d8: {  	v2 =	vadd.f32 v3, v2;
	_ =	sdelay $0x1  }
0x2d9: {  	[tilespmem:s29+$0x800] =	vst v2;
	v2 =	vld [tilespmem:s29+$0x810]  }
0x2da: {  	v3 =	vld [tilespmem:s25+$0x810];
	_ =	sdelay $0x4  }
0x2db: {  	v2 =	vadd.f32 v3, v2;
	_ =	sdelay $0x1  }
0x2dc: {  	[tilespmem:s29+$0x810] =	vst v2;
	v2 =	vld [tilespmem:s29+$0x820]  }
0x2dd: {  	v3 =	vld [tilespmem:s25+$0x820];
	_ =	sdelay $0x4  }
0x2de: {  	v2 =	vadd.f32 v3, v2;
	_ =	sdelay $0x1  }
0x2df: {  	[tilespmem:s29+$0x820] =	vst v2;
	v2 =	vld [tilespmem:s29+$0x830]  }
0x2e0: {  	v3 =	vld [tilespmem:s25+$0x830];
	_ =	sdelay $0x4  }
0x2e1: {  	v2 =	vadd.f32 v3, v2;
	_ =	sdelay $0x1  }
0x2e2: {  	[tilespmem:s29+$0x830] =	vst v2;
	v2 =	vld [tilespmem:s29+$0x840]  }
0x2e3: {  	v3 =	vld [tilespmem:s25+$0x840];
	_ =	sdelay $0x4  }
0x2e4: {  	v2 =	vadd.f32 v3, v2;
	_ =	sdelay $0x1  }
0x2e5: {  	[tilespmem:s29+$0x840] =	vst v2;
	v2 =	vld [tilespmem:s29+$0x850]  }
0x2e6: {  	v3 =	vld [tilespmem:s25+$0x850];
	_ =	sdelay $0x4  }
0x2e7: {  	v2 =	vadd.f32 v3, v2;
	_ =	sdelay $0x1  }
0x2e8: {  	[tilespmem:s29+$0x850] =	vst v2;
	v2 =	vld [tilespmem:s29+$0x860]  }
0x2e9: {  	v3 =	vld [tilespmem:s25+$0x860];
	_ =	sdelay $0x4  }
0x2ea: {  	v2 =	vadd.f32 v3, v2;
	_ =	sdelay $0x1  }
0x2eb: {  	[tilespmem:s29+$0x860] =	vst v2;
	v2 =	vld [tilespmem:s29+$0x870]  }
0x2ec: {  	v3 =	vld [tilespmem:s25+$0x870];
	_ =	sdelay $0x4  }
0x2ed: {  	v2 =	vadd.f32 v3, v2;
	_ =	sdelay $0x1  }
0x2ee: {  	[tilespmem:s29+$0x870] =	vst v2;
	v2 =	vld [tilespmem:s29+$0xC00]  }
0x2ef: {  	v3 =	vld [tilespmem:s25+$0xC00];
	_ =	sdelay $0x4  }
0x2f0: {  	v2 =	vadd.f32 v3, v2;
	_ =	sdelay $0x1  }
0x2f1: {  	[tilespmem:s29+$0xC00] =	vst v2;
	v2 =	vld [tilespmem:s29+$0xC10]  }
0x2f2: {  	v3 =	vld [tilespmem:s25+$0xC10];
	_ =	sdelay $0x4  }
0x2f3: {  	v2 =	vadd.f32 v3, v2;
	_ =	sdelay $0x1  }
0x2f4: {  	[tilespmem:s29+$0xC10] =	vst v2;
	v2 =	vld [tilespmem:s29+$0xC20]  }
0x2f5: {  	v3 =	vld [tilespmem:s25+$0xC20];
	_ =	sdelay $0x4  }
0x2f6: {  	v2 =	vadd.f32 v3, v2;
	_ =	sdelay $0x1  }
0x2f7: {  	[tilespmem:s29+$0xC20] =	vst v2;
	v2 =	vld [tilespmem:s29+$0xC30]  }
0x2f8: {  	v3 =	vld [tilespmem:s25+$0xC30];
	_ =	sdelay $0x4  }
0x2f9: {  	v2 =	vadd.f32 v3, v2;
	_ =	sdelay $0x1  }
0x2fa: {  	[tilespmem:s29+$0xC30] =	vst v2;
	v2 =	vld [tilespmem:s29+$0xC40]  }
0x2fb: {  	v3 =	vld [tilespmem:s25+$0xC40];
	_ =	sdelay $0x4  }
0x2fc: {  	v2 =	vadd.f32 v3, v2;
	_ =	sdelay $0x1  }
0x2fd: {  	[tilespmem:s29+$0xC40] =	vst v2;
	v2 =	vld [tilespmem:s29+$0xC50]  }
0x2fe: {  	v3 =	vld [tilespmem:s25+$0xC50];
	_ =	sdelay $0x4  }
0x2ff: {  	v2 =	vadd.f32 v3, v2;
	_ =	sdelay $0x1  }
0x300: {  	[tilespmem:s29+$0xC50] =	vst v2;
	v2 =	vld [tilespmem:s29+$0xC60]  }
0x301: {  	v3 =	vld [tilespmem:s25+$0xC60];
	_ =	sdelay $0x4  }
0x302: {  	v2 =	vadd.f32 v3, v2;
	_ =	sdelay $0x1  }
0x303: {  	[tilespmem:s29+$0xC60] =	vst v2;
	v2 =	vld [tilespmem:s29+$0xC70]  }
0x304: {  	v3 =	vld [tilespmem:s25+$0xC70];
	_ =	sdelay $0x4  }
0x305: {  	v2 =	vadd.f32 v3, v2;
	_ =	sdelay $0x1  }
0x306: {  	[tilespmem:s29+$0xC70] =	vst v2;
	v2 =	vld [tilespmem:s29+$0x1000]  }
0x307: {  	v3 =	vld [tilespmem:s25+$0x1000];
	_ =	sdelay $0x4  }
0x308: {  	v2 =	vadd.f32 v3, v2;
	_ =	sdelay $0x1  }
0x309: {  	[tilespmem:s29+$0x1000] =	vst v2;
	v2 =	vld [tilespmem:s29+$0x1010]  }
0x30a: {  	v3 =	vld [tilespmem:s25+$0x1010];
	_ =	sdelay $0x4  }
0x30b: {  	v2 =	vadd.f32 v3, v2;
	_ =	sdelay $0x1  }
0x30c: {  	[tilespmem:s29+$0x1010] =	vst v2;
	v2 =	vld [tilespmem:s29+$0x1020]  }
0x30d: {  	v3 =	vld [tilespmem:s25+$0x1020];
	_ =	sdelay $0x4  }
0x30e: {  	v2 =	vadd.f32 v3, v2;
	_ =	sdelay $0x1  }
0x30f: {  	[tilespmem:s29+$0x1020] =	vst v2;
	v2 =	vld [tilespmem:s29+$0x1030]  }
0x310: {  	v3 =	vld [tilespmem:s25+$0x1030];
	_ =	sdelay $0x4  }
0x311: {  	v2 =	vadd.f32 v3, v2;
	_ =	sdelay $0x1  }
0x312: {  	[tilespmem:s29+$0x1030] =	vst v2;
	v2 =	vld [tilespmem:s29+$0x1040]  }
0x313: {  	v3 =	vld [tilespmem:s25+$0x1040];
	_ =	sdelay $0x4  }
0x314: {  	v2 =	vadd.f32 v3, v2;
	_ =	sdelay $0x1  }
0x315: {  	[tilespmem:s29+$0x1040] =	vst v2;
	v2 =	vld [tilespmem:s29+$0x1050]  }
0x316: {  	v3 =	vld [tilespmem:s25+$0x1050];
	_ =	sdelay $0x4  }
0x317: {  	v2 =	vadd.f32 v3, v2;
	_ =	sdelay $0x1  }
0x318: {  	[tilespmem:s29+$0x1050] =	vst v2;
	v2 =	vld [tilespmem:s29+$0x1060]  }
0x319: {  	v3 =	vld [tilespmem:s25+$0x1060];
	_ =	sdelay $0x4  }
0x31a: {  	v2 =	vadd.f32 v3, v2;
	_ =	sdelay $0x1  }
0x31b: {  	[tilespmem:s29+$0x1060] =	vst v2;
	v2 =	vld [tilespmem:s29+$0x1070]  }
0x31c: {  	v3 =	vld [tilespmem:s25+$0x1070];
	_ =	sdelay $0x4  }
0x31d: {  	v2 =	vadd.f32 v3, v2;
	_ =	sdelay $0x1  }
0x31e: {  	[tilespmem:s29+$0x1070] =	vst v2;
	v2 =	vld [tilespmem:s29+$0x1400]  }
0x31f: {  	v3 =	vld [tilespmem:s25+$0x1400];
	_ =	sdelay $0x4  }
0x320: {  	v2 =	vadd.f32 v3, v2;
	_ =	sdelay $0x1  }
0x321: {  	[tilespmem:s29+$0x1400] =	vst v2;
	v2 =	vld [tilespmem:s29+$0x1410]  }
0x322: {  	v3 =	vld [tilespmem:s25+$0x1410];
	_ =	sdelay $0x4  }
0x323: {  	v2 =	vadd.f32 v3, v2;
	_ =	sdelay $0x1  }
0x324: {  	[tilespmem:s29+$0x1410] =	vst v2;
	v2 =	vld [tilespmem:s29+$0x1420]  }
0x325: {  	v3 =	vld [tilespmem:s25+$0x1420];
	_ =	sdelay $0x4  }
0x326: {  	v2 =	vadd.f32 v3, v2;
	_ =	sdelay $0x1  }
0x327: {  	[tilespmem:s29+$0x1420] =	vst v2;
	v2 =	vld [tilespmem:s29+$0x1430]  }
0x328: {  	v3 =	vld [tilespmem:s25+$0x1430];
	_ =	sdelay $0x4  }
0x329: {  	v2 =	vadd.f32 v3, v2;
	_ =	sdelay $0x1  }
0x32a: {  	[tilespmem:s29+$0x1430] =	vst v2;
	v2 =	vld [tilespmem:s29+$0x1440]  }
0x32b: {  	v3 =	vld [tilespmem:s25+$0x1440];
	_ =	sdelay $0x4  }
0x32c: {  	v2 =	vadd.f32 v3, v2;
	_ =	sdelay $0x1  }
0x32d: {  	[tilespmem:s29+$0x1440] =	vst v2;
	v2 =	vld [tilespmem:s29+$0x1450]  }
0x32e: {  	v3 =	vld [tilespmem:s25+$0x1450];
	_ =	sdelay $0x4  }
0x32f: {  	v2 =	vadd.f32 v3, v2;
	_ =	sdelay $0x1  }
0x330: {  	[tilespmem:s29+$0x1450] =	vst v2;
	v2 =	vld [tilespmem:s29+$0x1460]  }
0x331: {  	v3 =	vld [tilespmem:s25+$0x1460];
	_ =	sdelay $0x1  }
0x332: {  	s18 =	smul.u32 $0x2001, s31;
	_ =	sdelay $0x1  }
0x333: {  	s2 =	sshll.u32 s2, $0x5;
	s17 =	sadd.s32 s18, s14  }
0x334: {  	s2 =	sadd.s32 s2, s17;
	v2 =	vadd.f32 v3, v2  }
0x335: {  	v3 =	vadd.s32 s2, v0  }
0x336: {  	v9 =	vshrl.u32 v3, $0x3;
	[tilespmem:s29+$0x1460] =	vst v2;
	v2 =	vld [tilespmem:s29+$0x1470]  }
0x337: {  	v9 =	vmul.u32 $0x30, v9;
	v14 =	vld [tilespmem:s25+$0x1470]  }
0x338: {  	v15 =	vand.u32 $0x7, v3  }
0x339: {  	v9 =	vor.u32 v15, v9  }
0x33a: {  	v15 =	vperm.xlane v9, v4;
	_ =	sdelay $0x1  }
0x33b: {  	v2 =	vadd.f32 v14, v2;
	v14 =	vadd.s32 v7, v15;
	_ =	sdelay $0x1  }
0x33c: {  	s26 =	sshll.u32 s24, $0x7;
	s2 =	sadd.s32 $0x10, s2;
	[tilespmem:s29+$0x1470] =	vst v2  }
0x33d: {  	v2 =	vadd.s32 s2, v0;
	[tilespmem:s26+$0x18100] =	vst v3  }
0x33e: {  	s2 =	sadd.s32 $0x3, s24;
	[tilespmem:s26+$0x18110] =	vst v2;
	v2 =	vperm.xlane v9, v5  }
0x33f: {  	[hbm4b:s6+s4] =	stream.indirect_vreg.scatter [tilespmem:s5], [sflag:s2], $0x80, v14, vm0, $0xb8;
	[tilespmem:$0x1E280] =	vst v63  }
0x340: {  	s28 =	sadd.s32 $0x800, s5;
	v2 =	vadd.s32 v7, v2  }
0x341: {  	[hbm4b:s11+s4] =	stream.indirect_vreg.scatter [tilespmem:s28], [sflag:s2], $0x80, v14, vm0, $0xb8;
	[tilespmem:$0x1E280] =	vst v63  }
0x342: {  	s29 =	sadd.s32 $0x1000, s5  }
0x343: {  	[hbm4b:s12+s4] =	stream.indirect_vreg.scatter [tilespmem:s29], [sflag:s2], $0x80, v14, vm0, $0xb8;
	[tilespmem:$0x1E280] =	vst v63  }
0x344: {  	s30 =	sadd.s32 $0x1800, s5  }
0x345: {  	[hbm4b:s6+s4] =	stream.indirect_vreg.scatter [tilespmem:s30], [sflag:s2], $0x80, v2, vm0, $0xb8;
	[tilespmem:$0x1E280] =	vst v63  }
0x346: {  	s31 =	sadd.s32 $0x2000, s5  }
0x347: {  	[hbm4b:s11+s4] =	stream.indirect_vreg.scatter [tilespmem:s31], [sflag:s2], $0x80, v2, vm0, $0xb8;
	[tilespmem:$0x1E280] =	vst v63  }
0x348: {  	s24 =	sadd.s32 $0x2800, s5  }
0x349: {  	[hbm4b:s12+s4] =	stream.indirect_vreg.scatter [tilespmem:s24], [sflag:s2], $0x80, v2, vm0, $0xb8;
	[tilespmem:$0x1E280] =	vst v63  }
0x34a: {  	v2 =	vld [tilespmem:s26+$0x18110];
	_ =	sdelay $0x4  }
0x34b: {  	v3 =	vshrl.u32 v2, $0x3  }
0x34c: {  	v3 =	vmul.u32 $0x30, v3  }
0x34d: {  	v2 =	vand.u32 $0x7, v2  }
0x34e: {  	v2 =	vor.u32 v2, v3  }
0x34f: {  	v3 =	vperm.xlane v2, v4;
	_ =	sdelay $0x1  }
0x350: {  	v3 =	vadd.s32 v7, v3;
	_ =	sdelay $0x3  }
0x351: {  	s25 =	sadd.s32 $0x3000, s5;
	v2 =	vperm.xlane v2, v5  }
0x352: {  	[hbm4b:s6+s4] =	stream.indirect_vreg.scatter [tilespmem:s25], [sflag:s2], $0x80, v3, vm0, $0xb8;
	[tilespmem:$0x1E280] =	vst v63  }
0x353: {  	s26 =	sadd.s32 $0x3800, s5;
	v2 =	vadd.s32 v7, v2  }
0x354: {  	[hbm4b:s11+s4] =	stream.indirect_vreg.scatter [tilespmem:s26], [sflag:s2], $0x80, v3, vm0, $0xb8;
	[tilespmem:$0x1E280] =	vst v63  }
0x355: {  	s28 =	sadd.s32 $0x4000, s5  }
0x356: {  	[hbm4b:s12+s4] =	stream.indirect_vreg.scatter [tilespmem:s28], [sflag:s2], $0x80, v3, vm0, $0xb8;
	[tilespmem:$0x1E280] =	vst v63  }
0x357: {  	p1 =	sne.s32 s0, $0x20;
	s29 =	sadd.s32 $0x4800, s5  }
0x358: {  	[hbm4b:s6+s4] =	stream.indirect_vreg.scatter [tilespmem:s29], [sflag:s2], $0x80, v2, vm0, $0xb8;
	[tilespmem:$0x1E280] =	vst v63  }
.Ltmp6:
0x359: {  	_ = 	snop;
	(pc) =	sbr.rel @p1 .LBB2_6-.Ltmp6, $4  }
0x35a: {  	s30 =	sadd.s32 $0x5000, s5  }
0x35b: {  	[hbm4b:s11+s4] =	stream.indirect_vreg.scatter [tilespmem:s30], [sflag:s2], $0x80, v2, vm0, $0xb8;
	[tilespmem:$0x1E280] =	vst v63  }
0x35c: {  	s31 =	sadd.s32 $0x5800, s5;
	s5 =	smov.u32 s0  }
0x35d: {  	[hbm4b:s12+s4] =	stream.indirect_vreg.scatter [tilespmem:s31], [sflag:s2], $0x80, v2, vm0, $0xb8;
	[tilespmem:$0x1E280] =	vst v63  }
0x35e: {  	_ =	swait.ge [sflag:s20], $0x6000  }
0x35f: {  	[sflag:s20] =	ssyncset.done $0x0  }
0x360: {  	s22 =	sadd.s32 $0x1, s22;
	[sflag:s20] =	ssyncadd.s32 $0xFFFFA000  }
0x361: {  	p1 =	sne.s32 s22, s16;
	_ =	swait.ge [sflag:s21], $0x6000  }
.Ltmp7:
0x362: {  	[sflag:s21] =	ssyncset.done $0x0;
	(pc) =	sbr.rel @p1 .LBB2_1-.Ltmp7, $4  }
0x363: {  	s0 =	simm.s32 @!p0 $0x7;
	[sflag:s21] =	ssyncadd.s32 $0xFFFFA000  }
0x364: {  	_ =	swait.ge @!p0 [sflag:s0], $0x3000  }
0x365: {  	[sflag:s0] =	ssyncset.done @!p0 $0x0  }
0x366: {  	[sflag:s0] =	ssyncadd.s32 @!p0 $0xFFFFD000  }
0x367: {  	_ =	sfence.sel $0x180000  }
0x368: {  	[bflag:$0x0] =	sbarrier.arrive $0xFFFF  }
0x369: {  	_ =	strace $0x90000047  }
0x36a: {  	s0 =	stileid.u32;
	[bflag:$0x2] =	sbarrier.arrive $0xFFFF  }
0x36b: {  	p0 =	sne.s32 s0, $0x0;
	s0 =	rddreg [dreg:$0x4]  }
0x36c: {  	s0 =	sadd.s32 @!p0 $0x100000, s0  }
0x36d: {  	[sflag:s0] =	ssyncadd.tile.s32 @!p0 $0x1;
	_ =	shalt  }
.Lfunc_end2:
_tile_overlayer_lowered:
.L_overlay_start_2:
0x36e: {  	(tag) =	ssettag $0x2  }
0x36f: {  	s0 =	rddreg [dreg:$0x0];
	s2 =	stileid.u32  }
0x370: {  	s1 =	rddreg [dreg:$0x1];
	p0 =	sne.s32 s2, $0x0  }
0x371: {  	s3 =	rddreg [dreg:$0x2];
	[bflag:$0x3] =	sbarrier.arrive $0xFFFF;
	s2 =	simm.s32 @!p0 $0x1C08  }
0x372: {  	[timem:s3], [sflag:s2] =	dma.local @!p0 [hbm:s0], s1  }
0x373: {  	s0 =	simm.s32 @!p0 $0x8  }
0x374: {  	_ =	swait.ge @!p0 [sflag:s0], s1  }
0x375: {  	s1 =	ssub.s32 @!p0 $0x0, s1;
	[sflag:s0] =	ssyncset.done @!p0 $0x0  }
0x376: {  	[sflag:s0] =	ssyncadd.s32 @!p0 s1  }
0x377: {  	[bflag:$0x3] =	sbarrier.arrive $0xFFFF  }
0x378: {  	_ =	shalt  }

// kernel: sparse-core-data-format-call.cloned.1.call-start
scs
called_computation_lowered:
.L_overlay_start_0:
0x0: {  	s2 =	sld [smem:$0x3FD9]  }
0x1: {  	s3 =	sld [smem:$0x3FFE];
	_ =	sdelay $0x1  }
0x2: {  	s1 =	srdreg.scid  }
0x3: {  	s0 =	sand.u32 $0x1, s1  }
0x4: {  	s18 =	sshll.u32 s0, $0xA;
	s2 =	sadd.s32 s3, s2  }
0x5: {  	s2 =	sadd.s32 s2, s18  }
0x6: {  	[smem:$0x3FC5] =	sst s2  }
0x7: {  	_ = 	snop  }
0x8: {  	s2 =	sld [smem:$0x3FD0];
	(tm) =	ssettm $0x1  }
0x9: {  	s19 =	sld [smem:$0x3FFB];
	_ =	sdelay $0x3  }
0xa: {  	_ =	strace s19  }
0xb: {  	s3 =	sld [smem:$0x3FFC];
	_ =	sdelay $0x3  }
0xc: {  	_ =	strace s3  }
0xd: {  	s3 =	sld [smem:$0x3FFD];
	_ =	sdelay $0x3  }
0xe: {  	_ =	strace s3  }
0xf: {  	_ =	strace $0x8FFFFFFF  }
0x10: {  	s20 =	sld [smem:$0x3FDB];
	_ =	sdelay $0x1  }
0x11: {  	s4 =	simm.s32 $_scs_section_size  }
0x12: {  	s5 =	simm.s32 $_size__tile_overlayer_lowered;
	s6 =	simm.s32 $_tile_overlayer_lowered  }
0x13: {  	s23 =	simm.s32 $0x1BFF;
	s22 =	sshll.u32 s6, $0x1;
	s3 =	sadd.s32 s4, s20  }
0x14: {  	s7 =	simm.s32 $0x0;
	s21 =	sshll.u32 s5, $0x1;
	s5 =	sadd.s32 s22, s3  }
0x15: {  	[timem:s7], [sflag:s23] =	dma.local [hbm:s5], s21  }
0x16: {  	_ =	swait.ge [sflag:s23], s21  }
0x17: {  	s4 =	ssub.s32 $0x0, s21;
	[sflag:s23] =	ssyncset.done $0x0  }
0x18: {  	[sflag:s23] =	ssyncadd.s32 s4;
	_ =	sdelay $0x1  }
0x19: {  	s24 =	simm.s32 $0x1B8B  }
0x1a: {  	_ =	swait.ge [sflag:s24], $0x1  }
0x1b: {  	[sflag:s24] =	ssyncset.done $0x0  }
0x1c: {  	s26 =	simm.s32 $0x1B8E;
	s25 =	sld [smem:$0x3FFE];
	[sflag:s24] =	ssyncadd.s32 $0xFFFFFFFF  }
0x1d: {  	s27 =	simm.s32 $execute0_lowered;
	[smem:$0x3FD2] =	sst s26  }
0x1e: {  	s5 =	sshll.u32 s27, $0x1;
	_ =	strace $0x80000049;
	[dreg:$0x1] =	wrdreg $0xFFFFFFFF  }
0x1f: {  	s28 =	simm.s32 $_size_execute0_lowered;
	s3 =	sadd.s32 s3, s5;
	[dreg:$0x0] =	wrdreg $0x0  }
0x20: {  	s5 =	sshll.u32 s28, $0x1;
	[dreg:$0x2] =	wrdreg s3  }
0x21: {  	[dreg:$0x3] =	wrdreg s5  }
0x22: {  	[dreg:$0x4] =	wrdreg $0xC0  }
0x23: {  	_ =	task [dreg:s7], $0x5FFFF  }
0x24: {  	[dreg:$0x1] =	wrdreg $0xFFFFFFFF  }
0x25: {  	[dreg:$0x0] =	wrdreg $0x60  }
0x26: {  	[dreg:$0x2] =	wrdreg s25  }
0x27: {  	[dreg:$0x3] =	wrdreg s2  }
0x28: {  	[dreg:$0x4] =	wrdreg $0x9  }
0x29: {  	_ =	task.clear_ibuf [dreg:s7], $0x5FFFF;
	_ =	strace $0x90000049  }
0x2a: {  	s29 =	simm.s32 $0x9;
	_ =	strace $0x8000004B  }
0x2b: {  	_ =	swait.ge [sflag:s29], $0x1  }
0x2c: {  	[sflag:s29] =	ssyncadd.s32 $0xFFFFFFFF  }
0x2d: {  	_ =	strace $0x9000004B  }
0x2e: {  	_ =	sfence  }
0x2f: {  	s30 =	sld [smem:$0x0];
	_ =	sdelay $0x2  }
0x30: {  	s31 =	sshll.u32 s1, $0xD;
	s1 =	sshrl.u32 s1, $0x2  }
0x31: {  	s3 =	sand.u32 $0x4000, s31;
	s1 =	sadd.s32 s1, s30  }
0x32: {  	s0 =	sor.u32 s3, s0;
	s1 =	sshll.u32 s1, $0x11  }
0x33: {  	s0 =	sor.u32 s1, s0  }
0x34: {  	s0 =	sadd.s32 $0x8F2B, s0  }
0x35: {  	[sflag:s0] =	ssyncadd.remote.s32 $0x1  }
0x36: {  	_ =	sfence.sel $0xFFFF  }
0x37: {  	[dreg:$0x0] =	wrdreg $0xFFFFFFFF;
	(pc) =	sbr.abs _section_cstart, $3  }
0x38: {  	[dreg:$0x1] =	wrdreg $0xFFFFFFFF  }
0x39: {  	_ =	task.clear_ibuf [dreg:s7], $0x2FFFF;
	_ =	strace $0x9FFFFFFF  }
0x3a: {  	(tm) =	ssettm $0x7FFFFFFF  }
0x3b: {  	_ =	shalt  }
tec
execute0_lowered:
.L_overlay_start_1:
0x0: {  	(tag) =	ssettag $0x1  }
0x1: {  	s0 =	srdreg.scid  }
0x2: {  	s3 =	stileid.u32;
	s1 =	rddreg [dreg:$0x0];
	s0 =	sshll.u32 s0, $0x4  }
0x3: {  	_ =	strace $0x8000004A;
	s28 =	simm.s32 $0x1;
	s0 =	sand.u32 $0x10, s0  }
0x4: {  	s29 =	simm.s32 $0x2;
	s7 =	simm.s32 $0x0;
	s0 =	sor.u32 s3, s0  }
0x5: {  	s18 =	simm.s32 $0x0;
	s20 =	simm.s32 $0x0;
	s2 =	sshll.u32 s0, $0x5  }
0x6: {  	s19 =	simm.s32 $0x0;
	s12 =	simm.s32 $0x0;
	s10 =	sand.u32 $0x380, s2  }
0x7: {  	s13 =	simm.s32 $0x0;
	s15 =	simm.s32 $0x0;
	s2 =	ssub.s32 $0x300, s10  }
0x8: {  	s14 =	simm.s32 $0x0;
	s8 =	sadd.s32 $0x300C00, s1;
	p0 =	sgt.s32 s2, $0x0  }
0x9: {  	s11 =	sand.u32 $0x3, s3;
	[dreg:$0x3] =	wrdreg s8;
	s2 =	simm.s32 @!p0 $0x0  }
0xa: {  	[dreg:$0x4] =	wrdreg s11;
	s31 =	smax.u32 s10, $0x280;
	s30 =	sand.u32 $0x380, s2  }
.Ltmp0:
0xb: {  	s22 =	sshll.u32 s10, $0x3;
	p0 =	seq.s32 s30, $0x0;
	(pc) =	sbr.rel .LBB1_1-.Ltmp0, $4  }
0xc: {  	s21 =	ssub.s32 $0x300, s31;
	s7 =	simm.s32 @!p0 $0x41;
	p0 =	sgt.u32 s0, $0x17  }
0xd: {  	s17 =	simm.s32 $0x0;
	[dreg:$0x6] =	wrdreg s22;
	s21 =	simm.s32 @p0 $0x0  }
0xe: {  	[sflag:s28] =	ssyncpa.u1 $0x0;
	s23 =	sadd.s32 $0x1, s7;
	[dreg:$0x5] =	wrdreg s21  }
0xf: {  	[sflag:s29] =	ssyncpa.u1 $0x0;
	s16 =	smov.u32 s11;
	[dreg:$0x7] =	wrdreg s23  }
.LBB1_14:
0x10: {  	s0 =	sshrl.u32 s15, $0x2  }
0x11: {  	s1 =	sshll.u32 s12, $0x2;
	s2 =	sshll.u32 s15, $0x7;
	s0 =	smul.u32 $0xC00, s0  }
0x12: {  	p0 =	sgt.s32 s13, $0x1F81;
	s4 =	smul.u32 $0x180, s13;
	s5 =	rddreg [dreg:$0x1]  }
0x13: {  	s30 =	sor.u32 $0x8000, s23;
	s28 =	sand.u32 $0x180, s2;
	s0 =	sadd.s32 s0, s1  }
0x14: {  	s10 =	smov.u32 s8;
	s2 =	smov.u32 s13;
	s0 =	sor.u32 s28, s0  }
0x15: {  	s8 =	rddreg [dreg:$0x3];
	s2 =	simm.s32 @!p0 $0x1F81;
	s1 =	smulhi.u32 $0xAAAAAAAB, s0  }
0x16: {  	s31 =	simm.s32 $0xC00;
	s11 =	rddreg [dreg:$0x4];
	s2 =	sadd.s32 s21, s2  }
0x17: {  	s23 =	rddreg [dreg:$0x7];
	s3 =	sadd.s32 $0xFFFFE07F, s2;
	s1 =	sshrl.u32 s1, $0x9  }
0x18: {  	s2 =	ssub.s32 $0x2001, s2;
	p0 =	sgt.s32 s3, $0x7F;
	s29 =	smul.u32 $0x300, s1  }
0x19: {  	s4 =	sadd.s32 s5, s4;
	s21 =	rddreg [dreg:$0x5];
	s2 =	simm.s32 @p0 $0x0  }
0x1a: {  	s2 =	smul.u32 s2, s22;
	s1 =	sand.u32 $0x3, s1;
	s0 =	ssub.s32 s0, s29  }
0x1b: {  	s1 =	smul.u32 $0x60, s1;
	s3 =	sshrl.u32 s0, $0x3;
	s0 =	sand.u32 $0x4, s0  }
0x1c: {  	s22 =	rddreg [dreg:$0x6];
	s3 =	sadd.s32 s3, s4;
	s0 =	sshll.u32 s0, $0x12  }
0x1d: {  	s2 =	sand.u32 $0x3FFFFFFF, s2;
	s1 =	sadd.s32 s1, s3;
	s0 =	sor.u32 $0x80, s0  }
0x1e: {  	[hbm4b:s1+s0] =	stream.strided.scatter [tilespmem:s30], [sflag:$0x2], s2, s31, s0, $0x38;
	[tilespmem:$0x10000] =	vst v63  }
.LBB1_15:
0x1f: {  	p0 =	slt.u32 s17, $0x2  }
0x20: {  	p1 =	sgt.s32 @!p0 s20, $0x1F81  }
0x21: {  	s0 =	smov.u32 s20;
	s2 =	smov.u32 s19;
	p1 =	por !p1, p0  }
0x22: {  	s1 =	sshra.s32 @!p0 s20, $0x1F;
	s0 =	simm.s32 @p1 $0x1F81;
	p1 =	sgt.s32 @!p0 s19, $0x3  }
0x23: {  	s3 =	sshra.s32 @!p0 s19, $0x1F;
	s1 =	sand.u32 @!p0 s1, s20;
	p1 =	por !p1, p0  }
0x24: {  	s0 =	ssub.s32 @!p0 s0, s1;
	s1 =	sand.u32 @!p0 s3, s19;
	s2 =	simm.s32 @p1 $0x3  }
0x25: {  	p2 =	sgt.s32 @!p0 s18, $0x2FF;
	p1 =	sgt.s32 @!p0 s18, $0x280;
	s1 =	ssub.s32 @!p0 s2, s1  }
0x26: {  	p2 =	por !p2, p0;
	p1 =	por !p1, p0;
	s2 =	sadd.s32 @!p0 $0xFFFFFFFD, s1  }
0x27: {  	s3 =	sadd.s32 @!p0 $0xFFFFE07F, s0;
	s18 =	simm.s32 @p1 $0x280;
	p1 =	sgt.s32 @!p0 s2, $0x0  }
0x28: {  	s1 =	ssub.s32 @!p0 $0x4, s1;
	s2 =	ssub.s32 @!p0 $0x300, s18;
	p1 =	por !p1, p0  }
0x29: {  	s2 =	simm.s32 @!p2 $0x0;
	s1 =	simm.s32 @!p1 $0x0;
	p1 =	sgt.s32 @!p0 s3, $0x7F  }
0x2a: {  	s0 =	ssub.s32 @!p0 $0x2001, s0;
	p1 =	por !p1, p0;
	s1 =	smul.u32 @!p0 s1, s2  }
0x2b: {  	s0 =	simm.s32 @!p1 $0x0  }
0x2c: {  	s0 =	smul.u32 @!p0 s0, s1;
	s1 =	sadd.s32 $0x80, s14  }
0x2d: {  	s4 =	smov.u32 s16;
	s3 =	sadd.s32 $0x4, s16;
	p1 =	sgt.s32 s1, $0x2000  }
0x2e: {  	s4 =	smov.u32 @p1 s3  }
0x2f: {  	s31 =	sadd.s32 $0x1, s17;
	s1 =	simm.s32 @p1 $0x0;
	p1 =	sgt.s32 s4, $0x3  }
0x30: {  	s20 =	smov.u32 s13;
	s4 =	smov.u32 @p1 s11;
	p1 =	sne.s32 s17, s23  }
.Ltmp1:
0x31: {  	s13 =	smov.u32 s14;
	s19 =	smov.u32 s15;
	(pc) =	sbr.rel @!p1 .LBB1_16-.Ltmp1, $4  }
0x32: {  	s15 =	smov.u32 s16;
	s2 =	simm.s32 @!p0 $0x2;
	s0 =	sand.u32 @!p0 $0x3FFFFFFF, s0  }
0x33: {  	s18 =	smov.u32 s12;
	s12 =	smov.u32 s10;
	_ =	swait.ge @!p0 [sflag:s2], s0  }
0x34: {  	s0 =	ssub.s32 @!p0 $0x0, s0;
	s14 =	smov.u32 s1;
	[sflag:s2] =	ssyncset.done @!p0 $0x0  }
0x35: {  	s17 =	smov.u32 s31;
	[sflag:s2] =	ssyncadd.s32 @!p0 s0;
	s16 =	smov.u32 s4  }
.LBB1_1:
0x36: {  	p0 =	sge.u32 s17, s7;
	s2 =	smov.u32 s16  }
0x37: {  	s0 =	sshrl.u32 @!p0 s14, $0x3;
	s1 =	sshll.u32 @!p0 s14, $0x7;
	p1 =	sgt.s32 @!p0 s16, $0x3  }
0x38: {  	s4 =	sshra.s32 @!p0 s16, $0x1F;
	s9 =	sshra.s32 @!p0 s14, $0x1F;
	s0 =	smul.u32 @!p0 $0x1800, s0  }
0x39: {  	s1 =	sand.u32 @!p0 $0x380, s1;
	p1 =	por !p1, p0;
	s4 =	sand.u32 @!p0 s4, s16  }
0x3a: {  	s9 =	sand.u32 @!p0 s9, s14;
	s2 =	simm.s32 @p1 $0x3;
	s0 =	sadd.s32 @!p0 s22, s0  }
0x3b: {  	p1 =	sgt.s32 @!p0 s14, $0x1F88;
	s2 =	ssub.s32 @!p0 s2, s4;
	s0 =	sor.u32 @!p0 s1, s0  }
0x3c: {  	p1 =	por !p1, p0;
	s4 =	smov.u32 s14;
	s1 =	smulhi.u32 @!p0 $0xAAAAAAAB, s0  }
0x3d: {  	s6 =	sadd.s32 @!p0 $0xFFFFFFFD, s2;
	s4 =	simm.s32 @p1 $0x1F88;
	s2 =	ssub.s32 @!p0 $0x4, s2  }
0x3e: {  	p1 =	sgt.s32 @!p0 s6, $0x0;
	s4 =	ssub.s32 @!p0 s4, s9;
	s1 =	sshrl.u32 @!p0 s1, $0x9  }
0x3f: {  	p1 =	por !p1, p0;
	s9 =	sadd.s32 @!p0 $0xFFFFE078, s4;
	s5 =	smul.u32 @!p0 $0x300, s1  }
0x40: {  	s2 =	simm.s32 @!p1 $0x0;
	p1 =	sgt.s32 @!p0 s9, $0x7F;
	s6 =	smulhi.u32 @!p0 $0xFFC01, s1  }
0x41: {  	s4 =	ssub.s32 @!p0 $0x2008, s4;
	p1 =	por !p1, p0;
	s2 =	smul.u32 @!p0 s21, s2  }
0x42: {  	s6 =	sshrl.u32 @!p0 s6, $0x1;
	s0 =	ssub.s32 @!p0 s0, s5;
	s5 =	smul.u32 @!p0 $0xC0300, s16  }
0x43: {  	s4 =	simm.s32 @!p1 $0x0;
	s6 =	smul.u32 @!p0 $0x2008, s6  }
0x44: {  	s31 =	sadd.s32 $0xFFFFFFFF, s17;
	s2 =	smul.u32 @!p0 s4, s2  }
0x45: {  	s9 =	sxor.u32 @!p0 $0xFFFFFFFF, s17;
	s0 =	sshrl.u32 @!p0 s0, $0x3;
	s1 =	ssub.s32 @!p0 s1, s6  }
0x46: {  	s4 =	sadd.s32 @!p0 s8, s5;
	s2 =	sand.u32 @!p0 $0x3FFFFF80, s2;
	s1 =	smul.u32 @!p0 $0x60, s1  }
0x47: {  	s6 =	sshll.u32 @!p0 s9, $0xE;
	s0 =	sadd.s32 @!p0 s0, s4;
	s4 =	simm.s32 @!p0 $0x1800  }
0x48: {  	s5 =	sand.u32 @!p0 $0x4000, s6;
	s0 =	sadd.s32 @!p0 s1, s0;
	s1 =	simm.s32 @!p0 $0x400  }
0x49: {  	[tilespmem:s5], [sflag:$0x1] =	stream.strided.gather @!p0 [hbm4b:s0+s1], s2, s4, s1, $0x38;
	[tilespmem:$0x10000] =	vst v63  }
0x4a: {  	p0 =	sge.u32 s31, s7  }
.Ltmp2:
0x4b: {  	_ = 	snop;
	(pc) =	sbr.rel @p0 .LBB1_15-.Ltmp2, $1  }
0x4c: {  	_ =	sdelay $0x3  }
0x4d: {  	p0 =	sgt.s32 s15, $0x3  }
0x4e: {  	s0 =	smov.u32 s15;
	s1 =	sshra.s32 s15, $0x1F;
	s27 =	ssub.s32 $0x0, s13  }
0x4f: {  	s2 =	sshra.s32 s13, $0x1F;
	s0 =	simm.s32 @!p0 $0x3;
	s1 =	sand.u32 s1, s15  }
0x50: {  	p1 =	sgt.s32 s13, $0x1F88;
	s4 =	smov.u32 s13;
	s0 =	ssub.s32 s0, s1  }
0x51: {  	s21 =	sand.u32 s27, s2;
	s4 =	simm.s32 @!p1 $0x1F88;
	s1 =	sadd.s32 $0xFFFFFFFD, s0  }
0x52: {  	p1 =	sgt.s32 s12, $0x280;
	p0 =	sgt.s32 s1, $0x0;
	s1 =	smov.u32 s12  }
0x53: {  	s2 =	sadd.s32 s21, s4;
	s0 =	ssub.s32 $0x4, s0;
	s1 =	simm.s32 @!p1 $0x280  }
0x54: {  	s4 =	sadd.s32 $0xFFFFE078, s2;
	p1 =	sgt.u32 s12, $0x2FF;
	s1 =	ssub.s32 $0x300, s1  }
0x55: {  	s2 =	ssub.s32 $0x2008, s2;
	s0 =	simm.s32 @p0 $0x0;
	s1 =	simm.s32 @p1 $0x0  }
0x56: {  	p0 =	sgt.s32 s4, $0x7F;
	s22 =	smul.u32 s0, s1;
	s0 =	sadd.s32 $0x1, s15  }
0x57: {  	s2 =	simm.s32 @p0 $0x0;
	s1 =	sadd.s32 $0x80, s13;
	p0 =	slt.s32 s0, $0x4  }
0x58: {  	s0 =	simm.s32 @!p0 $0x4;
	p0 =	slt.s32 s1, $0x2001  }
0x59: {  	s24 =	ssub.s32 s0, s15;
	s1 =	simm.s32 @!p0 $0x2001  }
0x5a: {  	s25 =	ssub.s32 s1, s13;
	p0 =	slt.s32 s24, $0x1  }
0x5b: {  	p1 =	slt.s32 @!p0 s25, $0x1  }
0x5c: {  	s2 =	smul.u32 s2, s22;
	p1 =	por p0, p1  }
.Ltmp3:
0x5d: {  	_ = 	snop;
	(pc) =	sbr.rel @p1 .LBB1_14-.Ltmp3, $4  }
0x5e: {  	s30 =	simm.s32 $0x1;
	s28 =	sand.u32 $0x3FFFFFFF, s2  }
0x5f: {  	_ =	swait.ge [sflag:s30], s28  }
0x60: {  	s31 =	sshll.u32 s17, $0xE;
	s29 =	ssub.s32 $0x0, s28;
	[sflag:s30] =	ssyncset.done $0x0  }
0x61: {  	s8 =	smov.u32 s10;
	s23 =	sand.u32 $0x4000, s31;
	[sflag:s30] =	ssyncadd.s32 s29  }
0x62: {  	p1 =	slt.s32 s12, $0x280;
	s0 =	smov.u32 s12  }
.Ltmp4:
0x63: {  	s0 =	simm.s32 @!p1 $0x280;
	(pc) =	sbr.rel .LBB1_4-.Ltmp4, $4  }
0x64: {  	s0 =	ssub.s32 s0, s12  }
0x65: {  	s28 =	sor.u32 @!p0 $0x8000, s23;
	s26 =	sadd.s32 $0x80, s0  }
0x66: {  	s30 =	simm.s32 $0x0;
	s1 =	sshll.u32 s26, $0x3;
	s27 =	sand.u32 @!p0 $0xFFFFFF00, s26  }
0x67: {  	p0 =	slt.s32 s0, $0x80;
	s29 =	sand.u32 $0xFFFFF800, s1;
	p1 =	sgt.s32 s27, s0  }
.LBB1_13:
0x68: {  	s30 =	sadd.s32 $0x1, s30  }
0x69: {  	p2 =	sne.s32 s30, s24  }
.Ltmp5:
0x6a: {  	_ = 	snop;
	(pc) =	sbr.rel @!p2 .LBB1_14-.Ltmp5, $1  }
0x6b: {  	_ =	sdelay $0x3  }
.LBB1_4:
.Ltmp6:
0x6c: {  	(pc) =	sbr.rel .LBB1_5-.Ltmp6, $4  }
0x6d: {  	_ = 	snop  }
0x6e: {  	s0 =	sshll.u32 s30, $0x10;
	s1 =	sshll.u32 s30, $0x7;
	s2 =	simm.s32 $0x400  }
0x6f: {  	s11 =	simm.s32 $0x0;
	s0 =	sshra.s32 s0, $0x2;
	s1 =	sand.u32 $0x180, s1  }
0x70: {  	s31 =	sadd.s32 s0, s23;
	s1 =	sadd.s32 s1, s28;
	s0 =	sand.u32 $0x3, s30  }
.LBB1_12:
0x71: {  	s11 =	sadd.s32 $0x1, s11  }
0x72: {  	p2 =	sne.s32 s11, s25  }
.Ltmp7:
0x73: {  	_ = 	snop;
	(pc) =	sbr.rel @!p2 .LBB1_13-.Ltmp7, $2  }
0x74: {  	_ =	sdelay $0x2  }
0x75: {  	s2 =	sadd.s32 $0x80, s2  }
.LBB1_5:
.Ltmp8:
0x76: {  	(pc) =	sbr.rel @p0 .LBB1_9-.Ltmp8, $2  }
0x77: {  	_ =	sdelay $0x2  }
0x78: {  	s5 =	sshll.u32 s11, $0x7  }
0x79: {  	s4 =	sand.u32 $0x380, s5  }
0x7a: {  	s6 =	sadd.s32 s4, s31  }
0x7b: {  	v0 =	vmov s6;
	_ =	sdelay $0x3  }
0x7c: {  	s9 =	sand.u32 $0x3C00, s2  }
0x7d: {  	v7 =	vld.idx.msk [tilespmem:v0+s9+$0x70 ss:$0x1], $0xffff  }
0x7e: {  	p2 =	sgt.s32 s27, $0x100;
	v6 =	vld.idx.msk [tilespmem:v0+s9+$0x0 ss:$0x1], $0xffff  }
.Ltmp9:
0x7f: {  	v1 =	vld.idx.msk [tilespmem:v0+s9+$0x10 ss:$0x1], $0xffff;
	(pc) =	sbr.rel @!p2 .LBB1_8-.Ltmp9, $4  }
0x80: {  	v2 =	vld.idx.msk [tilespmem:v0+s9+$0x20 ss:$0x1], $0xffff  }
0x81: {  	v3 =	vld.idx.msk [tilespmem:v0+s9+$0x30 ss:$0x1], $0xffff  }
0x82: {  	s4 =	sadd.s32 s5, s1;
	v4 =	vld.idx.msk [tilespmem:v0+s9+$0x40 ss:$0x1], $0xffff  }
0x83: {  	s10 =	simm.s32 $0x100;
	s6 =	sadd.s32 $0x800, s2;
	v5 =	vld.idx.msk [tilespmem:v0+s9+$0x50 ss:$0x1], $0xffff;
	[tilespmem:s4+$0x70] =	vst v7  }
.LBB1_7:
0x84: {  	s10 =	sadd.s32 $0x100, s10;
	[tilespmem:s4+$0x0] =	vst v6;
	v7 =	vld.idx.msk [tilespmem:v0+s9+$0x60 ss:$0x1], $0xffff;
	s9 =	sand.u32 $0x3C00, s6  }
0x85: {  	v8 =	vld.idx.msk [tilespmem:v0+s9+$0x70 ss:$0x1], $0xffff;
	p2 =	slt.s32 s10, s27;
	[tilespmem:s4+$0x10] =	vst v1  }
0x86: {  	v6 =	vld.idx.msk [tilespmem:v0+s9+$0x0 ss:$0x1], $0xffff;
	[tilespmem:s4+$0x20] =	vst v2  }
.Ltmp10:
0x87: {  	v1 =	vld.idx.msk [tilespmem:v0+s9+$0x10 ss:$0x1], $0xffff;
	[tilespmem:s4+$0x30] =	vst v3;
	(pc) =	sbr.rel @p2 .LBB1_7-.Ltmp10, $4  }
0x88: {  	v2 =	vld.idx.msk [tilespmem:v0+s9+$0x20 ss:$0x1], $0xffff;
	[tilespmem:s4+$0x40] =	vst v4  }
0x89: {  	v3 =	vld.idx.msk [tilespmem:v0+s9+$0x30 ss:$0x1], $0xffff;
	[tilespmem:s4+$0x50] =	vst v5  }
0x8a: {  	v4 =	vld.idx.msk [tilespmem:v0+s9+$0x40 ss:$0x1], $0xffff;
	[tilespmem:s4+$0x60] =	vst v7  }
0x8b: {  	s6 =	sadd.s32 $0x800, s6;
	v5 =	vld.idx.msk [tilespmem:v0+s9+$0x50 ss:$0x1], $0xffff;
	[tilespmem:s4+$0x70] =	vst v8  }
.LBB1_8:
0x8c: {  	_ =	sdelay $0x2  }
0x8d: {  	[tilespmem:s4+$0x0] =	vst v6  }
0x8e: {  	v0 =	vld.idx.msk [tilespmem:v0+s9+$0x60 ss:$0x1], $0xffff;
	[tilespmem:s4+$0x10] =	vst v1  }
0x8f: {  	[tilespmem:s4+$0x20] =	vst v2  }
0x90: {  	[tilespmem:s4+$0x30] =	vst v3  }
0x91: {  	[tilespmem:s4+$0x40] =	vst v4  }
0x92: {  	[tilespmem:s4+$0x50] =	vst v5  }
0x93: {  	[tilespmem:s4+$0x60] =	vst v0  }
.LBB1_9:
.Ltmp11:
0x94: {  	(pc) =	sbr.rel @p1 .LBB1_12-.Ltmp11, $1  }
0x95: {  	_ =	sdelay $0x3  }
0x96: {  	s4 =	sadd.s32 s0, s11  }
0x97: {  	s4 =	sshll.u32 s4, $0x9  }
0x98: {  	s4 =	sshra.s32 s4, $0x2  }
0x99: {  	s6 =	sand.u32 $0x380, s5;
	s9 =	sadd.s32 s4, s28  }
0x9a: {  	s4 =	sadd.s32 s6, s31;
	s6 =	smov.u32 s29;
	v0 =	vmov s9;
	s9 =	smov.u32 s27  }
.LBB1_11:
0x9b: {  	s10 =	sand.u32 $0x3C00, s6  }
0x9c: {  	s10 =	sadd.s32 s5, s10  }
0x9d: {  	s10 =	sand.u32 $0x3C00, s10  }
0x9e: {  	s3 =	sand.u32 $0x70, s9;
	s10 =	sadd.s32 s10, s4  }
0x9f: {  	s9 =	sadd.s32 $0x10, s9;
	s10 =	sadd.s32 s3, s10  }
0xa0: {  	p2 =	slt.s32 s9, s26;
	v1 =	vld [tilespmem:s10+$0x0]  }
.Ltmp12:
0xa1: {  	_ = 	snop;
	(pc) =	sbr.rel @p2 .LBB1_11-.Ltmp12, $2  }
0xa2: {  	_ =	sdelay $0x2  }
0xa3: {  	s6 =	sadd.s32 $0x80, s6;
	[tilespmem:v0+s3+$0x0 ss:$0x1] =	vst.idx.msk $0xffff, v1  }
.Ltmp13:
0xa4: {  	_ = 	snop;
	(pc) =	sbr.rel .LBB1_12-.Ltmp13, $1  }
0xa5: {  	_ =	sdelay $0x3  }
.LBB1_16:
0xa6: {  	_ =	sfence.sel $0x180000  }
0xa7: {  	s0 =	simm.s32 $0x1;
	[bflag:$0x0] =	sbarrier.arrive $0xFFFF  }
0xa8: {  	s30 =	simm.s32 $0x2;
	[sflag:s0] =	ssyncpa.u1 $0x1  }
0xa9: {  	[sflag:s30] =	ssyncpa.u1 $0x1  }
0xaa: {  	_ =	strace $0x9000004A  }
0xab: {  	s31 =	stileid.u32;
	[bflag:$0x2] =	sbarrier.arrive $0xFFFF  }
0xac: {  	p0 =	sne.s32 s31, $0x0;
	s0 =	rddreg [dreg:$0x2]  }
0xad: {  	s0 =	sadd.s32 @!p0 $0x100000, s0  }
0xae: {  	[sflag:s0] =	ssyncadd.tile.s32 @!p0 $0x1;
	_ =	shalt  }
.Lfunc_end1:
_tile_overlayer_lowered:
.L_overlay_start_2:
0xaf: {  	(tag) =	ssettag $0x2  }
0xb0: {  	s0 =	rddreg [dreg:$0x0];
	s2 =	stileid.u32  }
0xb1: {  	s1 =	rddreg [dreg:$0x1];
	p0 =	sne.s32 s2, $0x0  }
0xb2: {  	s3 =	rddreg [dreg:$0x2];
	[bflag:$0x3] =	sbarrier.arrive $0xFFFF;
	s2 =	simm.s32 @!p0 $0x1C01  }
0xb3: {  	[timem:s3], [sflag:s2] =	dma.local @!p0 [hbm:s0], s1  }
0xb4: {  	s0 =	simm.s32 @!p0 $0x1  }
0xb5: {  	_ =	swait.ge @!p0 [sflag:s0], s1  }
0xb6: {  	s1 =	ssub.s32 @!p0 $0x0, s1;
	[sflag:s0] =	ssyncset.done @!p0 $0x0  }
0xb7: {  	[sflag:s0] =	ssyncadd.s32 @!p0 s1  }
0xb8: {  	[bflag:$0x3] =	sbarrier.arrive $0xFFFF  }
0xb9: {  	_ =	shalt  }

</sc_bundles>
